<compile_context>
chip_gen: v7x
topology: tpu7x:2x2x1
jax: 0.10.2.dev20260603
libtpu: 0.0.44.dev20260713+nightly
codegen_flags: <defaults>
</compile_context>

<pallas_src>
import functools

import jax
import jax.numpy as jnp
from jax import lax
from jax.experimental import pallas as pl
from jax.experimental.pallas import tpu as pltpu
from jax.experimental.pallas import tpu_sc as plsc

N = 10000
E = 320000
D = 128
EPS = 1e-5

NC = 2
NS = 16
NW = NC * NS
EPW = E // NW
CHUNK = 104
NCF = EPW // CHUNK
TAIL = EPW - NCF * CHUNK
ROWS_A = 624
REM = N - NS * ROWS_A
DEGW = 16


@functools.cache
def _make_deg_kernel():
    return functools.partial(
        pl.kernel,
        mesh=plsc.VectorSubcoreMesh(core_axis_name="c", subcore_axis_name="s"),
        compiler_params=pltpu.CompilerParams(use_tc_tiling_on_sc=False),
        out_type=jax.ShapeDtypeStruct((NC, N, DEGW), jnp.float32),
        scratch_types=[
            pltpu.VMEM((EPW,), jnp.int32),
            pltpu.VMEM((CHUNK, DEGW), jnp.float32),
            pltpu.VMEM((ROWS_A, DEGW), jnp.float32),
            pltpu.VMEM_SHARED((N, DEGW), jnp.float32),
        ],
    )(_deg_body)


def _deg_body(adj_hbm, out_hbm, dstidx_v, ones_v, zero_v, deg_sh):
    c = lax.axis_index("c")
    s = lax.axis_index("s")
    w = c * NS + s

    def fill(i, carry):
        ones_v[i, pl.ds(0, 16)] = jnp.ones((16,), jnp.float32)
        return carry

    lax.fori_loop(0, CHUNK, fill, 0)

    def zrow(i, carry):
        zero_v[i, pl.ds(0, 16)] = jnp.zeros((16,), jnp.float32)
        return carry

    lax.fori_loop(0, ROWS_A, zrow, 0)
    pltpu.sync_copy(zero_v, deg_sh.at[pl.ds(s * ROWS_A, ROWS_A)])

    @pl.when(s == 0)
    def _():
        pltpu.sync_copy(zero_v.at[pl.ds(0, REM)],
                        deg_sh.at[pl.ds(NS * ROWS_A, REM)])

    pltpu.sync_copy(adj_hbm.at[1].at[pl.ds(w * EPW, EPW)], dstidx_v)
    plsc.subcore_barrier()

    def body(j, carry):
        pltpu.sync_copy(ones_v,
                        deg_sh.at[dstidx_v.at[pl.ds(j * CHUNK, CHUNK)]],
                        add=True)
        return carry

    lax.fori_loop(0, NCF, body, 0)
    pltpu.sync_copy(ones_v.at[pl.ds(0, TAIL)],
                    deg_sh.at[dstidx_v.at[pl.ds(NCF * CHUNK, TAIL)]],
                    add=True)
    plsc.subcore_barrier()
    pltpu.sync_copy(deg_sh.at[pl.ds(s * ROWS_A, ROWS_A)],
                    out_hbm.at[c].at[pl.ds(s * ROWS_A, ROWS_A)])

    @pl.when(s == 0)
    def _():
        pltpu.sync_copy(deg_sh.at[pl.ds(NS * ROWS_A, REM)],
                        out_hbm.at[c].at[pl.ds(NS * ROWS_A, REM)])


@functools.cache
def _make_edge_kernel():
    return functools.partial(
        pl.kernel,
        mesh=plsc.VectorSubcoreMesh(core_axis_name="c", subcore_axis_name="s"),
        compiler_params=pltpu.CompilerParams(use_tc_tiling_on_sc=False),
        out_type=jax.ShapeDtypeStruct((NC, N, D), jnp.float32),
        scratch_types=[
            pltpu.VMEM((EPW,), jnp.int32),
            pltpu.VMEM((EPW,), jnp.int32),
            pltpu.VMEM((CHUNK, D), jnp.float32),
            pltpu.VMEM((CHUNK, D), jnp.float32),
            pltpu.VMEM_SHARED((N, D), jnp.float32),
            pltpu.SemaphoreType.DMA,
            pltpu.SemaphoreType.DMA,
        ],
    )(_edge_body)


NB = 2


def _edge_body(h2_hbm, adj_hbm, out_hbm,
               srcidx_v, dstidx_v, r0, r1, acc_sh, g0, g1):
    bufs = (r0, r1)
    gsems = (g0, g1)
    c = lax.axis_index("c")
    s = lax.axis_index("s")
    w = c * NS + s

    pltpu.async_copy(adj_hbm.at[0].at[pl.ds(w * EPW, EPW)], srcidx_v, gsems[0])
    pltpu.async_copy(adj_hbm.at[1].at[pl.ds(w * EPW, EPW)], dstidx_v, gsems[1])

    def zrow(i, carry):
        for j in range(D // 16):
            r1[i, pl.ds(j * 16, 16)] = jnp.zeros((16,), jnp.float32)
        return carry

    lax.fori_loop(0, 96, zrow, 0)

    def zacc(k, carry):
        pltpu.sync_copy(r1.at[pl.ds(0, 96)],
                        acc_sh.at[pl.ds(s * ROWS_A + k * 96, 96)])
        return carry

    lax.fori_loop(0, 6, zacc, 0)
    pltpu.sync_copy(r1.at[pl.ds(0, 48)],
                    acc_sh.at[pl.ds(s * ROWS_A + 576, 48)])

    @pl.when(s == 0)
    def _():
        pltpu.sync_copy(r1.at[pl.ds(0, REM)],
                        acc_sh.at[pl.ds(NS * ROWS_A, REM)])

    pltpu.make_async_copy(adj_hbm.at[0].at[pl.ds(w * EPW, EPW)], srcidx_v,
                          gsems[0]).wait()
    pltpu.make_async_copy(adj_hbm.at[1].at[pl.ds(w * EPW, EPW)], dstidx_v,
                          gsems[1]).wait()
    plsc.subcore_barrier()

    def sidx(j):
        return srcidx_v.at[pl.ds(j * CHUNK, CHUNK)]

    def didx(j):
        return dstidx_v.at[pl.ds(j * CHUNK, CHUNK)]

    for b in range(NB):
        pltpu.async_copy(h2_hbm.at[sidx(b)], bufs[b], gsems[b])

    def body(g, carry):
        for b in range(NB):
            j = g * NB + b
            pltpu.make_async_copy(h2_hbm.at[sidx(j)], bufs[b],
                                  gsems[b]).wait()
            pltpu.sync_copy(bufs[b], acc_sh.at[didx(j)], add=True)

            @pl.when(j + NB < NCF)
            def _():
                pltpu.async_copy(h2_hbm.at[sidx(j + NB)], bufs[b], gsems[b])
        return carry

    lax.fori_loop(0, NCF // NB, body, 0)
    pltpu.async_copy(h2_hbm.at[srcidx_v.at[pl.ds(NCF * CHUNK, TAIL)]],
                     bufs[0].at[pl.ds(0, TAIL)], gsems[0])
    pltpu.make_async_copy(h2_hbm.at[srcidx_v.at[pl.ds(NCF * CHUNK, TAIL)]],
                          bufs[0].at[pl.ds(0, TAIL)], gsems[0]).wait()
    pltpu.sync_copy(bufs[0].at[pl.ds(0, TAIL)],
                    acc_sh.at[dstidx_v.at[pl.ds(NCF * CHUNK, TAIL)]],
                    add=True)
    plsc.subcore_barrier()
    pltpu.sync_copy(acc_sh.at[pl.ds(s * ROWS_A, ROWS_A)],
                    out_hbm.at[c].at[pl.ds(s * ROWS_A, ROWS_A)])

    @pl.when(s == 0)
    def _():
        pltpu.sync_copy(acc_sh.at[pl.ds(NS * ROWS_A, REM)],
                        out_hbm.at[c].at[pl.ds(NS * ROWS_A, REM)])



def _t0_body(x_ref, w_ref, degp_ref, h2_ref):
    deg = degp_ref[0][:, :1] + degp_ref[1][:, :1] + 1.0
    dinv = lax.rsqrt(jnp.maximum(deg, 1.0))
    h = jnp.dot(x_ref[...], w_ref[...], preferred_element_type=jnp.float32)
    h2_ref[...] = h * dinv


def _mid_body(accp_ref, h2p_ref, degp_ref, b_ref, g_ref, be_ref,
              w_ref, hact_ref, h2_ref):
    deg = degp_ref[0][:, :1] + degp_ref[1][:, :1] + 1.0
    dinv = lax.rsqrt(jnp.maximum(deg, 1.0))
    t = (accp_ref[0] + accp_ref[1] + h2p_ref[...]) * dinv + b_ref[...]
    mean = jnp.mean(t, axis=0, keepdims=True)
    var = jnp.mean((t - mean) ** 2, axis=0, keepdims=True)
    hact = jnp.maximum((t - mean) * lax.rsqrt(var + EPS) * g_ref[...]
                       + be_ref[...], 0.0)
    hact_ref[...] = hact
    h2_ref[...] = jnp.dot(hact, w_ref[...],
                          preferred_element_type=jnp.float32) * dinv


def _fin_body(accp_ref, h2p_ref, degp_ref, b_ref, g_ref, be_ref,
              hact1_ref, hact2_ref, wo_ref, bo_ref, out_ref):
    deg = degp_ref[0][:, :1] + degp_ref[1][:, :1] + 1.0
    dinv = lax.rsqrt(jnp.maximum(deg, 1.0))
    t = (accp_ref[0] + accp_ref[1] + h2p_ref[...]) * dinv + b_ref[...]
    mean = jnp.mean(t, axis=0, keepdims=True)
    var = jnp.mean((t - mean) ** 2, axis=0, keepdims=True)
    hact3 = jnp.maximum((t - mean) * lax.rsqrt(var + EPS) * g_ref[...]
                        + be_ref[...], 0.0)
    hj = jnp.maximum(jnp.maximum(hact1_ref[...], hact2_ref[...]), hact3)
    o = jnp.dot(hj, wo_ref[...], preferred_element_type=jnp.float32) + bo_ref[...]
    m = jnp.max(o, axis=1, keepdims=True)
    sh = o - m
    lse = jnp.log(jnp.sum(jnp.exp(sh), axis=1, keepdims=True))
    out_ref[...] = sh - lse


_t0_call = pl.pallas_call(
    _t0_body,
    out_shape=jax.ShapeDtypeStruct((N, D), jnp.float32),
)

_mid_call = pl.pallas_call(
    _mid_body,
    out_shape=[jax.ShapeDtypeStruct((N, D), jnp.float32),
               jax.ShapeDtypeStruct((N, D), jnp.float32)],
)

_fin_call = pl.pallas_call(
    _fin_body,
    out_shape=jax.ShapeDtypeStruct((N, D), jnp.float32),
)


def kernel(x, adj_m, W0, b0, g0, be0, W1, b1, g1, be1, W2, b2, g2, be2, Wo, bo):
    degp = _make_deg_kernel()(adj_m)
    h2 = _t0_call(x, W0, degp)

    hacts = []
    for (b, g, be, Wn) in ((b0, g0, be0, W1), (b1, g1, be1, W2)):
        accp = _make_edge_kernel()(h2, adj_m)
        hact, h2 = _mid_call(accp, h2, degp, b, g, be, Wn)
        hacts.append(hact)

    accp = _make_edge_kernel()(h2, adj_m)
    return _fin_call(accp, h2, degp, b2, g2, be2, hacts[0], hacts[1], Wo, bo)

# --- scband reference (transcript-rebuilt; emitter-appended) ---
"""Pipeline reference for scband-jknet-5050881540195 (READ-ONLY COPY).

The authoritative reference and input builder live on the scoring server;
editing this copy changes nothing except your own understanding.
"""

import jax, jax.numpy as jnp
import numpy as np

N = 10000
E = 320000
D_IN = 128
H = 128
D_OUT = 128
NUM_LAYERS = 3
EPS = 1e-5


def _gcn_conv(x, W, b, src, dst, n):
    # PyG-style GCNConv: linear transform, add self-loops, symmetric normalization, scatter-add
    h = x @ W
    loop = jnp.arange(n, dtype=src.dtype)
    src2 = jnp.concatenate([src, loop])
    dst2 = jnp.concatenate([dst, loop])
    deg = jnp.zeros((n,), dtype=h.dtype).at[dst2].add(1.0)
    dinv = jax.lax.rsqrt(jnp.maximum(deg, 1.0))
    norm = dinv[src2] * dinv[dst2]
    msg = h[src2] * norm[:, None]
    out = jnp.zeros((n, h.shape[1]), dtype=h.dtype).at[dst2].add(msg)
    return out + b


def _bn(h, g, b):
    # BatchNorm1d in training mode: batch statistics over nodes
    mean = jnp.mean(h, axis=0)
    var = jnp.var(h, axis=0)
    return (h - mean) * jax.lax.rsqrt(var + EPS) * g + b


def setup_inputs(seed: int = 0):
    key = jax.random.key(seed)
    ks = jax.random.split(key, 4 + NUM_LAYERS)
    inp = {}
    inp["x"] = jax.random.normal(ks[0], (N, D_IN), dtype=jnp.float32)
    inp["adj_m"] = jax.random.randint(ks[1], (2, E), 0, N, dtype=jnp.int32)
    dims = [D_IN] + [H] * NUM_LAYERS
    for i in range(NUM_LAYERS):
        inp[f"W{i}"] = jax.random.normal(ks[2 + i], (dims[i], H), dtype=jnp.float32) / np.sqrt(dims[i])
        inp[f"b{i}"] = jnp.zeros((H,), dtype=jnp.float32)
        inp[f"g{i}"] = jnp.ones((H,), dtype=jnp.float32)
        inp[f"be{i}"] = jnp.zeros((H,), dtype=jnp.float32)
    inp["Wo"] = jax.random.normal(ks[2 + NUM_LAYERS], (H, D_OUT), dtype=jnp.float32) / np.sqrt(H)
    inp["bo"] = jnp.zeros((D_OUT,), dtype=jnp.float32)
    return inp


def reference(x, adj_m, W0, b0, g0, be0, W1, b1, g1, be1, W2, b2, g2, be2, Wo, bo):
    src = adj_m[0]
    dst = adj_m[1]
    params = [(W0, b0, g0, be0), (W1, b1, g1, be1), (W2, b2, g2, be2)]
    h = x
    lst = []
    for (W, b, g, be) in params:
        h = _gcn_conv(h, W, b, src, dst, N)
        h = _bn(h, g, be)
        h = jax.nn.relu(h)
        # dropout_rate = 0.0 -> identity
        lst.append(h)
    # JumpingKnowledge mode='max': elementwise max over layer outputs
    hj = lst[0]
    for t in lst[1:]:
        hj = jnp.maximum(hj, t)
    out = hj @ Wo + bo
    return jax.nn.log_softmax(out, axis=-1)

if __name__ == "__main__":
    import jax
    _d = setup_inputs()
    print(jax.jit(kernel)(*tuple(_d.values())))

</pallas_src>

<mosaic_0001>
#map = affine_map<(d0, d1) -> (0, 0)>
#map1 = affine_map<(d0, d1) -> (0, 0, 0)>
module attributes {stable_mosaic.version = 14 : i64} {
  func.func @_edge_body(%arg0: i32, %arg1: i32, %arg2: memref<10000x128xf32, #tpu.memory_space<hbm>>, %arg3: memref<2x320000xi32, #tpu.memory_space<hbm>>, %arg4: memref<2x10000x128xf32, #tpu.memory_space<hbm>>, %arg5: memref<10000xi32, #tpu.memory_space<vmem>>, %arg6: memref<10000xi32, #tpu.memory_space<vmem>>, %arg7: memref<104x128xf32, #tpu.memory_space<vmem>>, %arg8: memref<104x128xf32, #tpu.memory_space<vmem>>, %arg9: memref<10000x128xf32, #tpu.memory_space<vmem_shared>>, %arg10: memref<!tpu.dma_semaphore, #tpu.memory_space<semaphore_mem>>, %arg11: memref<!tpu.dma_semaphore, #tpu.memory_space<semaphore_mem>>) attributes {dimension_semantics = [#tpu.dimension_semantics<core_parallel>, #tpu.dimension_semantics<subcore_parallel>], iteration_bounds = array<i64: 2, 16>, scalar_prefetch = 0 : i64, scratch_operands = 7 : i64, tpu.core_type = #tpu.core_type<sc_vector_subcore>, window_params = [{transform_indices = #map}, {transform_indices = #map}, {transform_indices = #map1}]} {
    %mul3A = arith.constant 16 : i32
    %mul3A_0 = arith.muli %arg0, %mul3A : i32
    %add3A = arith.addi %mul3A_0, %arg1 : i32
    %mul3A_1 = arith.constant 10000 : i32
    %mul3A_2 = arith.muli %add3A, %mul3A_1 : i32
    %dma_start3A = arith.constant 0 : i32
    %dma_start3A_3 = arith.constant 0 : i32
    %dma_start3A_4 = tpu.memref_slice %arg3[%dma_start3A, %dma_start3A_3] : memref<2x320000xi32, #tpu.memory_space<hbm>> -> memref<1x320000xi32, #tpu.memory_space<hbm>>
    %dma_start3A_5 = tpu.memref_squeeze %dma_start3A_4 : memref<1x320000xi32, #tpu.memory_space<hbm>> -> memref<320000xi32, #tpu.memory_space<hbm>>
    %dma_start3A_6 = tpu.memref_slice %dma_start3A_5[%mul3A_2] : memref<320000xi32, #tpu.memory_space<hbm>> -> memref<10000xi32, #tpu.memory_space<hbm>>
    %dma_start3A_7 = arith.constant 0 : i32
    %dma_start3A_8 = tpu.memref_slice %arg3[%dma_start3A, %dma_start3A_7] : memref<2x320000xi32, #tpu.memory_space<hbm>> -> memref<1x320000xi32, #tpu.memory_space<hbm>>
    %dma_start3A_9 = tpu.memref_squeeze %dma_start3A_8 : memref<1x320000xi32, #tpu.memory_space<hbm>> -> memref<320000xi32, #tpu.memory_space<hbm>>
    %dma_start3A_10 = tpu.memref_slice %dma_start3A_9[%mul3A_2] : memref<320000xi32, #tpu.memory_space<hbm>> -> memref<10000xi32, #tpu.memory_space<hbm>>
    tpu.enqueue_dma source(%dma_start3A_10 : memref<10000xi32, #tpu.memory_space<hbm>>) target(%arg5 : memref<10000xi32, #tpu.memory_space<vmem>>) target_semaphore(%arg10 : memref<!tpu.dma_semaphore, #tpu.memory_space<semaphore_mem>>)
    %mul3A_11 = arith.constant 10000 : i32
    %mul3A_12 = arith.muli %add3A, %mul3A_11 : i32
    %dma_start3A_13 = arith.constant 1 : i32
    %dma_start3A_14 = arith.constant 0 : i32
    %dma_start3A_15 = tpu.memref_slice %arg3[%dma_start3A_13, %dma_start3A_14] : memref<2x320000xi32, #tpu.memory_space<hbm>> -> memref<1x320000xi32, #tpu.memory_space<hbm>>
    %dma_start3A_16 = tpu.memref_squeeze %dma_start3A_15 : memref<1x320000xi32, #tpu.memory_space<hbm>> -> memref<320000xi32, #tpu.memory_space<hbm>>
    %dma_start3A_17 = tpu.memref_slice %dma_start3A_16[%mul3A_12] : memref<320000xi32, #tpu.memory_space<hbm>> -> memref<10000xi32, #tpu.memory_space<hbm>>
    %dma_start3A_18 = arith.constant 0 : i32
    %dma_start3A_19 = tpu.memref_slice %arg3[%dma_start3A_13, %dma_start3A_18] : memref<2x320000xi32, #tpu.memory_space<hbm>> -> memref<1x320000xi32, #tpu.memory_space<hbm>>
    %dma_start3A_20 = tpu.memref_squeeze %dma_start3A_19 : memref<1x320000xi32, #tpu.memory_space<hbm>> -> memref<320000xi32, #tpu.memory_space<hbm>>
    %dma_start3A_21 = tpu.memref_slice %dma_start3A_20[%mul3A_12] : memref<320000xi32, #tpu.memory_space<hbm>> -> memref<10000xi32, #tpu.memory_space<hbm>>
    tpu.enqueue_dma source(%dma_start3A_21 : memref<10000xi32, #tpu.memory_space<hbm>>) target(%arg6 : memref<10000xi32, #tpu.memory_space<vmem>>) target_semaphore(%arg11 : memref<!tpu.dma_semaphore, #tpu.memory_space<semaphore_mem>>)
    %scan3A = arith.constant 0 : i32
    %scan3A_22 = arith.constant 0 : i32
    %scan3A_23 = arith.constant 96 : i32
    %scan3A_24 = arith.addi %scan3A_22, %scan3A_23 : i32
    %scan3A_25 = arith.constant 1 : i32
    scf.for %scan3A_102 = %scan3A_22 to %scan3A_24 step %scan3A_25  : i32 {
      %broadcast_in_dim3A = arith.constant 0.000000e+00 : f32
      %broadcast_in_dim3A_103 = vector.broadcast %broadcast_in_dim3A : f32 to vector<16xf32>
      %swap3A = arith.index_cast %scan3A_102 : i32 to index
      %swap3A_104 = arith.constant 0 : index
      %swap3A_105 = tpu.vector_load %arg8[%swap3A, %swap3A_104] {strides = array<i32>} : memref<104x128xf32, #tpu.memory_space<vmem>>, vector<1x16xf32>,
      %swap3A_106 = vector.shape_cast %swap3A_105 : vector<1x16xf32> to vector<16xf32>
      %swap3A_107 = vector.shape_cast %broadcast_in_dim3A_103 : vector<16xf32> to vector<1x16xf32>
      tpu.vector_store %arg8[%swap3A, %swap3A_104], %swap3A_107 {strides = array<i32>} : memref<104x128xf32, #tpu.memory_space<vmem>>, vector<1x16xf32>,
      %broadcast_in_dim3A_108 = arith.constant 0.000000e+00 : f32
      %broadcast_in_dim3A_109 = vector.broadcast %broadcast_in_dim3A_108 : f32 to vector<16xf32>
      %swap3A_110 = arith.index_cast %scan3A_102 : i32 to index
      %swap3A_111 = arith.constant 16 : index
      %swap3A_112 = tpu.vector_load %arg8[%swap3A_110, %swap3A_111] {strides = array<i32>} : memref<104x128xf32, #tpu.memory_space<vmem>>, vector<1x16xf32>,
      %swap3A_113 = vector.shape_cast %swap3A_112 : vector<1x16xf32> to vector<16xf32>
      %swap3A_114 = vector.shape_cast %broadcast_in_dim3A_109 : vector<16xf32> to vector<1x16xf32>
      tpu.vector_store %arg8[%swap3A_110, %swap3A_111], %swap3A_114 {strides = array<i32>} : memref<104x128xf32, #tpu.memory_space<vmem>>, vector<1x16xf32>,
      %broadcast_in_dim3A_115 = arith.constant 0.000000e+00 : f32
      %broadcast_in_dim3A_116 = vector.broadcast %broadcast_in_dim3A_115 : f32 to vector<16xf32>
      %swap3A_117 = arith.index_cast %scan3A_102 : i32 to index
      %swap3A_118 = arith.constant 32 : index
      %swap3A_119 = tpu.vector_load %arg8[%swap3A_117, %swap3A_118] {strides = array<i32>} : memref<104x128xf32, #tpu.memory_space<vmem>>, vector<1x16xf32>,
      %swap3A_120 = vector.shape_cast %swap3A_119 : vector<1x16xf32> to vector<16xf32>
      %swap3A_121 = vector.shape_cast %broadcast_in_dim3A_116 : vector<16xf32> to vector<1x16xf32>
      tpu.vector_store %arg8[%swap3A_117, %swap3A_118], %swap3A_121 {strides = array<i32>} : memref<104x128xf32, #tpu.memory_space<vmem>>, vector<1x16xf32>,
      %broadcast_in_dim3A_122 = arith.constant 0.000000e+00 : f32
      %broadcast_in_dim3A_123 = vector.broadcast %broadcast_in_dim3A_122 : f32 to vector<16xf32>
      %swap3A_124 = arith.index_cast %scan3A_102 : i32 to index
      %swap3A_125 = arith.constant 48 : index
      %swap3A_126 = tpu.vector_load %arg8[%swap3A_124, %swap3A_125] {strides = array<i32>} : memref<104x128xf32, #tpu.memory_space<vmem>>, vector<1x16xf32>,
      %swap3A_127 = vector.shape_cast %swap3A_126 : vector<1x16xf32> to vector<16xf32>
      %swap3A_128 = vector.shape_cast %broadcast_in_dim3A_123 : vector<16xf32> to vector<1x16xf32>
      tpu.vector_store %arg8[%swap3A_124, %swap3A_125], %swap3A_128 {strides = array<i32>} : memref<104x128xf32, #tpu.memory_space<vmem>>, vector<1x16xf32>,
      %broadcast_in_dim3A_129 = arith.constant 0.000000e+00 : f32
      %broadcast_in_dim3A_130 = vector.broadcast %broadcast_in_dim3A_129 : f32 to vector<16xf32>
      %swap3A_131 = arith.index_cast %scan3A_102 : i32 to index
      %swap3A_132 = arith.constant 64 : index
      %swap3A_133 = tpu.vector_load %arg8[%swap3A_131, %swap3A_132] {strides = array<i32>} : memref<104x128xf32, #tpu.memory_space<vmem>>, vector<1x16xf32>,
      %swap3A_134 = vector.shape_cast %swap3A_133 : vector<1x16xf32> to vector<16xf32>
      %swap3A_135 = vector.shape_cast %broadcast_in_dim3A_130 : vector<16xf32> to vector<1x16xf32>
      tpu.vector_store %arg8[%swap3A_131, %swap3A_132], %swap3A_135 {strides = array<i32>} : memref<104x128xf32, #tpu.memory_space<vmem>>, vector<1x16xf32>,
      %broadcast_in_dim3A_136 = arith.constant 0.000000e+00 : f32
      %broadcast_in_dim3A_137 = vector.broadcast %broadcast_in_dim3A_136 : f32 to vector<16xf32>
      %swap3A_138 = arith.index_cast %scan3A_102 : i32 to index
      %swap3A_139 = arith.constant 80 : index
      %swap3A_140 = tpu.vector_load %arg8[%swap3A_138, %swap3A_139] {strides = array<i32>} : memref<104x128xf32, #tpu.memory_space<vmem>>, vector<1x16xf32>,
      %swap3A_141 = vector.shape_cast %swap3A_140 : vector<1x16xf32> to vector<16xf32>
      %swap3A_142 = vector.shape_cast %broadcast_in_dim3A_137 : vector<16xf32> to vector<1x16xf32>
      tpu.vector_store %arg8[%swap3A_138, %swap3A_139], %swap3A_142 {strides = array<i32>} : memref<104x128xf32, #tpu.memory_space<vmem>>, vector<1x16xf32>,
      %broadcast_in_dim3A_143 = arith.constant 0.000000e+00 : f32
      %broadcast_in_dim3A_144 = vector.broadcast %broadcast_in_dim3A_143 : f32 to vector<16xf32>
      %swap3A_145 = arith.index_cast %scan3A_102 : i32 to index
      %swap3A_146 = arith.constant 96 : index
      %swap3A_147 = tpu.vector_load %arg8[%swap3A_145, %swap3A_146] {strides = array<i32>} : memref<104x128xf32, #tpu.memory_space<vmem>>, vector<1x16xf32>,
      %swap3A_148 = vector.shape_cast %swap3A_147 : vector<1x16xf32> to vector<16xf32>
      %swap3A_149 = vector.shape_cast %broadcast_in_dim3A_144 : vector<16xf32> to vector<1x16xf32>
      tpu.vector_store %arg8[%swap3A_145, %swap3A_146], %swap3A_149 {strides = array<i32>} : memref<104x128xf32, #tpu.memory_space<vmem>>, vector<1x16xf32>,
      %broadcast_in_dim3A_150 = arith.constant 0.000000e+00 : f32
      %broadcast_in_dim3A_151 = vector.broadcast %broadcast_in_dim3A_150 : f32 to vector<16xf32>
      %swap3A_152 = arith.index_cast %scan3A_102 : i32 to index
      %swap3A_153 = arith.constant 112 : index
      %swap3A_154 = tpu.vector_load %arg8[%swap3A_152, %swap3A_153] {strides = array<i32>} : memref<104x128xf32, #tpu.memory_space<vmem>>, vector<1x16xf32>,
      %swap3A_155 = vector.shape_cast %swap3A_154 : vector<1x16xf32> to vector<16xf32>
      %swap3A_156 = vector.shape_cast %broadcast_in_dim3A_151 : vector<16xf32> to vector<1x16xf32>
      tpu.vector_store %arg8[%swap3A_152, %swap3A_153], %swap3A_156 {strides = array<i32>} : memref<104x128xf32, #tpu.memory_space<vmem>>, vector<1x16xf32>,
    }
    %scan3A_26 = arith.constant 96 : i32
    %scan3A_27 = arith.constant 0 : i32
    %scan3A_28 = arith.constant 0 : i32
    %scan3A_29 = arith.constant 6 : i32
    %scan3A_30 = arith.addi %scan3A_28, %scan3A_29 : i32
    %scan3A_31 = arith.constant 1 : i32
    scf.for %scan3A_102 = %scan3A_28 to %scan3A_30 step %scan3A_31  : i32 {
      %mul3A_103 = arith.constant 624 : i32
      %mul3A_104 = arith.muli %arg1, %mul3A_103 : i32
      %mul3A_105 = arith.constant 96 : i32
      %mul3A_106 = arith.muli %scan3A_102, %mul3A_105 : i32
      %add3A_107 = arith.addi %mul3A_104, %mul3A_106 : i32
      "tpu.region"() ({
        %run_scoped3A = tpu.sem_alloc : memref<!tpu.dma_semaphore, #tpu.memory_space<semaphore_mem>>
        %dma_start3A_108 = arith.constant 0 : i32
        %dma_start3A_109 = arith.constant 0 : i32
        %dma_start3A_110 = tpu.memref_slice %arg8[%dma_start3A_108, %dma_start3A_109] : memref<104x128xf32, #tpu.memory_space<vmem>> -> memref<96x128xf32, #tpu.memory_space<vmem>>
        %dma_start3A_111 = arith.constant 0 : i32
        %dma_start3A_112 = tpu.memref_slice %arg9[%add3A_107, %dma_start3A_111] : memref<10000x128xf32, #tpu.memory_space<vmem_shared>> -> memref<96x128xf32, #tpu.memory_space<vmem_shared>>
        %dma_start3A_113 = arith.constant 0 : i32
        %dma_start3A_114 = tpu.memref_slice %arg9[%add3A_107, %dma_start3A_113] : memref<10000x128xf32, #tpu.memory_space<vmem_shared>> -> memref<96x128xf32, #tpu.memory_space<vmem_shared>>
        %dma_start3A_115 = arith.constant 0 : i32
        %dma_start3A_116 = arith.constant 0 : i32
        %dma_start3A_117 = tpu.memref_slice %arg8[%dma_start3A_115, %dma_start3A_116] : memref<104x128xf32, #tpu.memory_space<vmem>> -> memref<96x128xf32, #tpu.memory_space<vmem>>
        tpu.enqueue_dma source(%dma_start3A_117 : memref<96x128xf32, #tpu.memory_space<vmem>>) target(%dma_start3A_114 : memref<96x128xf32, #tpu.memory_space<vmem_shared>>) target_semaphore(%run_scoped3A : memref<!tpu.dma_semaphore, #tpu.memory_space<semaphore_mem>>)
        %dma_wait3A_118 = arith.constant 0 : i32
        %dma_wait3A_119 = arith.constant 0 : i32
        %dma_wait3A_120 = tpu.memref_slice %arg8[%dma_wait3A_118, %dma_wait3A_119] : memref<104x128xf32, #tpu.memory_space<vmem>> -> memref<96x128xf32, #tpu.memory_space<vmem>>
        %dma_wait3A_121 = arith.constant 0 : i32
        %dma_wait3A_122 = tpu.memref_slice %arg9[%add3A_107, %dma_wait3A_121] : memref<10000x128xf32, #tpu.memory_space<vmem_shared>> -> memref<96x128xf32, #tpu.memory_space<vmem_shared>>
        %dma_wait3A_123 = arith.constant 0 : i32
        %dma_wait3A_124 = tpu.memref_slice %arg9[%add3A_107, %dma_wait3A_123] : memref<10000x128xf32, #tpu.memory_space<vmem_shared>> -> memref<96x128xf32, #tpu.memory_space<vmem_shared>>
        %dma_wait3A_125 = arith.constant 0 : i32
        %dma_wait3A_126 = arith.constant 0 : i32
        %dma_wait3A_127 = tpu.memref_slice %arg8[%dma_wait3A_125, %dma_wait3A_126] : memref<104x128xf32, #tpu.memory_space<vmem>> -> memref<96x128xf32, #tpu.memory_space<vmem>>
        tpu.wait_dma2 semaphore(%run_scoped3A : memref<!tpu.dma_semaphore, #tpu.memory_space<semaphore_mem>>) src(%dma_wait3A_127 : memref<96x128xf32, #tpu.memory_space<vmem>>) dst(%dma_wait3A_124 : memref<96x128xf32, #tpu.memory_space<vmem_shared>>)
        tpu.yield
      }) : () -> ()
    }
    %scan3A_32 = arith.constant 6 : i32
    %mul3A_33 = arith.constant 624 : i32
    %mul3A_34 = arith.muli %arg1, %mul3A_33 : i32
    %add3A_35 = arith.constant 576 : i32
    %add3A_36 = arith.addi %mul3A_34, %add3A_35 : i32
    "tpu.region"() ({
      %run_scoped3A = tpu.sem_alloc : memref<!tpu.dma_semaphore, #tpu.memory_space<semaphore_mem>>
      %dma_start3A_102 = arith.constant 0 : i32
      %dma_start3A_103 = arith.constant 0 : i32
      %dma_start3A_104 = tpu.memref_slice %arg8[%dma_start3A_102, %dma_start3A_103] : memref<104x128xf32, #tpu.memory_space<vmem>> -> memref<48x128xf32, #tpu.memory_space<vmem>>
      %dma_start3A_105 = arith.constant 0 : i32
      %dma_start3A_106 = tpu.memref_slice %arg9[%add3A_36, %dma_start3A_105] : memref<10000x128xf32, #tpu.memory_space<vmem_shared>> -> memref<48x128xf32, #tpu.memory_space<vmem_shared>>
      %dma_start3A_107 = arith.constant 0 : i32
      %dma_start3A_108 = tpu.memref_slice %arg9[%add3A_36, %dma_start3A_107] : memref<10000x128xf32, #tpu.memory_space<vmem_shared>> -> memref<48x128xf32, #tpu.memory_space<vmem_shared>>
      %dma_start3A_109 = arith.constant 0 : i32
      %dma_start3A_110 = arith.constant 0 : i32
      %dma_start3A_111 = tpu.memref_slice %arg8[%dma_start3A_109, %dma_start3A_110] : memref<104x128xf32, #tpu.memory_space<vmem>> -> memref<48x128xf32, #tpu.memory_space<vmem>>
      tpu.enqueue_dma source(%dma_start3A_111 : memref<48x128xf32, #tpu.memory_space<vmem>>) target(%dma_start3A_108 : memref<48x128xf32, #tpu.memory_space<vmem_shared>>) target_semaphore(%run_scoped3A : memref<!tpu.dma_semaphore, #tpu.memory_space<semaphore_mem>>)
      %dma_wait3A_112 = arith.constant 0 : i32
      %dma_wait3A_113 = arith.constant 0 : i32
      %dma_wait3A_114 = tpu.memref_slice %arg8[%dma_wait3A_112, %dma_wait3A_113] : memref<104x128xf32, #tpu.memory_space<vmem>> -> memref<48x128xf32, #tpu.memory_space<vmem>>
      %dma_wait3A_115 = arith.constant 0 : i32
      %dma_wait3A_116 = tpu.memref_slice %arg9[%add3A_36, %dma_wait3A_115] : memref<10000x128xf32, #tpu.memory_space<vmem_shared>> -> memref<48x128xf32, #tpu.memory_space<vmem_shared>>
      %dma_wait3A_117 = arith.constant 0 : i32
      %dma_wait3A_118 = tpu.memref_slice %arg9[%add3A_36, %dma_wait3A_117] : memref<10000x128xf32, #tpu.memory_space<vmem_shared>> -> memref<48x128xf32, #tpu.memory_space<vmem_shared>>
      %dma_wait3A_119 = arith.constant 0 : i32
      %dma_wait3A_120 = arith.constant 0 : i32
      %dma_wait3A_121 = tpu.memref_slice %arg8[%dma_wait3A_119, %dma_wait3A_120] : memref<104x128xf32, #tpu.memory_space<vmem>> -> memref<48x128xf32, #tpu.memory_space<vmem>>
      tpu.wait_dma2 semaphore(%run_scoped3A : memref<!tpu.dma_semaphore, #tpu.memory_space<semaphore_mem>>) src(%dma_wait3A_121 : memref<48x128xf32, #tpu.memory_space<vmem>>) dst(%dma_wait3A_118 : memref<48x128xf32, #tpu.memory_space<vmem_shared>>)
      tpu.yield
    }) : () -> ()
    %eq3A = arith.constant 0 : i32
    %eq3A_37 = arith.cmpi eq, %arg1, %eq3A : i32
    %convert_element_type3A = arith.extui %eq3A_37 : i1 to i32
    %cond3A = arith.constant 0 : i32
    %cond3A_38 = arith.cmpi ne, %convert_element_type3A, %cond3A : i32
    scf.if %cond3A_38 {
      "tpu.region"() ({
        %run_scoped3A = tpu.sem_alloc : memref<!tpu.dma_semaphore, #tpu.memory_space<semaphore_mem>>
        %dma_start3A_102 = arith.constant 0 : i32
        %dma_start3A_103 = arith.constant 0 : i32
        %dma_start3A_104 = tpu.memref_slice %arg8[%dma_start3A_102, %dma_start3A_103] : memref<104x128xf32, #tpu.memory_space<vmem>> -> memref<16x128xf32, #tpu.memory_space<vmem>>
        %dma_start3A_105 = arith.constant 9984 : i32
        %dma_start3A_106 = arith.constant 0 : i32
        %dma_start3A_107 = tpu.memref_slice %arg9[%dma_start3A_105, %dma_start3A_106] : memref<10000x128xf32, #tpu.memory_space<vmem_shared>> -> memref<16x128xf32, #tpu.memory_space<vmem_shared>>
        %dma_start3A_108 = arith.constant 9984 : i32
        %dma_start3A_109 = arith.constant 0 : i32
        %dma_start3A_110 = tpu.memref_slice %arg9[%dma_start3A_108, %dma_start3A_109] : memref<10000x128xf32, #tpu.memory_space<vmem_shared>> -> memref<16x128xf32, #tpu.memory_space<vmem_shared>>
        %dma_start3A_111 = arith.constant 0 : i32
        %dma_start3A_112 = arith.constant 0 : i32
        %dma_start3A_113 = tpu.memref_slice %arg8[%dma_start3A_111, %dma_start3A_112] : memref<104x128xf32, #tpu.memory_space<vmem>> -> memref<16x128xf32, #tpu.memory_space<vmem>>
        tpu.enqueue_dma source(%dma_start3A_113 : memref<16x128xf32, #tpu.memory_space<vmem>>) target(%dma_start3A_110 : memref<16x128xf32, #tpu.memory_space<vmem_shared>>) target_semaphore(%run_scoped3A : memref<!tpu.dma_semaphore, #tpu.memory_space<semaphore_mem>>)
        %dma_wait3A_114 = arith.constant 0 : i32
        %dma_wait3A_115 = arith.constant 0 : i32
        %dma_wait3A_116 = tpu.memref_slice %arg8[%dma_wait3A_114, %dma_wait3A_115] : memref<104x128xf32, #tpu.memory_space<vmem>> -> memref<16x128xf32, #tpu.memory_space<vmem>>
        %dma_wait3A_117 = arith.constant 9984 : i32
        %dma_wait3A_118 = arith.constant 0 : i32
        %dma_wait3A_119 = tpu.memref_slice %arg9[%dma_wait3A_117, %dma_wait3A_118] : memref<10000x128xf32, #tpu.memory_space<vmem_shared>> -> memref<16x128xf32, #tpu.memory_space<vmem_shared>>
        %dma_wait3A_120 = arith.constant 9984 : i32
        %dma_wait3A_121 = arith.constant 0 : i32
        %dma_wait3A_122 = tpu.memref_slice %arg9[%dma_wait3A_120, %dma_wait3A_121] : memref<10000x128xf32, #tpu.memory_space<vmem_shared>> -> memref<16x128xf32, #tpu.memory_space<vmem_shared>>
        %dma_wait3A_123 = arith.constant 0 : i32
        %dma_wait3A_124 = arith.constant 0 : i32
        %dma_wait3A_125 = tpu.memref_slice %arg8[%dma_wait3A_123, %dma_wait3A_124] : memref<104x128xf32, #tpu.memory_space<vmem>> -> memref<16x128xf32, #tpu.memory_space<vmem>>
        tpu.wait_dma2 semaphore(%run_scoped3A : memref<!tpu.dma_semaphore, #tpu.memory_space<semaphore_mem>>) src(%dma_wait3A_125 : memref<16x128xf32, #tpu.memory_space<vmem>>) dst(%dma_wait3A_122 : memref<16x128xf32, #tpu.memory_space<vmem_shared>>)
        tpu.yield
      }) : () -> ()
    } else {
    }
    %mul3A_39 = arith.constant 10000 : i32
    %mul3A_40 = arith.muli %add3A, %mul3A_39 : i32
    %dma_wait3A = arith.constant 0 : i32
    %dma_wait3A_41 = arith.constant 0 : i32
    %dma_wait3A_42 = tpu.memref_slice %arg3[%dma_wait3A, %dma_wait3A_41] : memref<2x320000xi32, #tpu.memory_space<hbm>> -> memref<1x320000xi32, #tpu.memory_space<hbm>>
    %dma_wait3A_43 = tpu.memref_squeeze %dma_wait3A_42 : memref<1x320000xi32, #tpu.memory_space<hbm>> -> memref<320000xi32, #tpu.memory_space<hbm>>
    %dma_wait3A_44 = tpu.memref_slice %dma_wait3A_43[%mul3A_40] : memref<320000xi32, #tpu.memory_space<hbm>> -> memref<10000xi32, #tpu.memory_space<hbm>>
    %dma_wait3A_45 = arith.constant 0 : i32
    %dma_wait3A_46 = tpu.memref_slice %arg3[%dma_wait3A, %dma_wait3A_45] : memref<2x320000xi32, #tpu.memory_space<hbm>> -> memref<1x320000xi32, #tpu.memory_space<hbm>>
    %dma_wait3A_47 = tpu.memref_squeeze %dma_wait3A_46 : memref<1x320000xi32, #tpu.memory_space<hbm>> -> memref<320000xi32, #tpu.memory_space<hbm>>
    %dma_wait3A_48 = tpu.memref_slice %dma_wait3A_47[%mul3A_40] : memref<320000xi32, #tpu.memory_space<hbm>> -> memref<10000xi32, #tpu.memory_space<hbm>>
    tpu.wait_dma2 semaphore(%arg10 : memref<!tpu.dma_semaphore, #tpu.memory_space<semaphore_mem>>) src(%dma_wait3A_48 : memref<10000xi32, #tpu.memory_space<hbm>>) dst(%arg5 : memref<10000xi32, #tpu.memory_space<vmem>>)
    %mul3A_49 = arith.constant 10000 : i32
    %mul3A_50 = arith.muli %add3A, %mul3A_49 : i32
    %dma_wait3A_51 = arith.constant 1 : i32
    %dma_wait3A_52 = arith.constant 0 : i32
    %dma_wait3A_53 = tpu.memref_slice %arg3[%dma_wait3A_51, %dma_wait3A_52] : memref<2x320000xi32, #tpu.memory_space<hbm>> -> memref<1x320000xi32, #tpu.memory_space<hbm>>
    %dma_wait3A_54 = tpu.memref_squeeze %dma_wait3A_53 : memref<1x320000xi32, #tpu.memory_space<hbm>> -> memref<320000xi32, #tpu.memory_space<hbm>>
    %dma_wait3A_55 = tpu.memref_slice %dma_wait3A_54[%mul3A_50] : memref<320000xi32, #tpu.memory_space<hbm>> -> memref<10000xi32, #tpu.memory_space<hbm>>
    %dma_wait3A_56 = arith.constant 0 : i32
    %dma_wait3A_57 = tpu.memref_slice %arg3[%dma_wait3A_51, %dma_wait3A_56] : memref<2x320000xi32, #tpu.memory_space<hbm>> -> memref<1x320000xi32, #tpu.memory_space<hbm>>
    %dma_wait3A_58 = tpu.memref_squeeze %dma_wait3A_57 : memref<1x320000xi32, #tpu.memory_space<hbm>> -> memref<320000xi32, #tpu.memory_space<hbm>>
    %dma_wait3A_59 = tpu.memref_slice %dma_wait3A_58[%mul3A_50] : memref<320000xi32, #tpu.memory_space<hbm>> -> memref<10000xi32, #tpu.memory_space<hbm>>
    tpu.wait_dma2 semaphore(%arg11 : memref<!tpu.dma_semaphore, #tpu.memory_space<semaphore_mem>>) src(%dma_wait3A_59 : memref<10000xi32, #tpu.memory_space<hbm>>) dst(%arg6 : memref<10000xi32, #tpu.memory_space<vmem>>)
    %barrier3A = arith.constant 0 : index
    tpu.barrier barrier_id(%barrier3A)
    %dma_start3A_60 = arith.constant 0 : i32
    %dma_start3A_61 = tpu.memref_slice %arg5[%dma_start3A_60] : memref<10000xi32, #tpu.memory_space<vmem>> -> memref<104xi32, #tpu.memory_space<vmem>>
    %dma_start3A_62 = arith.constant 0 : i32
    %dma_start3A_63 = arith.constant 0 : i32
    %dma_start3A_64 = tpu.memref_slice %arg2[%dma_start3A_62, %dma_start3A_63] : memref<10000x128xf32, #tpu.memory_space<hbm>> -> memref<10000x128xf32, #tpu.memory_space<hbm>>
    tpu.enqueue_indirect_dma source(%dma_start3A_64 : memref<10000x128xf32, #tpu.memory_space<hbm>>) target(%arg7 : memref<104x128xf32, #tpu.memory_space<vmem>>) offsets(%dma_start3A_61 : memref<104xi32, #tpu.memory_space<vmem>>) semaphore(%arg10 : memref<!tpu.dma_semaphore, #tpu.memory_space<semaphore_mem>>)
    %dma_start3A_65 = arith.constant 104 : i32
    %dma_start3A_66 = tpu.memref_slice %arg5[%dma_start3A_65] : memref<10000xi32, #tpu.memory_space<vmem>> -> memref<104xi32, #tpu.memory_space<vmem>>
    %dma_start3A_67 = arith.constant 0 : i32
    %dma_start3A_68 = arith.constant 0 : i32
    %dma_start3A_69 = tpu.memref_slice %arg2[%dma_start3A_67, %dma_start3A_68] : memref<10000x128xf32, #tpu.memory_space<hbm>> -> memref<10000x128xf32, #tpu.memory_space<hbm>>
    tpu.enqueue_indirect_dma source(%dma_start3A_69 : memref<10000x128xf32, #tpu.memory_space<hbm>>) target(%arg8 : memref<104x128xf32, #tpu.memory_space<vmem>>) offsets(%dma_start3A_66 : memref<104xi32, #tpu.memory_space<vmem>>) semaphore(%arg11 : memref<!tpu.dma_semaphore, #tpu.memory_space<semaphore_mem>>)
    %scan3A_70 = arith.constant 0 : i32
    %scan3A_71 = arith.constant 0 : i32
    %scan3A_72 = arith.constant 48 : i32
    %scan3A_73 = arith.addi %scan3A_71, %scan3A_72 : i32
    %scan3A_74 = arith.constant 1 : i32
    scf.for %scan3A_102 = %scan3A_71 to %scan3A_73 step %scan3A_74  : i32 {
      %mul3A_103 = arith.constant 2 : i32
      %mul3A_104 = arith.muli %scan3A_102, %mul3A_103 : i32
      %add3A_105 = arith.constant 0 : i32
      %add3A_106 = arith.addi %mul3A_104, %add3A_105 : i32
      %mul3A_107 = arith.constant 104 : i32
      %mul3A_108 = arith.muli %add3A_106, %mul3A_107 : i32
      %dma_wait3A_109 = tpu.memref_slice %arg5[%mul3A_108] : memref<10000xi32, #tpu.memory_space<vmem>> -> memref<104xi32, #tpu.memory_space<vmem>>
      %dma_wait3A_110 = arith.constant 0 : i32
      %dma_wait3A_111 = arith.constant 0 : i32
      %dma_wait3A_112 = tpu.memref_slice %arg2[%dma_wait3A_110, %dma_wait3A_111] : memref<10000x128xf32, #tpu.memory_space<hbm>> -> memref<10000x128xf32, #tpu.memory_space<hbm>>
      tpu.wait_indirect_dma semaphore(%arg10 : memref<!tpu.dma_semaphore, #tpu.memory_space<semaphore_mem>>) src(%dma_wait3A_112 : memref<10000x128xf32, #tpu.memory_space<hbm>>) dst(%arg7 : memref<104x128xf32, #tpu.memory_space<vmem>>)
      %mul3A_113 = arith.constant 104 : i32
      %mul3A_114 = arith.muli %add3A_106, %mul3A_113 : i32
      "tpu.region"() ({
        %run_scoped3A = tpu.sem_alloc : memref<!tpu.dma_semaphore, #tpu.memory_space<semaphore_mem>>
        %dma_start3A_140 = tpu.memref_slice %arg6[%mul3A_114] : memref<10000xi32, #tpu.memory_space<vmem>> -> memref<104xi32, #tpu.memory_space<vmem>>
        %dma_start3A_141 = arith.constant 0 : i32
        %dma_start3A_142 = arith.constant 0 : i32
        %dma_start3A_143 = tpu.memref_slice %arg9[%dma_start3A_141, %dma_start3A_142] : memref<10000x128xf32, #tpu.memory_space<vmem_shared>> -> memref<10000x128xf32, #tpu.memory_space<vmem_shared>>
        tpu.enqueue_indirect_dma source(%arg7 : memref<104x128xf32, #tpu.memory_space<vmem>>) target(%dma_start3A_143 : memref<10000x128xf32, #tpu.memory_space<vmem_shared>>) offsets(%dma_start3A_140 : memref<104xi32, #tpu.memory_space<vmem>>) semaphore(%run_scoped3A : memref<!tpu.dma_semaphore, #tpu.memory_space<semaphore_mem>>) {add = true}
        %dma_wait3A_144 = tpu.memref_slice %arg6[%mul3A_114] : memref<10000xi32, #tpu.memory_space<vmem>> -> memref<104xi32, #tpu.memory_space<vmem>>
        %dma_wait3A_145 = arith.constant 0 : i32
        %dma_wait3A_146 = arith.constant 0 : i32
        %dma_wait3A_147 = tpu.memref_slice %arg9[%dma_wait3A_145, %dma_wait3A_146] : memref<10000x128xf32, #tpu.memory_space<vmem_shared>> -> memref<10000x128xf32, #tpu.memory_space<vmem_shared>>
        tpu.wait_indirect_dma semaphore(%run_scoped3A : memref<!tpu.dma_semaphore, #tpu.memory_space<semaphore_mem>>) src(%arg7 : memref<104x128xf32, #tpu.memory_space<vmem>>) dst(%dma_wait3A_147 : memref<10000x128xf32, #tpu.memory_space<vmem_shared>>)
        tpu.yield
      }) : () -> ()
      %add3A_115 = arith.constant 2 : i32
      %add3A_116 = arith.addi %add3A_106, %add3A_115 : i32
      %lt3A = arith.constant 96 : i32
      %lt3A_117 = arith.cmpi slt, %add3A_116, %lt3A : i32
      %convert_element_type3A_118 = arith.extui %lt3A_117 : i1 to i32
      %cond3A_119 = arith.constant 0 : i32
      %cond3A_120 = arith.cmpi ne, %convert_element_type3A_118, %cond3A_119 : i32
      scf.if %cond3A_120 {
        %add3A_140 = arith.constant 2 : i32
        %add3A_141 = arith.addi %add3A_106, %add3A_140 : i32
        %mul3A_142 = arith.constant 104 : i32
        %mul3A_143 = arith.muli %add3A_141, %mul3A_142 : i32
        %dma_start3A_144 = tpu.memref_slice %arg5[%mul3A_143] : memref<10000xi32, #tpu.memory_space<vmem>> -> memref<104xi32, #tpu.memory_space<vmem>>
        %dma_start3A_145 = arith.constant 0 : i32
        %dma_start3A_146 = arith.constant 0 : i32
        %dma_start3A_147 = tpu.memref_slice %arg2[%dma_start3A_145, %dma_start3A_146] : memref<10000x128xf32, #tpu.memory_space<hbm>> -> memref<10000x128xf32, #tpu.memory_space<hbm>>
        tpu.enqueue_indirect_dma source(%dma_start3A_147 : memref<10000x128xf32, #tpu.memory_space<hbm>>) target(%arg7 : memref<104x128xf32, #tpu.memory_space<vmem>>) offsets(%dma_start3A_144 : memref<104xi32, #tpu.memory_space<vmem>>) semaphore(%arg10 : memref<!tpu.dma_semaphore, #tpu.memory_space<semaphore_mem>>)
      } else {
      }
      %mul3A_121 = arith.constant 2 : i32
      %mul3A_122 = arith.muli %scan3A_102, %mul3A_121 : i32
      %add3A_123 = arith.constant 1 : i32
      %add3A_124 = arith.addi %mul3A_122, %add3A_123 : i32
      %mul3A_125 = arith.constant 104 : i32
      %mul3A_126 = arith.muli %add3A_124, %mul3A_125 : i32
      %dma_wait3A_127 = tpu.memref_slice %arg5[%mul3A_126] : memref<10000xi32, #tpu.memory_space<vmem>> -> memref<104xi32, #tpu.memory_space<vmem>>
      %dma_wait3A_128 = arith.constant 0 : i32
      %dma_wait3A_129 = arith.constant 0 : i32
      %dma_wait3A_130 = tpu.memref_slice %arg2[%dma_wait3A_128, %dma_wait3A_129] : memref<10000x128xf32, #tpu.memory_space<hbm>> -> memref<10000x128xf32, #tpu.memory_space<hbm>>
      tpu.wait_indirect_dma semaphore(%arg11 : memref<!tpu.dma_semaphore, #tpu.memory_space<semaphore_mem>>) src(%dma_wait3A_130 : memref<10000x128xf32, #tpu.memory_space<hbm>>) dst(%arg8 : memref<104x128xf32, #tpu.memory_space<vmem>>)
      %mul3A_131 = arith.constant 104 : i32
      %mul3A_132 = arith.muli %add3A_124, %mul3A_131 : i32
      "tpu.region"() ({
        %run_scoped3A = tpu.sem_alloc : memref<!tpu.dma_semaphore, #tpu.memory_space<semaphore_mem>>
        %dma_start3A_140 = tpu.memref_slice %arg6[%mul3A_132] : memref<10000xi32, #tpu.memory_space<vmem>> -> memref<104xi32, #tpu.memory_space<vmem>>
        %dma_start3A_141 = arith.constant 0 : i32
        %dma_start3A_142 = arith.constant 0 : i32
        %dma_start3A_143 = tpu.memref_slice %arg9[%dma_start3A_141, %dma_start3A_142] : memref<10000x128xf32, #tpu.memory_space<vmem_shared>> -> memref<10000x128xf32, #tpu.memory_space<vmem_shared>>
        tpu.enqueue_indirect_dma source(%arg8 : memref<104x128xf32, #tpu.memory_space<vmem>>) target(%dma_start3A_143 : memref<10000x128xf32, #tpu.memory_space<vmem_shared>>) offsets(%dma_start3A_140 : memref<104xi32, #tpu.memory_space<vmem>>) semaphore(%run_scoped3A : memref<!tpu.dma_semaphore, #tpu.memory_space<semaphore_mem>>) {add = true}
        %dma_wait3A_144 = tpu.memref_slice %arg6[%mul3A_132] : memref<10000xi32, #tpu.memory_space<vmem>> -> memref<104xi32, #tpu.memory_space<vmem>>
        %dma_wait3A_145 = arith.constant 0 : i32
        %dma_wait3A_146 = arith.constant 0 : i32
        %dma_wait3A_147 = tpu.memref_slice %arg9[%dma_wait3A_145, %dma_wait3A_146] : memref<10000x128xf32, #tpu.memory_space<vmem_shared>> -> memref<10000x128xf32, #tpu.memory_space<vmem_shared>>
        tpu.wait_indirect_dma semaphore(%run_scoped3A : memref<!tpu.dma_semaphore, #tpu.memory_space<semaphore_mem>>) src(%arg8 : memref<104x128xf32, #tpu.memory_space<vmem>>) dst(%dma_wait3A_147 : memref<10000x128xf32, #tpu.memory_space<vmem_shared>>)
        tpu.yield
      }) : () -> ()
      %add3A_133 = arith.constant 2 : i32
      %add3A_134 = arith.addi %add3A_124, %add3A_133 : i32
      %lt3A_135 = arith.constant 96 : i32
      %lt3A_136 = arith.cmpi slt, %add3A_134, %lt3A_135 : i32
      %convert_element_type3A_137 = arith.extui %lt3A_136 : i1 to i32
      %cond3A_138 = arith.constant 0 : i32
      %cond3A_139 = arith.cmpi ne, %convert_element_type3A_137, %cond3A_138 : i32
      scf.if %cond3A_139 {
        %add3A_140 = arith.constant 2 : i32
        %add3A_141 = arith.addi %add3A_124, %add3A_140 : i32
        %mul3A_142 = arith.constant 104 : i32
        %mul3A_143 = arith.muli %add3A_141, %mul3A_142 : i32
        %dma_start3A_144 = tpu.memref_slice %arg5[%mul3A_143] : memref<10000xi32, #tpu.memory_space<vmem>> -> memref<104xi32, #tpu.memory_space<vmem>>
        %dma_start3A_145 = arith.constant 0 : i32
        %dma_start3A_146 = arith.constant 0 : i32
        %dma_start3A_147 = tpu.memref_slice %arg2[%dma_start3A_145, %dma_start3A_146] : memref<10000x128xf32, #tpu.memory_space<hbm>> -> memref<10000x128xf32, #tpu.memory_space<hbm>>
        tpu.enqueue_indirect_dma source(%dma_start3A_147 : memref<10000x128xf32, #tpu.memory_space<hbm>>) target(%arg8 : memref<104x128xf32, #tpu.memory_space<vmem>>) offsets(%dma_start3A_144 : memref<104xi32, #tpu.memory_space<vmem>>) semaphore(%arg11 : memref<!tpu.dma_semaphore, #tpu.memory_space<semaphore_mem>>)
      } else {
      }
    }
    %scan3A_75 = arith.constant 48 : i32
    %dma_start3A_76 = arith.constant 0 : i32
    %dma_start3A_77 = arith.constant 0 : i32
    %dma_start3A_78 = tpu.memref_slice %arg7[%dma_start3A_76, %dma_start3A_77] : memref<104x128xf32, #tpu.memory_space<vmem>> -> memref<16x128xf32, #tpu.memory_space<vmem>>
    %dma_start3A_79 = arith.constant 9984 : i32
    %dma_start3A_80 = tpu.memref_slice %arg5[%dma_start3A_79] : memref<10000xi32, #tpu.memory_space<vmem>> -> memref<16xi32, #tpu.memory_space<vmem>>
    %dma_start3A_81 = arith.constant 0 : i32
    %dma_start3A_82 = arith.constant 0 : i32
    %dma_start3A_83 = tpu.memref_slice %arg2[%dma_start3A_81, %dma_start3A_82] : memref<10000x128xf32, #tpu.memory_space<hbm>> -> memref<10000x128xf32, #tpu.memory_space<hbm>>
    tpu.enqueue_indirect_dma source(%dma_start3A_83 : memref<10000x128xf32, #tpu.memory_space<hbm>>) target(%dma_start3A_78 : memref<16x128xf32, #tpu.memory_space<vmem>>) offsets(%dma_start3A_80 : memref<16xi32, #tpu.memory_space<vmem>>) semaphore(%arg10 : memref<!tpu.dma_semaphore, #tpu.memory_space<semaphore_mem>>)
    %dma_wait3A_84 = arith.constant 0 : i32
    %dma_wait3A_85 = arith.constant 0 : i32
    %dma_wait3A_86 = tpu.memref_slice %arg7[%dma_wait3A_84, %dma_wait3A_85] : memref<104x128xf32, #tpu.memory_space<vmem>> -> memref<16x128xf32, #tpu.memory_space<vmem>>
    %dma_wait3A_87 = arith.constant 9984 : i32
    %dma_wait3A_88 = tpu.memref_slice %arg5[%dma_wait3A_87] : memref<10000xi32, #tpu.memory_space<vmem>> -> memref<16xi32, #tpu.memory_space<vmem>>
    %dma_wait3A_89 = arith.constant 0 : i32
    %dma_wait3A_90 = arith.constant 0 : i32
    %dma_wait3A_91 = tpu.memref_slice %arg2[%dma_wait3A_89, %dma_wait3A_90] : memref<10000x128xf32, #tpu.memory_space<hbm>> -> memref<10000x128xf32, #tpu.memory_space<hbm>>
    tpu.wait_indirect_dma semaphore(%arg10 : memref<!tpu.dma_semaphore, #tpu.memory_space<semaphore_mem>>) src(%dma_wait3A_91 : memref<10000x128xf32, #tpu.memory_space<hbm>>) dst(%dma_wait3A_86 : memref<16x128xf32, #tpu.memory_space<vmem>>)
    "tpu.region"() ({
      %run_scoped3A = tpu.sem_alloc : memref<!tpu.dma_semaphore, #tpu.memory_space<semaphore_mem>>
      %dma_start3A_102 = arith.constant 0 : i32
      %dma_start3A_103 = arith.constant 0 : i32
      %dma_start3A_104 = tpu.memref_slice %arg7[%dma_start3A_102, %dma_start3A_103] : memref<104x128xf32, #tpu.memory_space<vmem>> -> memref<16x128xf32, #tpu.memory_space<vmem>>
      %dma_start3A_105 = arith.constant 9984 : i32
      %dma_start3A_106 = tpu.memref_slice %arg6[%dma_start3A_105] : memref<10000xi32, #tpu.memory_space<vmem>> -> memref<16xi32, #tpu.memory_space<vmem>>
      %dma_start3A_107 = arith.constant 0 : i32
      %dma_start3A_108 = arith.constant 0 : i32
      %dma_start3A_109 = tpu.memref_slice %arg9[%dma_start3A_107, %dma_start3A_108] : memref<10000x128xf32, #tpu.memory_space<vmem_shared>> -> memref<10000x128xf32, #tpu.memory_space<vmem_shared>>
      tpu.enqueue_indirect_dma source(%dma_start3A_104 : memref<16x128xf32, #tpu.memory_space<vmem>>) target(%dma_start3A_109 : memref<10000x128xf32, #tpu.memory_space<vmem_shared>>) offsets(%dma_start3A_106 : memref<16xi32, #tpu.memory_space<vmem>>) semaphore(%run_scoped3A : memref<!tpu.dma_semaphore, #tpu.memory_space<semaphore_mem>>) {add = true}
      %dma_wait3A_110 = arith.constant 0 : i32
      %dma_wait3A_111 = arith.constant 0 : i32
      %dma_wait3A_112 = tpu.memref_slice %arg7[%dma_wait3A_110, %dma_wait3A_111] : memref<104x128xf32, #tpu.memory_space<vmem>> -> memref<16x128xf32, #tpu.memory_space<vmem>>
      %dma_wait3A_113 = arith.constant 9984 : i32
      %dma_wait3A_114 = tpu.memref_slice %arg6[%dma_wait3A_113] : memref<10000xi32, #tpu.memory_space<vmem>> -> memref<16xi32, #tpu.memory_space<vmem>>
      %dma_wait3A_115 = arith.constant 0 : i32
      %dma_wait3A_116 = arith.constant 0 : i32
      %dma_wait3A_117 = tpu.memref_slice %arg9[%dma_wait3A_115, %dma_wait3A_116] : memref<10000x128xf32, #tpu.memory_space<vmem_shared>> -> memref<10000x128xf32, #tpu.memory_space<vmem_shared>>
      tpu.wait_indirect_dma semaphore(%run_scoped3A : memref<!tpu.dma_semaphore, #tpu.memory_space<semaphore_mem>>) src(%dma_wait3A_112 : memref<16x128xf32, #tpu.memory_space<vmem>>) dst(%dma_wait3A_117 : memref<10000x128xf32, #tpu.memory_space<vmem_shared>>)
      tpu.yield
    }) : () -> ()
    %barrier3A_92 = arith.constant 0 : index
    tpu.barrier barrier_id(%barrier3A_92)
    %mul3A_93 = arith.constant 624 : i32
    %mul3A_94 = arith.muli %arg1, %mul3A_93 : i32
    %mul3A_95 = arith.constant 624 : i32
    %mul3A_96 = arith.muli %arg1, %mul3A_95 : i32
    "tpu.region"() ({
      %run_scoped3A = tpu.sem_alloc : memref<!tpu.dma_semaphore, #tpu.memory_space<semaphore_mem>>
      %dma_start3A_102 = arith.constant 0 : i32
      %dma_start3A_103 = arith.constant 0 : i32
      %dma_start3A_104 = tpu.memref_slice %arg4[%arg0, %dma_start3A_102, %dma_start3A_103] : memref<2x10000x128xf32, #tpu.memory_space<hbm>> -> memref<1x10000x128xf32, #tpu.memory_space<hbm>>
      %dma_start3A_105 = tpu.memref_squeeze %dma_start3A_104 : memref<1x10000x128xf32, #tpu.memory_space<hbm>> -> memref<10000x128xf32, #tpu.memory_space<hbm>>
      %dma_start3A_106 = arith.constant 0 : i32
      %dma_start3A_107 = tpu.memref_slice %dma_start3A_105[%mul3A_96, %dma_start3A_106] : memref<10000x128xf32, #tpu.memory_space<hbm>> -> memref<624x128xf32, #tpu.memory_space<hbm>>
      %dma_start3A_108 = arith.constant 0 : i32
      %dma_start3A_109 = tpu.memref_slice %arg9[%mul3A_94, %dma_start3A_108] : memref<10000x128xf32, #tpu.memory_space<vmem_shared>> -> memref<624x128xf32, #tpu.memory_space<vmem_shared>>
      tpu.enqueue_dma source(%dma_start3A_109 : memref<624x128xf32, #tpu.memory_space<vmem_shared>>) target(%dma_start3A_107 : memref<624x128xf32, #tpu.memory_space<hbm>>) target_semaphore(%run_scoped3A : memref<!tpu.dma_semaphore, #tpu.memory_space<semaphore_mem>>)
      %dma_wait3A_110 = arith.constant 0 : i32
      %dma_wait3A_111 = arith.constant 0 : i32
      %dma_wait3A_112 = tpu.memref_slice %arg4[%arg0, %dma_wait3A_110, %dma_wait3A_111] : memref<2x10000x128xf32, #tpu.memory_space<hbm>> -> memref<1x10000x128xf32, #tpu.memory_space<hbm>>
      %dma_wait3A_113 = tpu.memref_squeeze %dma_wait3A_112 : memref<1x10000x128xf32, #tpu.memory_space<hbm>> -> memref<10000x128xf32, #tpu.memory_space<hbm>>
      %dma_wait3A_114 = arith.constant 0 : i32
      %dma_wait3A_115 = tpu.memref_slice %dma_wait3A_113[%mul3A_96, %dma_wait3A_114] : memref<10000x128xf32, #tpu.memory_space<hbm>> -> memref<624x128xf32, #tpu.memory_space<hbm>>
      %dma_wait3A_116 = arith.constant 0 : i32
      %dma_wait3A_117 = tpu.memref_slice %arg9[%mul3A_94, %dma_wait3A_116] : memref<10000x128xf32, #tpu.memory_space<vmem_shared>> -> memref<624x128xf32, #tpu.memory_space<vmem_shared>>
      tpu.wait_dma2 semaphore(%run_scoped3A : memref<!tpu.dma_semaphore, #tpu.memory_space<semaphore_mem>>) src(%dma_wait3A_117 : memref<624x128xf32, #tpu.memory_space<vmem_shared>>) dst(%dma_wait3A_115 : memref<624x128xf32, #tpu.memory_space<hbm>>)
      tpu.yield
    }) : () -> ()
    %eq3A_97 = arith.constant 0 : i32
    %eq3A_98 = arith.cmpi eq, %arg1, %eq3A_97 : i32
    %convert_element_type3A_99 = arith.extui %eq3A_98 : i1 to i32
    %cond3A_100 = arith.constant 0 : i32
    %cond3A_101 = arith.cmpi ne, %convert_element_type3A_99, %cond3A_100 : i32
    scf.if %cond3A_101 {
      "tpu.region"() ({
        %run_scoped3A = tpu.sem_alloc : memref<!tpu.dma_semaphore, #tpu.memory_space<semaphore_mem>>
        %dma_start3A_102 = arith.constant 0 : i32
        %dma_start3A_103 = arith.constant 0 : i32
        %dma_start3A_104 = tpu.memref_slice %arg4[%arg0, %dma_start3A_102, %dma_start3A_103] : memref<2x10000x128xf32, #tpu.memory_space<hbm>> -> memref<1x10000x128xf32, #tpu.memory_space<hbm>>
        %dma_start3A_105 = tpu.memref_squeeze %dma_start3A_104 : memref<1x10000x128xf32, #tpu.memory_space<hbm>> -> memref<10000x128xf32, #tpu.memory_space<hbm>>
        %dma_start3A_106 = arith.constant 9984 : i32
        %dma_start3A_107 = arith.constant 0 : i32
        %dma_start3A_108 = tpu.memref_slice %dma_start3A_105[%dma_start3A_106, %dma_start3A_107] : memref<10000x128xf32, #tpu.memory_space<hbm>> -> memref<16x128xf32, #tpu.memory_space<hbm>>
        %dma_start3A_109 = arith.constant 9984 : i32
        %dma_start3A_110 = arith.constant 0 : i32
        %dma_start3A_111 = tpu.memref_slice %arg9[%dma_start3A_109, %dma_start3A_110] : memref<10000x128xf32, #tpu.memory_space<vmem_shared>> -> memref<16x128xf32, #tpu.memory_space<vmem_shared>>
        tpu.enqueue_dma source(%dma_start3A_111 : memref<16x128xf32, #tpu.memory_space<vmem_shared>>) target(%dma_start3A_108 : memref<16x128xf32, #tpu.memory_space<hbm>>) target_semaphore(%run_scoped3A : memref<!tpu.dma_semaphore, #tpu.memory_space<semaphore_mem>>)
        %dma_wait3A_112 = arith.constant 0 : i32
        %dma_wait3A_113 = arith.constant 0 : i32
        %dma_wait3A_114 = tpu.memref_slice %arg4[%arg0, %dma_wait3A_112, %dma_wait3A_113] : memref<2x10000x128xf32, #tpu.memory_space<hbm>> -> memref<1x10000x128xf32, #tpu.memory_space<hbm>>
        %dma_wait3A_115 = tpu.memref_squeeze %dma_wait3A_114 : memref<1x10000x128xf32, #tpu.memory_space<hbm>> -> memref<10000x128xf32, #tpu.memory_space<hbm>>
        %dma_wait3A_116 = arith.constant 9984 : i32
        %dma_wait3A_117 = arith.constant 0 : i32
        %dma_wait3A_118 = tpu.memref_slice %dma_wait3A_115[%dma_wait3A_116, %dma_wait3A_117] : memref<10000x128xf32, #tpu.memory_space<hbm>> -> memref<16x128xf32, #tpu.memory_space<hbm>>
        %dma_wait3A_119 = arith.constant 9984 : i32
        %dma_wait3A_120 = arith.constant 0 : i32
        %dma_wait3A_121 = tpu.memref_slice %arg9[%dma_wait3A_119, %dma_wait3A_120] : memref<10000x128xf32, #tpu.memory_space<vmem_shared>> -> memref<16x128xf32, #tpu.memory_space<vmem_shared>>
        tpu.wait_dma2 semaphore(%run_scoped3A : memref<!tpu.dma_semaphore, #tpu.memory_space<semaphore_mem>>) src(%dma_wait3A_121 : memref<16x128xf32, #tpu.memory_space<vmem_shared>>) dst(%dma_wait3A_118 : memref<16x128xf32, #tpu.memory_space<hbm>>)
        tpu.yield
      }) : () -> ()
    } else {
    }
    return
  }
}

#map = affine_map<(d0, d1) -> (0, 0)>
#map1 = affine_map<(d0, d1) -> (0, 0, 0)>
module attributes {stable_mosaic.version = 14 : i64} {
  func.func @_deg_body(%arg0: i32, %arg1: i32, %arg2: memref<2x320000xi32, #tpu.memory_space<hbm>>, %arg3: memref<2x10000x16xf32, #tpu.memory_space<hbm>>, %arg4: memref<10000xi32, #tpu.memory_space<vmem>>, %arg5: memref<104x16xf32, #tpu.memory_space<vmem>>, %arg6: memref<624x16xf32, #tpu.memory_space<vmem>>, %arg7: memref<10000x16xf32, #tpu.memory_space<vmem_shared>>) attributes {dimension_semantics = [#tpu.dimension_semantics<core_parallel>, #tpu.dimension_semantics<subcore_parallel>], iteration_bounds = array<i64: 2, 16>, scalar_prefetch = 0 : i64, scratch_operands = 4 : i64, tpu.core_type = #tpu.core_type<sc_vector_subcore>, window_params = [{transform_indices = #map}, {transform_indices = #map1}]} {
    %mul3A = arith.constant 16 : i32
    %mul3A_0 = arith.muli %arg0, %mul3A : i32
    %add3A = arith.addi %mul3A_0, %arg1 : i32
    %scan3A = arith.constant 0 : i32
    %scan3A_1 = arith.constant 0 : i32
    %scan3A_2 = arith.constant 104 : i32
    %scan3A_3 = arith.addi %scan3A_1, %scan3A_2 : i32
    %scan3A_4 = arith.constant 1 : i32
    scf.for %scan3A_34 = %scan3A_1 to %scan3A_3 step %scan3A_4  : i32 {
      %broadcast_in_dim3A = arith.constant 1.000000e+00 : f32
      %broadcast_in_dim3A_35 = vector.broadcast %broadcast_in_dim3A : f32 to vector<16xf32>
      %swap3A = arith.index_cast %scan3A_34 : i32 to index
      %swap3A_36 = arith.constant 0 : index
      %swap3A_37 = tpu.vector_load %arg5[%swap3A, %swap3A_36] {strides = array<i32>} : memref<104x16xf32, #tpu.memory_space<vmem>>, vector<1x16xf32>,
      %swap3A_38 = vector.shape_cast %swap3A_37 : vector<1x16xf32> to vector<16xf32>
      %swap3A_39 = vector.shape_cast %broadcast_in_dim3A_35 : vector<16xf32> to vector<1x16xf32>
      tpu.vector_store %arg5[%swap3A, %swap3A_36], %swap3A_39 {strides = array<i32>} : memref<104x16xf32, #tpu.memory_space<vmem>>, vector<1x16xf32>,
    }
    %scan3A_5 = arith.constant 104 : i32
    %scan3A_6 = arith.constant 0 : i32
    %scan3A_7 = arith.constant 0 : i32
    %scan3A_8 = arith.constant 624 : i32
    %scan3A_9 = arith.addi %scan3A_7, %scan3A_8 : i32
    %scan3A_10 = arith.constant 1 : i32
    scf.for %scan3A_34 = %scan3A_7 to %scan3A_9 step %scan3A_10  : i32 {
      %broadcast_in_dim3A = arith.constant 0.000000e+00 : f32
      %broadcast_in_dim3A_35 = vector.broadcast %broadcast_in_dim3A : f32 to vector<16xf32>
      %swap3A = arith.index_cast %scan3A_34 : i32 to index
      %swap3A_36 = arith.constant 0 : index
      %swap3A_37 = tpu.vector_load %arg6[%swap3A, %swap3A_36] {strides = array<i32>} : memref<624x16xf32, #tpu.memory_space<vmem>>, vector<1x16xf32>,
      %swap3A_38 = vector.shape_cast %swap3A_37 : vector<1x16xf32> to vector<16xf32>
      %swap3A_39 = vector.shape_cast %broadcast_in_dim3A_35 : vector<16xf32> to vector<1x16xf32>
      tpu.vector_store %arg6[%swap3A, %swap3A_36], %swap3A_39 {strides = array<i32>} : memref<624x16xf32, #tpu.memory_space<vmem>>, vector<1x16xf32>,
    }
    %scan3A_11 = arith.constant 624 : i32
    %mul3A_12 = arith.constant 624 : i32
    %mul3A_13 = arith.muli %arg1, %mul3A_12 : i32
    "tpu.region"() ({
      %run_scoped3A_34 = tpu.sem_alloc : memref<!tpu.dma_semaphore, #tpu.memory_space<semaphore_mem>>
      %dma_start3A = arith.constant 0 : i32
      %dma_start3A_35 = tpu.memref_slice %arg7[%mul3A_13, %dma_start3A] : memref<10000x16xf32, #tpu.memory_space<vmem_shared>> -> memref<624x16xf32, #tpu.memory_space<vmem_shared>>
      %dma_start3A_36 = arith.constant 0 : i32
      %dma_start3A_37 = tpu.memref_slice %arg7[%mul3A_13, %dma_start3A_36] : memref<10000x16xf32, #tpu.memory_space<vmem_shared>> -> memref<624x16xf32, #tpu.memory_space<vmem_shared>>
      tpu.enqueue_dma source(%arg6 : memref<624x16xf32, #tpu.memory_space<vmem>>) target(%dma_start3A_37 : memref<624x16xf32, #tpu.memory_space<vmem_shared>>) target_semaphore(%run_scoped3A_34 : memref<!tpu.dma_semaphore, #tpu.memory_space<semaphore_mem>>)
      %dma_wait3A = arith.constant 0 : i32
      %dma_wait3A_38 = tpu.memref_slice %arg7[%mul3A_13, %dma_wait3A] : memref<10000x16xf32, #tpu.memory_space<vmem_shared>> -> memref<624x16xf32, #tpu.memory_space<vmem_shared>>
      %dma_wait3A_39 = arith.constant 0 : i32
      %dma_wait3A_40 = tpu.memref_slice %arg7[%mul3A_13, %dma_wait3A_39] : memref<10000x16xf32, #tpu.memory_space<vmem_shared>> -> memref<624x16xf32, #tpu.memory_space<vmem_shared>>
      tpu.wait_dma2 semaphore(%run_scoped3A_34 : memref<!tpu.dma_semaphore, #tpu.memory_space<semaphore_mem>>) src(%arg6 : memref<624x16xf32, #tpu.memory_space<vmem>>) dst(%dma_wait3A_40 : memref<624x16xf32, #tpu.memory_space<vmem_shared>>)
      tpu.yield
    }) : () -> ()
    %eq3A = arith.constant 0 : i32
    %eq3A_14 = arith.cmpi eq, %arg1, %eq3A : i32
    %convert_element_type3A = arith.extui %eq3A_14 : i1 to i32
    %cond3A = arith.constant 0 : i32
    %cond3A_15 = arith.cmpi ne, %convert_element_type3A, %cond3A : i32
    scf.if %cond3A_15 {
      "tpu.region"() ({
        %run_scoped3A_34 = tpu.sem_alloc : memref<!tpu.dma_semaphore, #tpu.memory_space<semaphore_mem>>
        %dma_start3A = arith.constant 0 : i32
        %dma_start3A_35 = arith.constant 0 : i32
        %dma_start3A_36 = tpu.memref_slice %arg6[%dma_start3A, %dma_start3A_35] : memref<624x16xf32, #tpu.memory_space<vmem>> -> memref<16x16xf32, #tpu.memory_space<vmem>>
        %dma_start3A_37 = arith.constant 9984 : i32
        %dma_start3A_38 = arith.constant 0 : i32
        %dma_start3A_39 = tpu.memref_slice %arg7[%dma_start3A_37, %dma_start3A_38] : memref<10000x16xf32, #tpu.memory_space<vmem_shared>> -> memref<16x16xf32, #tpu.memory_space<vmem_shared>>
        %dma_start3A_40 = arith.constant 9984 : i32
        %dma_start3A_41 = arith.constant 0 : i32
        %dma_start3A_42 = tpu.memref_slice %arg7[%dma_start3A_40, %dma_start3A_41] : memref<10000x16xf32, #tpu.memory_space<vmem_shared>> -> memref<16x16xf32, #tpu.memory_space<vmem_shared>>
        %dma_start3A_43 = arith.constant 0 : i32
        %dma_start3A_44 = arith.constant 0 : i32
        %dma_start3A_45 = tpu.memref_slice %arg6[%dma_start3A_43, %dma_start3A_44] : memref<624x16xf32, #tpu.memory_space<vmem>> -> memref<16x16xf32, #tpu.memory_space<vmem>>
        tpu.enqueue_dma source(%dma_start3A_45 : memref<16x16xf32, #tpu.memory_space<vmem>>) target(%dma_start3A_42 : memref<16x16xf32, #tpu.memory_space<vmem_shared>>) target_semaphore(%run_scoped3A_34 : memref<!tpu.dma_semaphore, #tpu.memory_space<semaphore_mem>>)
        %dma_wait3A = arith.constant 0 : i32
        %dma_wait3A_46 = arith.constant 0 : i32
        %dma_wait3A_47 = tpu.memref_slice %arg6[%dma_wait3A, %dma_wait3A_46] : memref<624x16xf32, #tpu.memory_space<vmem>> -> memref<16x16xf32, #tpu.memory_space<vmem>>
        %dma_wait3A_48 = arith.constant 9984 : i32
        %dma_wait3A_49 = arith.constant 0 : i32
        %dma_wait3A_50 = tpu.memref_slice %arg7[%dma_wait3A_48, %dma_wait3A_49] : memref<10000x16xf32, #tpu.memory_space<vmem_shared>> -> memref<16x16xf32, #tpu.memory_space<vmem_shared>>
        %dma_wait3A_51 = arith.constant 9984 : i32
        %dma_wait3A_52 = arith.constant 0 : i32
        %dma_wait3A_53 = tpu.memref_slice %arg7[%dma_wait3A_51, %dma_wait3A_52] : memref<10000x16xf32, #tpu.memory_space<vmem_shared>> -> memref<16x16xf32, #tpu.memory_space<vmem_shared>>
        %dma_wait3A_54 = arith.constant 0 : i32
        %dma_wait3A_55 = arith.constant 0 : i32
        %dma_wait3A_56 = tpu.memref_slice %arg6[%dma_wait3A_54, %dma_wait3A_55] : memref<624x16xf32, #tpu.memory_space<vmem>> -> memref<16x16xf32, #tpu.memory_space<vmem>>
        tpu.wait_dma2 semaphore(%run_scoped3A_34 : memref<!tpu.dma_semaphore, #tpu.memory_space<semaphore_mem>>) src(%dma_wait3A_56 : memref<16x16xf32, #tpu.memory_space<vmem>>) dst(%dma_wait3A_53 : memref<16x16xf32, #tpu.memory_space<vmem_shared>>)
        tpu.yield
      }) : () -> ()
    } else {
    }
    %mul3A_16 = arith.constant 10000 : i32
    %mul3A_17 = arith.muli %add3A, %mul3A_16 : i32
    %run_scoped3A = arith.constant 1 : i32
    "tpu.region"() ({
      %run_scoped3A_34 = tpu.sem_alloc : memref<!tpu.dma_semaphore, #tpu.memory_space<semaphore_mem>>
      %dma_start3A = arith.constant 0 : i32
      %dma_start3A_35 = tpu.memref_slice %arg2[%run_scoped3A, %dma_start3A] : memref<2x320000xi32, #tpu.memory_space<hbm>> -> memref<1x320000xi32, #tpu.memory_space<hbm>>
      %dma_start3A_36 = tpu.memref_squeeze %dma_start3A_35 : memref<1x320000xi32, #tpu.memory_space<hbm>> -> memref<320000xi32, #tpu.memory_space<hbm>>
      %dma_start3A_37 = tpu.memref_slice %dma_start3A_36[%mul3A_17] : memref<320000xi32, #tpu.memory_space<hbm>> -> memref<10000xi32, #tpu.memory_space<hbm>>
      %dma_start3A_38 = arith.constant 0 : i32
      %dma_start3A_39 = tpu.memref_slice %arg2[%run_scoped3A, %dma_start3A_38] : memref<2x320000xi32, #tpu.memory_space<hbm>> -> memref<1x320000xi32, #tpu.memory_space<hbm>>
      %dma_start3A_40 = tpu.memref_squeeze %dma_start3A_39 : memref<1x320000xi32, #tpu.memory_space<hbm>> -> memref<320000xi32, #tpu.memory_space<hbm>>
      %dma_start3A_41 = tpu.memref_slice %dma_start3A_40[%mul3A_17] : memref<320000xi32, #tpu.memory_space<hbm>> -> memref<10000xi32, #tpu.memory_space<hbm>>
      tpu.enqueue_dma source(%dma_start3A_41 : memref<10000xi32, #tpu.memory_space<hbm>>) target(%arg4 : memref<10000xi32, #tpu.memory_space<vmem>>) target_semaphore(%run_scoped3A_34 : memref<!tpu.dma_semaphore, #tpu.memory_space<semaphore_mem>>)
      %dma_wait3A = arith.constant 0 : i32
      %dma_wait3A_42 = tpu.memref_slice %arg2[%run_scoped3A, %dma_wait3A] : memref<2x320000xi32, #tpu.memory_space<hbm>> -> memref<1x320000xi32, #tpu.memory_space<hbm>>
      %dma_wait3A_43 = tpu.memref_squeeze %dma_wait3A_42 : memref<1x320000xi32, #tpu.memory_space<hbm>> -> memref<320000xi32, #tpu.memory_space<hbm>>
      %dma_wait3A_44 = tpu.memref_slice %dma_wait3A_43[%mul3A_17] : memref<320000xi32, #tpu.memory_space<hbm>> -> memref<10000xi32, #tpu.memory_space<hbm>>
      %dma_wait3A_45 = arith.constant 0 : i32
      %dma_wait3A_46 = tpu.memref_slice %arg2[%run_scoped3A, %dma_wait3A_45] : memref<2x320000xi32, #tpu.memory_space<hbm>> -> memref<1x320000xi32, #tpu.memory_space<hbm>>
      %dma_wait3A_47 = tpu.memref_squeeze %dma_wait3A_46 : memref<1x320000xi32, #tpu.memory_space<hbm>> -> memref<320000xi32, #tpu.memory_space<hbm>>
      %dma_wait3A_48 = tpu.memref_slice %dma_wait3A_47[%mul3A_17] : memref<320000xi32, #tpu.memory_space<hbm>> -> memref<10000xi32, #tpu.memory_space<hbm>>
      tpu.wait_dma2 semaphore(%run_scoped3A_34 : memref<!tpu.dma_semaphore, #tpu.memory_space<semaphore_mem>>) src(%dma_wait3A_48 : memref<10000xi32, #tpu.memory_space<hbm>>) dst(%arg4 : memref<10000xi32, #tpu.memory_space<vmem>>)
      tpu.yield
    }) : () -> ()
    %barrier3A = arith.constant 0 : index
    tpu.barrier barrier_id(%barrier3A)
    %scan3A_18 = arith.constant 0 : i32
    %scan3A_19 = arith.constant 0 : i32
    %scan3A_20 = arith.constant 96 : i32
    %scan3A_21 = arith.addi %scan3A_19, %scan3A_20 : i32
    %scan3A_22 = arith.constant 1 : i32
    scf.for %scan3A_34 = %scan3A_19 to %scan3A_21 step %scan3A_22  : i32 {
      %mul3A_35 = arith.constant 104 : i32
      %mul3A_36 = arith.muli %scan3A_34, %mul3A_35 : i32
      "tpu.region"() ({
        %run_scoped3A_37 = tpu.sem_alloc : memref<!tpu.dma_semaphore, #tpu.memory_space<semaphore_mem>>
        %dma_start3A = tpu.memref_slice %arg4[%mul3A_36] : memref<10000xi32, #tpu.memory_space<vmem>> -> memref<104xi32, #tpu.memory_space<vmem>>
        %dma_start3A_38 = arith.constant 0 : i32
        %dma_start3A_39 = arith.constant 0 : i32
        %dma_start3A_40 = tpu.memref_slice %arg7[%dma_start3A_38, %dma_start3A_39] : memref<10000x16xf32, #tpu.memory_space<vmem_shared>> -> memref<10000x16xf32, #tpu.memory_space<vmem_shared>>
        tpu.enqueue_indirect_dma source(%arg5 : memref<104x16xf32, #tpu.memory_space<vmem>>) target(%dma_start3A_40 : memref<10000x16xf32, #tpu.memory_space<vmem_shared>>) offsets(%dma_start3A : memref<104xi32, #tpu.memory_space<vmem>>) semaphore(%run_scoped3A_37 : memref<!tpu.dma_semaphore, #tpu.memory_space<semaphore_mem>>) {add = true}
        %dma_wait3A = tpu.memref_slice %arg4[%mul3A_36] : memref<10000xi32, #tpu.memory_space<vmem>> -> memref<104xi32, #tpu.memory_space<vmem>>
        %dma_wait3A_41 = arith.constant 0 : i32
        %dma_wait3A_42 = arith.constant 0 : i32
        %dma_wait3A_43 = tpu.memref_slice %arg7[%dma_wait3A_41, %dma_wait3A_42] : memref<10000x16xf32, #tpu.memory_space<vmem_shared>> -> memref<10000x16xf32, #tpu.memory_space<vmem_shared>>
        tpu.wait_indirect_dma semaphore(%run_scoped3A_37 : memref<!tpu.dma_semaphore, #tpu.memory_space<semaphore_mem>>) src(%arg5 : memref<104x16xf32, #tpu.memory_space<vmem>>) dst(%dma_wait3A_43 : memref<10000x16xf32, #tpu.memory_space<vmem_shared>>)
        tpu.yield
      }) : () -> ()
    }
    %scan3A_23 = arith.constant 96 : i32
    "tpu.region"() ({
      %run_scoped3A_34 = tpu.sem_alloc : memref<!tpu.dma_semaphore, #tpu.memory_space<semaphore_mem>>
      %dma_start3A = arith.constant 0 : i32
      %dma_start3A_35 = arith.constant 0 : i32
      %dma_start3A_36 = tpu.memref_slice %arg5[%dma_start3A, %dma_start3A_35] : memref<104x16xf32, #tpu.memory_space<vmem>> -> memref<16x16xf32, #tpu.memory_space<vmem>>
      %dma_start3A_37 = arith.constant 9984 : i32
      %dma_start3A_38 = tpu.memref_slice %arg4[%dma_start3A_37] : memref<10000xi32, #tpu.memory_space<vmem>> -> memref<16xi32, #tpu.memory_space<vmem>>
      %dma_start3A_39 = arith.constant 0 : i32
      %dma_start3A_40 = arith.constant 0 : i32
      %dma_start3A_41 = tpu.memref_slice %arg7[%dma_start3A_39, %dma_start3A_40] : memref<10000x16xf32, #tpu.memory_space<vmem_shared>> -> memref<10000x16xf32, #tpu.memory_space<vmem_shared>>
      tpu.enqueue_indirect_dma source(%dma_start3A_36 : memref<16x16xf32, #tpu.memory_space<vmem>>) target(%dma_start3A_41 : memref<10000x16xf32, #tpu.memory_space<vmem_shared>>) offsets(%dma_start3A_38 : memref<16xi32, #tpu.memory_space<vmem>>) semaphore(%run_scoped3A_34 : memref<!tpu.dma_semaphore, #tpu.memory_space<semaphore_mem>>) {add = true}
      %dma_wait3A = arith.constant 0 : i32
      %dma_wait3A_42 = arith.constant 0 : i32
      %dma_wait3A_43 = tpu.memref_slice %arg5[%dma_wait3A, %dma_wait3A_42] : memref<104x16xf32, #tpu.memory_space<vmem>> -> memref<16x16xf32, #tpu.memory_space<vmem>>
      %dma_wait3A_44 = arith.constant 9984 : i32
      %dma_wait3A_45 = tpu.memref_slice %arg4[%dma_wait3A_44] : memref<10000xi32, #tpu.memory_space<vmem>> -> memref<16xi32, #tpu.memory_space<vmem>>
      %dma_wait3A_46 = arith.constant 0 : i32
      %dma_wait3A_47 = arith.constant 0 : i32
      %dma_wait3A_48 = tpu.memref_slice %arg7[%dma_wait3A_46, %dma_wait3A_47] : memref<10000x16xf32, #tpu.memory_space<vmem_shared>> -> memref<10000x16xf32, #tpu.memory_space<vmem_shared>>
      tpu.wait_indirect_dma semaphore(%run_scoped3A_34 : memref<!tpu.dma_semaphore, #tpu.memory_space<semaphore_mem>>) src(%dma_wait3A_43 : memref<16x16xf32, #tpu.memory_space<vmem>>) dst(%dma_wait3A_48 : memref<10000x16xf32, #tpu.memory_space<vmem_shared>>)
      tpu.yield
    }) : () -> ()
    %barrier3A_24 = arith.constant 0 : index
    tpu.barrier barrier_id(%barrier3A_24)
    %mul3A_25 = arith.constant 624 : i32
    %mul3A_26 = arith.muli %arg1, %mul3A_25 : i32
    %mul3A_27 = arith.constant 624 : i32
    %mul3A_28 = arith.muli %arg1, %mul3A_27 : i32
    "tpu.region"() ({
      %run_scoped3A_34 = tpu.sem_alloc : memref<!tpu.dma_semaphore, #tpu.memory_space<semaphore_mem>>
      %dma_start3A = arith.constant 0 : i32
      %dma_start3A_35 = arith.constant 0 : i32
      %dma_start3A_36 = tpu.memref_slice %arg3[%arg0, %dma_start3A, %dma_start3A_35] : memref<2x10000x16xf32, #tpu.memory_space<hbm>> -> memref<1x10000x16xf32, #tpu.memory_space<hbm>>
      %dma_start3A_37 = tpu.memref_squeeze %dma_start3A_36 : memref<1x10000x16xf32, #tpu.memory_space<hbm>> -> memref<10000x16xf32, #tpu.memory_space<hbm>>
      %dma_start3A_38 = arith.constant 0 : i32
      %dma_start3A_39 = tpu.memref_slice %dma_start3A_37[%mul3A_28, %dma_start3A_38] : memref<10000x16xf32, #tpu.memory_space<hbm>> -> memref<624x16xf32, #tpu.memory_space<hbm>>
      %dma_start3A_40 = arith.constant 0 : i32
      %dma_start3A_41 = tpu.memref_slice %arg7[%mul3A_26, %dma_start3A_40] : memref<10000x16xf32, #tpu.memory_space<vmem_shared>> -> memref<624x16xf32, #tpu.memory_space<vmem_shared>>
      tpu.enqueue_dma source(%dma_start3A_41 : memref<624x16xf32, #tpu.memory_space<vmem_shared>>) target(%dma_start3A_39 : memref<624x16xf32, #tpu.memory_space<hbm>>) target_semaphore(%run_scoped3A_34 : memref<!tpu.dma_semaphore, #tpu.memory_space<semaphore_mem>>)
      %dma_wait3A = arith.constant 0 : i32
      %dma_wait3A_42 = arith.constant 0 : i32
      %dma_wait3A_43 = tpu.memref_slice %arg3[%arg0, %dma_wait3A, %dma_wait3A_42] : memref<2x10000x16xf32, #tpu.memory_space<hbm>> -> memref<1x10000x16xf32, #tpu.memory_space<hbm>>
      %dma_wait3A_44 = tpu.memref_squeeze %dma_wait3A_43 : memref<1x10000x16xf32, #tpu.memory_space<hbm>> -> memref<10000x16xf32, #tpu.memory_space<hbm>>
      %dma_wait3A_45 = arith.constant 0 : i32
      %dma_wait3A_46 = tpu.memref_slice %dma_wait3A_44[%mul3A_28, %dma_wait3A_45] : memref<10000x16xf32, #tpu.memory_space<hbm>> -> memref<624x16xf32, #tpu.memory_space<hbm>>
      %dma_wait3A_47 = arith.constant 0 : i32
      %dma_wait3A_48 = tpu.memref_slice %arg7[%mul3A_26, %dma_wait3A_47] : memref<10000x16xf32, #tpu.memory_space<vmem_shared>> -> memref<624x16xf32, #tpu.memory_space<vmem_shared>>
      tpu.wait_dma2 semaphore(%run_scoped3A_34 : memref<!tpu.dma_semaphore, #tpu.memory_space<semaphore_mem>>) src(%dma_wait3A_48 : memref<624x16xf32, #tpu.memory_space<vmem_shared>>) dst(%dma_wait3A_46 : memref<624x16xf32, #tpu.memory_space<hbm>>)
      tpu.yield
    }) : () -> ()
    %eq3A_29 = arith.constant 0 : i32
    %eq3A_30 = arith.cmpi eq, %arg1, %eq3A_29 : i32
    %convert_element_type3A_31 = arith.extui %eq3A_30 : i1 to i32
    %cond3A_32 = arith.constant 0 : i32
    %cond3A_33 = arith.cmpi ne, %convert_element_type3A_31, %cond3A_32 : i32
    scf.if %cond3A_33 {
      "tpu.region"() ({
        %run_scoped3A_34 = tpu.sem_alloc : memref<!tpu.dma_semaphore, #tpu.memory_space<semaphore_mem>>
        %dma_start3A = arith.constant 0 : i32
        %dma_start3A_35 = arith.constant 0 : i32
        %dma_start3A_36 = tpu.memref_slice %arg3[%arg0, %dma_start3A, %dma_start3A_35] : memref<2x10000x16xf32, #tpu.memory_space<hbm>> -> memref<1x10000x16xf32, #tpu.memory_space<hbm>>
        %dma_start3A_37 = tpu.memref_squeeze %dma_start3A_36 : memref<1x10000x16xf32, #tpu.memory_space<hbm>> -> memref<10000x16xf32, #tpu.memory_space<hbm>>
        %dma_start3A_38 = arith.constant 9984 : i32
        %dma_start3A_39 = arith.constant 0 : i32
        %dma_start3A_40 = tpu.memref_slice %dma_start3A_37[%dma_start3A_38, %dma_start3A_39] : memref<10000x16xf32, #tpu.memory_space<hbm>> -> memref<16x16xf32, #tpu.memory_space<hbm>>
        %dma_start3A_41 = arith.constant 9984 : i32
        %dma_start3A_42 = arith.constant 0 : i32
        %dma_start3A_43 = tpu.memref_slice %arg7[%dma_start3A_41, %dma_start3A_42] : memref<10000x16xf32, #tpu.memory_space<vmem_shared>> -> memref<16x16xf32, #tpu.memory_space<vmem_shared>>
        tpu.enqueue_dma source(%dma_start3A_43 : memref<16x16xf32, #tpu.memory_space<vmem_shared>>) target(%dma_start3A_40 : memref<16x16xf32, #tpu.memory_space<hbm>>) target_semaphore(%run_scoped3A_34 : memref<!tpu.dma_semaphore, #tpu.memory_space<semaphore_mem>>)
        %dma_wait3A = arith.constant 0 : i32
        %dma_wait3A_44 = arith.constant 0 : i32
        %dma_wait3A_45 = tpu.memref_slice %arg3[%arg0, %dma_wait3A, %dma_wait3A_44] : memref<2x10000x16xf32, #tpu.memory_space<hbm>> -> memref<1x10000x16xf32, #tpu.memory_space<hbm>>
        %dma_wait3A_46 = tpu.memref_squeeze %dma_wait3A_45 : memref<1x10000x16xf32, #tpu.memory_space<hbm>> -> memref<10000x16xf32, #tpu.memory_space<hbm>>
        %dma_wait3A_47 = arith.constant 9984 : i32
        %dma_wait3A_48 = arith.constant 0 : i32
        %dma_wait3A_49 = tpu.memref_slice %dma_wait3A_46[%dma_wait3A_47, %dma_wait3A_48] : memref<10000x16xf32, #tpu.memory_space<hbm>> -> memref<16x16xf32, #tpu.memory_space<hbm>>
        %dma_wait3A_50 = arith.constant 9984 : i32
        %dma_wait3A_51 = arith.constant 0 : i32
        %dma_wait3A_52 = tpu.memref_slice %arg7[%dma_wait3A_50, %dma_wait3A_51] : memref<10000x16xf32, #tpu.memory_space<vmem_shared>> -> memref<16x16xf32, #tpu.memory_space<vmem_shared>>
        tpu.wait_dma2 semaphore(%run_scoped3A_34 : memref<!tpu.dma_semaphore, #tpu.memory_space<semaphore_mem>>) src(%dma_wait3A_52 : memref<16x16xf32, #tpu.memory_space<vmem_shared>>) dst(%dma_wait3A_49 : memref<16x16xf32, #tpu.memory_space<hbm>>)
        tpu.yield
      }) : () -> ()
    } else {
    }
    return
  }
}

#map = affine_map<(d0, d1) -> (0, 0)>
#map1 = affine_map<(d0, d1) -> (0, 0, 0)>
module attributes {stable_mosaic.version = 14 : i64} {
  func.func @_edge_body(%arg0: i32, %arg1: i32, %arg2: memref<10000x128xf32, #tpu.memory_space<hbm>>, %arg3: memref<2x320000xi32, #tpu.memory_space<hbm>>, %arg4: memref<2x10000x128xf32, #tpu.memory_space<hbm>>, %arg5: memref<10000xi32, #tpu.memory_space<vmem>>, %arg6: memref<10000xi32, #tpu.memory_space<vmem>>, %arg7: memref<104x128xf32, #tpu.memory_space<vmem>>, %arg8: memref<104x128xf32, #tpu.memory_space<vmem>>, %arg9: memref<10000x128xf32, #tpu.memory_space<vmem_shared>>, %arg10: memref<!tpu.dma_semaphore, #tpu.memory_space<semaphore_mem>>, %arg11: memref<!tpu.dma_semaphore, #tpu.memory_space<semaphore_mem>>) attributes {dimension_semantics = [#tpu.dimension_semantics<core_parallel>, #tpu.dimension_semantics<subcore_parallel>], iteration_bounds = array<i64: 2, 16>, scalar_prefetch = 0 : i64, scratch_operands = 7 : i64, tpu.core_type = #tpu.core_type<sc_vector_subcore>, window_params = [{transform_indices = #map}, {transform_indices = #map}, {transform_indices = #map1}]} {
    %mul3A = arith.constant 16 : i32
    %mul3A_0 = arith.muli %arg0, %mul3A : i32
    %add3A = arith.addi %mul3A_0, %arg1 : i32
    %mul3A_1 = arith.constant 10000 : i32
    %mul3A_2 = arith.muli %add3A, %mul3A_1 : i32
    %dma_start3A = arith.constant 0 : i32
    %dma_start3A_3 = arith.constant 0 : i32
    %dma_start3A_4 = tpu.memref_slice %arg3[%dma_start3A, %dma_start3A_3] : memref<2x320000xi32, #tpu.memory_space<hbm>> -> memref<1x320000xi32, #tpu.memory_space<hbm>>
    %dma_start3A_5 = tpu.memref_squeeze %dma_start3A_4 : memref<1x320000xi32, #tpu.memory_space<hbm>> -> memref<320000xi32, #tpu.memory_space<hbm>>
    %dma_start3A_6 = tpu.memref_slice %dma_start3A_5[%mul3A_2] : memref<320000xi32, #tpu.memory_space<hbm>> -> memref<10000xi32, #tpu.memory_space<hbm>>
    %dma_start3A_7 = arith.constant 0 : i32
    %dma_start3A_8 = tpu.memref_slice %arg3[%dma_start3A, %dma_start3A_7] : memref<2x320000xi32, #tpu.memory_space<hbm>> -> memref<1x320000xi32, #tpu.memory_space<hbm>>
    %dma_start3A_9 = tpu.memref_squeeze %dma_start3A_8 : memref<1x320000xi32, #tpu.memory_space<hbm>> -> memref<320000xi32, #tpu.memory_space<hbm>>
    %dma_start3A_10 = tpu.memref_slice %dma_start3A_9[%mul3A_2] : memref<320000xi32, #tpu.memory_space<hbm>> -> memref<10000xi32, #tpu.memory_space<hbm>>
    tpu.enqueue_dma source(%dma_start3A_10 : memref<10000xi32, #tpu.memory_space<hbm>>) target(%arg5 : memref<10000xi32, #tpu.memory_space<vmem>>) target_semaphore(%arg10 : memref<!tpu.dma_semaphore, #tpu.memory_space<semaphore_mem>>)
    %mul3A_11 = arith.constant 10000 : i32
    %mul3A_12 = arith.muli %add3A, %mul3A_11 : i32
    %dma_start3A_13 = arith.constant 1 : i32
    %dma_start3A_14 = arith.constant 0 : i32
    %dma_start3A_15 = tpu.memref_slice %arg3[%dma_start3A_13, %dma_start3A_14] : memref<2x320000xi32, #tpu.memory_space<hbm>> -> memref<1x320000xi32, #tpu.memory_space<hbm>>
    %dma_start3A_16 = tpu.memref_squeeze %dma_start3A_15 : memref<1x320000xi32, #tpu.memory_space<hbm>> -> memref<320000xi32, #tpu.memory_space<hbm>>
    %dma_start3A_17 = tpu.memref_slice %dma_start3A_16[%mul3A_12] : memref<320000xi32, #tpu.memory_space<hbm>> -> memref<10000xi32, #tpu.memory_space<hbm>>
    %dma_start3A_18 = arith.constant 0 : i32
    %dma_start3A_19 = tpu.memref_slice %arg3[%dma_start3A_13, %dma_start3A_18] : memref<2x320000xi32, #tpu.memory_space<hbm>> -> memref<1x320000xi32, #tpu.memory_space<hbm>>
    %dma_start3A_20 = tpu.memref_squeeze %dma_start3A_19 : memref<1x320000xi32, #tpu.memory_space<hbm>> -> memref<320000xi32, #tpu.memory_space<hbm>>
    %dma_start3A_21 = tpu.memref_slice %dma_start3A_20[%mul3A_12] : memref<320000xi32, #tpu.memory_space<hbm>> -> memref<10000xi32, #tpu.memory_space<hbm>>
    tpu.enqueue_dma source(%dma_start3A_21 : memref<10000xi32, #tpu.memory_space<hbm>>) target(%arg6 : memref<10000xi32, #tpu.memory_space<vmem>>) target_semaphore(%arg11 : memref<!tpu.dma_semaphore, #tpu.memory_space<semaphore_mem>>)
    %scan3A = arith.constant 0 : i32
    %scan3A_22 = arith.constant 0 : i32
    %scan3A_23 = arith.constant 96 : i32
    %scan3A_24 = arith.addi %scan3A_22, %scan3A_23 : i32
    %scan3A_25 = arith.constant 1 : i32
    scf.for %scan3A_102 = %scan3A_22 to %scan3A_24 step %scan3A_25  : i32 {
      %broadcast_in_dim3A = arith.constant 0.000000e+00 : f32
      %broadcast_in_dim3A_103 = vector.broadcast %broadcast_in_dim3A : f32 to vector<16xf32>
      %swap3A = arith.index_cast %scan3A_102 : i32 to index
      %swap3A_104 = arith.constant 0 : index
      %swap3A_105 = tpu.vector_load %arg8[%swap3A, %swap3A_104] {strides = array<i32>} : memref<104x128xf32, #tpu.memory_space<vmem>>, vector<1x16xf32>,
      %swap3A_106 = vector.shape_cast %swap3A_105 : vector<1x16xf32> to vector<16xf32>
      %swap3A_107 = vector.shape_cast %broadcast_in_dim3A_103 : vector<16xf32> to vector<1x16xf32>
      tpu.vector_store %arg8[%swap3A, %swap3A_104], %swap3A_107 {strides = array<i32>} : memref<104x128xf32, #tpu.memory_space<vmem>>, vector<1x16xf32>,
      %broadcast_in_dim3A_108 = arith.constant 0.000000e+00 : f32
      %broadcast_in_dim3A_109 = vector.broadcast %broadcast_in_dim3A_108 : f32 to vector<16xf32>
      %swap3A_110 = arith.index_cast %scan3A_102 : i32 to index
      %swap3A_111 = arith.constant 16 : index
      %swap3A_112 = tpu.vector_load %arg8[%swap3A_110, %swap3A_111] {strides = array<i32>} : memref<104x128xf32, #tpu.memory_space<vmem>>, vector<1x16xf32>,
      %swap3A_113 = vector.shape_cast %swap3A_112 : vector<1x16xf32> to vector<16xf32>
      %swap3A_114 = vector.shape_cast %broadcast_in_dim3A_109 : vector<16xf32> to vector<1x16xf32>
      tpu.vector_store %arg8[%swap3A_110, %swap3A_111], %swap3A_114 {strides = array<i32>} : memref<104x128xf32, #tpu.memory_space<vmem>>, vector<1x16xf32>,
      %broadcast_in_dim3A_115 = arith.constant 0.000000e+00 : f32
      %broadcast_in_dim3A_116 = vector.broadcast %broadcast_in_dim3A_115 : f32 to vector<16xf32>
      %swap3A_117 = arith.index_cast %scan3A_102 : i32 to index
      %swap3A_118 = arith.constant 32 : index
      %swap3A_119 = tpu.vector_load %arg8[%swap3A_117, %swap3A_118] {strides = array<i32>} : memref<104x128xf32, #tpu.memory_space<vmem>>, vector<1x16xf32>,
      %swap3A_120 = vector.shape_cast %swap3A_119 : vector<1x16xf32> to vector<16xf32>
      %swap3A_121 = vector.shape_cast %broadcast_in_dim3A_116 : vector<16xf32> to vector<1x16xf32>
      tpu.vector_store %arg8[%swap3A_117, %swap3A_118], %swap3A_121 {strides = array<i32>} : memref<104x128xf32, #tpu.memory_space<vmem>>, vector<1x16xf32>,
      %broadcast_in_dim3A_122 = arith.constant 0.000000e+00 : f32
      %broadcast_in_dim3A_123 = vector.broadcast %broadcast_in_dim3A_122 : f32 to vector<16xf32>
      %swap3A_124 = arith.index_cast %scan3A_102 : i32 to index
      %swap3A_125 = arith.constant 48 : index
      %swap3A_126 = tpu.vector_load %arg8[%swap3A_124, %swap3A_125] {strides = array<i32>} : memref<104x128xf32, #tpu.memory_space<vmem>>, vector<1x16xf32>,
      %swap3A_127 = vector.shape_cast %swap3A_126 : vector<1x16xf32> to vector<16xf32>
      %swap3A_128 = vector.shape_cast %broadcast_in_dim3A_123 : vector<16xf32> to vector<1x16xf32>
      tpu.vector_store %arg8[%swap3A_124, %swap3A_125], %swap3A_128 {strides = array<i32>} : memref<104x128xf32, #tpu.memory_space<vmem>>, vector<1x16xf32>,
      %broadcast_in_dim3A_129 = arith.constant 0.000000e+00 : f32
      %broadcast_in_dim3A_130 = vector.broadcast %broadcast_in_dim3A_129 : f32 to vector<16xf32>
      %swap3A_131 = arith.index_cast %scan3A_102 : i32 to index
      %swap3A_132 = arith.constant 64 : index
      %swap3A_133 = tpu.vector_load %arg8[%swap3A_131, %swap3A_132] {strides = array<i32>} : memref<104x128xf32, #tpu.memory_space<vmem>>, vector<1x16xf32>,
      %swap3A_134 = vector.shape_cast %swap3A_133 : vector<1x16xf32> to vector<16xf32>
      %swap3A_135 = vector.shape_cast %broadcast_in_dim3A_130 : vector<16xf32> to vector<1x16xf32>
      tpu.vector_store %arg8[%swap3A_131, %swap3A_132], %swap3A_135 {strides = array<i32>} : memref<104x128xf32, #tpu.memory_space<vmem>>, vector<1x16xf32>,
      %broadcast_in_dim3A_136 = arith.constant 0.000000e+00 : f32
      %broadcast_in_dim3A_137 = vector.broadcast %broadcast_in_dim3A_136 : f32 to vector<16xf32>
      %swap3A_138 = arith.index_cast %scan3A_102 : i32 to index
      %swap3A_139 = arith.constant 80 : index
      %swap3A_140 = tpu.vector_load %arg8[%swap3A_138, %swap3A_139] {strides = array<i32>} : memref<104x128xf32, #tpu.memory_space<vmem>>, vector<1x16xf32>,
      %swap3A_141 = vector.shape_cast %swap3A_140 : vector<1x16xf32> to vector<16xf32>
      %swap3A_142 = vector.shape_cast %broadcast_in_dim3A_137 : vector<16xf32> to vector<1x16xf32>
      tpu.vector_store %arg8[%swap3A_138, %swap3A_139], %swap3A_142 {strides = array<i32>} : memref<104x128xf32, #tpu.memory_space<vmem>>, vector<1x16xf32>,
      %broadcast_in_dim3A_143 = arith.constant 0.000000e+00 : f32
      %broadcast_in_dim3A_144 = vector.broadcast %broadcast_in_dim3A_143 : f32 to vector<16xf32>
      %swap3A_145 = arith.index_cast %scan3A_102 : i32 to index
      %swap3A_146 = arith.constant 96 : index
      %swap3A_147 = tpu.vector_load %arg8[%swap3A_145, %swap3A_146] {strides = array<i32>} : memref<104x128xf32, #tpu.memory_space<vmem>>, vector<1x16xf32>,
      %swap3A_148 = vector.shape_cast %swap3A_147 : vector<1x16xf32> to vector<16xf32>
      %swap3A_149 = vector.shape_cast %broadcast_in_dim3A_144 : vector<16xf32> to vector<1x16xf32>
      tpu.vector_store %arg8[%swap3A_145, %swap3A_146], %swap3A_149 {strides = array<i32>} : memref<104x128xf32, #tpu.memory_space<vmem>>, vector<1x16xf32>,
      %broadcast_in_dim3A_150 = arith.constant 0.000000e+00 : f32
      %broadcast_in_dim3A_151 = vector.broadcast %broadcast_in_dim3A_150 : f32 to vector<16xf32>
      %swap3A_152 = arith.index_cast %scan3A_102 : i32 to index
      %swap3A_153 = arith.constant 112 : index
      %swap3A_154 = tpu.vector_load %arg8[%swap3A_152, %swap3A_153] {strides = array<i32>} : memref<104x128xf32, #tpu.memory_space<vmem>>, vector<1x16xf32>,
      %swap3A_155 = vector.shape_cast %swap3A_154 : vector<1x16xf32> to vector<16xf32>
      %swap3A_156 = vector.shape_cast %broadcast_in_dim3A_151 : vector<16xf32> to vector<1x16xf32>
      tpu.vector_store %arg8[%swap3A_152, %swap3A_153], %swap3A_156 {strides = array<i32>} : memref<104x128xf32, #tpu.memory_space<vmem>>, vector<1x16xf32>,
    }
    %scan3A_26 = arith.constant 96 : i32
    %scan3A_27 = arith.constant 0 : i32
    %scan3A_28 = arith.constant 0 : i32
    %scan3A_29 = arith.constant 6 : i32
    %scan3A_30 = arith.addi %scan3A_28, %scan3A_29 : i32
    %scan3A_31 = arith.constant 1 : i32
    scf.for %scan3A_102 = %scan3A_28 to %scan3A_30 step %scan3A_31  : i32 {
      %mul3A_103 = arith.constant 624 : i32
      %mul3A_104 = arith.muli %arg1, %mul3A_103 : i32
      %mul3A_105 = arith.constant 96 : i32
      %mul3A_106 = arith.muli %scan3A_102, %mul3A_105 : i32
      %add3A_107 = arith.addi %mul3A_104, %mul3A_106 : i32
      "tpu.region"() ({
        %run_scoped3A = tpu.sem_alloc : memref<!tpu.dma_semaphore, #tpu.memory_space<semaphore_mem>>
        %dma_start3A_108 = arith.constant 0 : i32
        %dma_start3A_109 = arith.constant 0 : i32
        %dma_start3A_110 = tpu.memref_slice %arg8[%dma_start3A_108, %dma_start3A_109] : memref<104x128xf32, #tpu.memory_space<vmem>> -> memref<96x128xf32, #tpu.memory_space<vmem>>
        %dma_start3A_111 = arith.constant 0 : i32
        %dma_start3A_112 = tpu.memref_slice %arg9[%add3A_107, %dma_start3A_111] : memref<10000x128xf32, #tpu.memory_space<vmem_shared>> -> memref<96x128xf32, #tpu.memory_space<vmem_shared>>
        %dma_start3A_113 = arith.constant 0 : i32
        %dma_start3A_114 = tpu.memref_slice %arg9[%add3A_107, %dma_start3A_113] : memref<10000x128xf32, #tpu.memory_space<vmem_shared>> -> memref<96x128xf32, #tpu.memory_space<vmem_shared>>
        %dma_start3A_115 = arith.constant 0 : i32
        %dma_start3A_116 = arith.constant 0 : i32
        %dma_start3A_117 = tpu.memref_slice %arg8[%dma_start3A_115, %dma_start3A_116] : memref<104x128xf32, #tpu.memory_space<vmem>> -> memref<96x128xf32, #tpu.memory_space<vmem>>
        tpu.enqueue_dma source(%dma_start3A_117 : memref<96x128xf32, #tpu.memory_space<vmem>>) target(%dma_start3A_114 : memref<96x128xf32, #tpu.memory_space<vmem_shared>>) target_semaphore(%run_scoped3A : memref<!tpu.dma_semaphore, #tpu.memory_space<semaphore_mem>>)
        %dma_wait3A_118 = arith.constant 0 : i32
        %dma_wait3A_119 = arith.constant 0 : i32
        %dma_wait3A_120 = tpu.memref_slice %arg8[%dma_wait3A_118, %dma_wait3A_119] : memref<104x128xf32, #tpu.memory_space<vmem>> -> memref<96x128xf32, #tpu.memory_space<vmem>>
        %dma_wait3A_121 = arith.constant 0 : i32
        %dma_wait3A_122 = tpu.memref_slice %arg9[%add3A_107, %dma_wait3A_121] : memref<10000x128xf32, #tpu.memory_space<vmem_shared>> -> memref<96x128xf32, #tpu.memory_space<vmem_shared>>
        %dma_wait3A_123 = arith.constant 0 : i32
        %dma_wait3A_124 = tpu.memref_slice %arg9[%add3A_107, %dma_wait3A_123] : memref<10000x128xf32, #tpu.memory_space<vmem_shared>> -> memref<96x128xf32, #tpu.memory_space<vmem_shared>>
        %dma_wait3A_125 = arith.constant 0 : i32
        %dma_wait3A_126 = arith.constant 0 : i32
        %dma_wait3A_127 = tpu.memref_slice %arg8[%dma_wait3A_125, %dma_wait3A_126] : memref<104x128xf32, #tpu.memory_space<vmem>> -> memref<96x128xf32, #tpu.memory_space<vmem>>
        tpu.wait_dma2 semaphore(%run_scoped3A : memref<!tpu.dma_semaphore, #tpu.memory_space<semaphore_mem>>) src(%dma_wait3A_127 : memref<96x128xf32, #tpu.memory_space<vmem>>) dst(%dma_wait3A_124 : memref<96x128xf32, #tpu.memory_space<vmem_shared>>)
        tpu.yield
      }) : () -> ()
    }
    %scan3A_32 = arith.constant 6 : i32
    %mul3A_33 = arith.constant 624 : i32
    %mul3A_34 = arith.muli %arg1, %mul3A_33 : i32
    %add3A_35 = arith.constant 576 : i32
    %add3A_36 = arith.addi %mul3A_34, %add3A_35 : i32
    "tpu.region"() ({
      %run_scoped3A = tpu.sem_alloc : memref<!tpu.dma_semaphore, #tpu.memory_space<semaphore_mem>>
      %dma_start3A_102 = arith.constant 0 : i32
      %dma_start3A_103 = arith.constant 0 : i32
      %dma_start3A_104 = tpu.memref_slice %arg8[%dma_start3A_102, %dma_start3A_103] : memref<104x128xf32, #tpu.memory_space<vmem>> -> memref<48x128xf32, #tpu.memory_space<vmem>>
      %dma_start3A_105 = arith.constant 0 : i32
      %dma_start3A_106 = tpu.memref_slice %arg9[%add3A_36, %dma_start3A_105] : memref<10000x128xf32, #tpu.memory_space<vmem_shared>> -> memref<48x128xf32, #tpu.memory_space<vmem_shared>>
      %dma_start3A_107 = arith.constant 0 : i32
      %dma_start3A_108 = tpu.memref_slice %arg9[%add3A_36, %dma_start3A_107] : memref<10000x128xf32, #tpu.memory_space<vmem_shared>> -> memref<48x128xf32, #tpu.memory_space<vmem_shared>>
      %dma_start3A_109 = arith.constant 0 : i32
      %dma_start3A_110 = arith.constant 0 : i32
      %dma_start3A_111 = tpu.memref_slice %arg8[%dma_start3A_109, %dma_start3A_110] : memref<104x128xf32, #tpu.memory_space<vmem>> -> memref<48x128xf32, #tpu.memory_space<vmem>>
      tpu.enqueue_dma source(%dma_start3A_111 : memref<48x128xf32, #tpu.memory_space<vmem>>) target(%dma_start3A_108 : memref<48x128xf32, #tpu.memory_space<vmem_shared>>) target_semaphore(%run_scoped3A : memref<!tpu.dma_semaphore, #tpu.memory_space<semaphore_mem>>)
      %dma_wait3A_112 = arith.constant 0 : i32
      %dma_wait3A_113 = arith.constant 0 : i32
      %dma_wait3A_114 = tpu.memref_slice %arg8[%dma_wait3A_112, %dma_wait3A_113] : memref<104x128xf32, #tpu.memory_space<vmem>> -> memref<48x128xf32, #tpu.memory_space<vmem>>
      %dma_wait3A_115 = arith.constant 0 : i32
      %dma_wait3A_116 = tpu.memref_slice %arg9[%add3A_36, %dma_wait3A_115] : memref<10000x128xf32, #tpu.memory_space<vmem_shared>> -> memref<48x128xf32, #tpu.memory_space<vmem_shared>>
      %dma_wait3A_117 = arith.constant 0 : i32
      %dma_wait3A_118 = tpu.memref_slice %arg9[%add3A_36, %dma_wait3A_117] : memref<10000x128xf32, #tpu.memory_space<vmem_shared>> -> memref<48x128xf32, #tpu.memory_space<vmem_shared>>
      %dma_wait3A_119 = arith.constant 0 : i32
      %dma_wait3A_120 = arith.constant 0 : i32
      %dma_wait3A_121 = tpu.memref_slice %arg8[%dma_wait3A_119, %dma_wait3A_120] : memref<104x128xf32, #tpu.memory_space<vmem>> -> memref<48x128xf32, #tpu.memory_space<vmem>>
      tpu.wait_dma2 semaphore(%run_scoped3A : memref<!tpu.dma_semaphore, #tpu.memory_space<semaphore_mem>>) src(%dma_wait3A_121 : memref<48x128xf32, #tpu.memory_space<vmem>>) dst(%dma_wait3A_118 : memref<48x128xf32, #tpu.memory_space<vmem_shared>>)
      tpu.yield
    }) : () -> ()
    %eq3A = arith.constant 0 : i32
    %eq3A_37 = arith.cmpi eq, %arg1, %eq3A : i32
    %convert_element_type3A = arith.extui %eq3A_37 : i1 to i32
    %cond3A = arith.constant 0 : i32
    %cond3A_38 = arith.cmpi ne, %convert_element_type3A, %cond3A : i32
    scf.if %cond3A_38 {
      "tpu.region"() ({
        %run_scoped3A = tpu.sem_alloc : memref<!tpu.dma_semaphore, #tpu.memory_space<semaphore_mem>>
        %dma_start3A_102 = arith.constant 0 : i32
        %dma_start3A_103 = arith.constant 0 : i32
        %dma_start3A_104 = tpu.memref_slice %arg8[%dma_start3A_102, %dma_start3A_103] : memref<104x128xf32, #tpu.memory_space<vmem>> -> memref<16x128xf32, #tpu.memory_space<vmem>>
        %dma_start3A_105 = arith.constant 9984 : i32
        %dma_start3A_106 = arith.constant 0 : i32
        %dma_start3A_107 = tpu.memref_slice %arg9[%dma_start3A_105, %dma_start3A_106] : memref<10000x128xf32, #tpu.memory_space<vmem_shared>> -> memref<16x128xf32, #tpu.memory_space<vmem_shared>>
        %dma_start3A_108 = arith.constant 9984 : i32
        %dma_start3A_109 = arith.constant 0 : i32
        %dma_start3A_110 = tpu.memref_slice %arg9[%dma_start3A_108, %dma_start3A_109] : memref<10000x128xf32, #tpu.memory_space<vmem_shared>> -> memref<16x128xf32, #tpu.memory_space<vmem_shared>>
        %dma_start3A_111 = arith.constant 0 : i32
        %dma_start3A_112 = arith.constant 0 : i32
        %dma_start3A_113 = tpu.memref_slice %arg8[%dma_start3A_111, %dma_start3A_112] : memref<104x128xf32, #tpu.memory_space<vmem>> -> memref<16x128xf32, #tpu.memory_space<vmem>>
        tpu.enqueue_dma source(%dma_start3A_113 : memref<16x128xf32, #tpu.memory_space<vmem>>) target(%dma_start3A_110 : memref<16x128xf32, #tpu.memory_space<vmem_shared>>) target_semaphore(%run_scoped3A : memref<!tpu.dma_semaphore, #tpu.memory_space<semaphore_mem>>)
        %dma_wait3A_114 = arith.constant 0 : i32
        %dma_wait3A_115 = arith.constant 0 : i32
        %dma_wait3A_116 = tpu.memref_slice %arg8[%dma_wait3A_114, %dma_wait3A_115] : memref<104x128xf32, #tpu.memory_space<vmem>> -> memref<16x128xf32, #tpu.memory_space<vmem>>
        %dma_wait3A_117 = arith.constant 9984 : i32
        %dma_wait3A_118 = arith.constant 0 : i32
        %dma_wait3A_119 = tpu.memref_slice %arg9[%dma_wait3A_117, %dma_wait3A_118] : memref<10000x128xf32, #tpu.memory_space<vmem_shared>> -> memref<16x128xf32, #tpu.memory_space<vmem_shared>>
        %dma_wait3A_120 = arith.constant 9984 : i32
        %dma_wait3A_121 = arith.constant 0 : i32
        %dma_wait3A_122 = tpu.memref_slice %arg9[%dma_wait3A_120, %dma_wait3A_121] : memref<10000x128xf32, #tpu.memory_space<vmem_shared>> -> memref<16x128xf32, #tpu.memory_space<vmem_shared>>
        %dma_wait3A_123 = arith.constant 0 : i32
        %dma_wait3A_124 = arith.constant 0 : i32
        %dma_wait3A_125 = tpu.memref_slice %arg8[%dma_wait3A_123, %dma_wait3A_124] : memref<104x128xf32, #tpu.memory_space<vmem>> -> memref<16x128xf32, #tpu.memory_space<vmem>>
        tpu.wait_dma2 semaphore(%run_scoped3A : memref<!tpu.dma_semaphore, #tpu.memory_space<semaphore_mem>>) src(%dma_wait3A_125 : memref<16x128xf32, #tpu.memory_space<vmem>>) dst(%dma_wait3A_122 : memref<16x128xf32, #tpu.memory_space<vmem_shared>>)
        tpu.yield
      }) : () -> ()
    } else {
    }
    %mul3A_39 = arith.constant 10000 : i32
    %mul3A_40 = arith.muli %add3A, %mul3A_39 : i32
    %dma_wait3A = arith.constant 0 : i32
    %dma_wait3A_41 = arith.constant 0 : i32
    %dma_wait3A_42 = tpu.memref_slice %arg3[%dma_wait3A, %dma_wait3A_41] : memref<2x320000xi32, #tpu.memory_space<hbm>> -> memref<1x320000xi32, #tpu.memory_space<hbm>>
    %dma_wait3A_43 = tpu.memref_squeeze %dma_wait3A_42 : memref<1x320000xi32, #tpu.memory_space<hbm>> -> memref<320000xi32, #tpu.memory_space<hbm>>
    %dma_wait3A_44 = tpu.memref_slice %dma_wait3A_43[%mul3A_40] : memref<320000xi32, #tpu.memory_space<hbm>> -> memref<10000xi32, #tpu.memory_space<hbm>>
    %dma_wait3A_45 = arith.constant 0 : i32
    %dma_wait3A_46 = tpu.memref_slice %arg3[%dma_wait3A, %dma_wait3A_45] : memref<2x320000xi32, #tpu.memory_space<hbm>> -> memref<1x320000xi32, #tpu.memory_space<hbm>>
    %dma_wait3A_47 = tpu.memref_squeeze %dma_wait3A_46 : memref<1x320000xi32, #tpu.memory_space<hbm>> -> memref<320000xi32, #tpu.memory_space<hbm>>
    %dma_wait3A_48 = tpu.memref_slice %dma_wait3A_47[%mul3A_40] : memref<320000xi32, #tpu.memory_space<hbm>> -> memref<10000xi32, #tpu.memory_space<hbm>>
    tpu.wait_dma2 semaphore(%arg10 : memref<!tpu.dma_semaphore, #tpu.memory_space<semaphore_mem>>) src(%dma_wait3A_48 : memref<10000xi32, #tpu.memory_space<hbm>>) dst(%arg5 : memref<10000xi32, #tpu.memory_space<vmem>>)
    %mul3A_49 = arith.constant 10000 : i32
    %mul3A_50 = arith.muli %add3A, %mul3A_49 : i32
    %dma_wait3A_51 = arith.constant 1 : i32
    %dma_wait3A_52 = arith.constant 0 : i32
    %dma_wait3A_53 = tpu.memref_slice %arg3[%dma_wait3A_51, %dma_wait3A_52] : memref<2x320000xi32, #tpu.memory_space<hbm>> -> memref<1x320000xi32, #tpu.memory_space<hbm>>
    %dma_wait3A_54 = tpu.memref_squeeze %dma_wait3A_53 : memref<1x320000xi32, #tpu.memory_space<hbm>> -> memref<320000xi32, #tpu.memory_space<hbm>>
    %dma_wait3A_55 = tpu.memref_slice %dma_wait3A_54[%mul3A_50] : memref<320000xi32, #tpu.memory_space<hbm>> -> memref<10000xi32, #tpu.memory_space<hbm>>
    %dma_wait3A_56 = arith.constant 0 : i32
    %dma_wait3A_57 = tpu.memref_slice %arg3[%dma_wait3A_51, %dma_wait3A_56] : memref<2x320000xi32, #tpu.memory_space<hbm>> -> memref<1x320000xi32, #tpu.memory_space<hbm>>
    %dma_wait3A_58 = tpu.memref_squeeze %dma_wait3A_57 : memref<1x320000xi32, #tpu.memory_space<hbm>> -> memref<320000xi32, #tpu.memory_space<hbm>>
    %dma_wait3A_59 = tpu.memref_slice %dma_wait3A_58[%mul3A_50] : memref<320000xi32, #tpu.memory_space<hbm>> -> memref<10000xi32, #tpu.memory_space<hbm>>
    tpu.wait_dma2 semaphore(%arg11 : memref<!tpu.dma_semaphore, #tpu.memory_space<semaphore_mem>>) src(%dma_wait3A_59 : memref<10000xi32, #tpu.memory_space<hbm>>) dst(%arg6 : memref<10000xi32, #tpu.memory_space<vmem>>)
    %barrier3A = arith.constant 0 : index
    tpu.barrier barrier_id(%barrier3A)
    %dma_start3A_60 = arith.constant 0 : i32
    %dma_start3A_61 = tpu.memref_slice %arg5[%dma_start3A_60] : memref<10000xi32, #tpu.memory_space<vmem>> -> memref<104xi32, #tpu.memory_space<vmem>>
    %dma_start3A_62 = arith.constant 0 : i32
    %dma_start3A_63 = arith.constant 0 : i32
    %dma_start3A_64 = tpu.memref_slice %arg2[%dma_start3A_62, %dma_start3A_63] : memref<10000x128xf32, #tpu.memory_space<hbm>> -> memref<10000x128xf32, #tpu.memory_space<hbm>>
    tpu.enqueue_indirect_dma source(%dma_start3A_64 : memref<10000x128xf32, #tpu.memory_space<hbm>>) target(%arg7 : memref<104x128xf32, #tpu.memory_space<vmem>>) offsets(%dma_start3A_61 : memref<104xi32, #tpu.memory_space<vmem>>) semaphore(%arg10 : memref<!tpu.dma_semaphore, #tpu.memory_space<semaphore_mem>>)
    %dma_start3A_65 = arith.constant 104 : i32
    %dma_start3A_66 = tpu.memref_slice %arg5[%dma_start3A_65] : memref<10000xi32, #tpu.memory_space<vmem>> -> memref<104xi32, #tpu.memory_space<vmem>>
    %dma_start3A_67 = arith.constant 0 : i32
    %dma_start3A_68 = arith.constant 0 : i32
    %dma_start3A_69 = tpu.memref_slice %arg2[%dma_start3A_67, %dma_start3A_68] : memref<10000x128xf32, #tpu.memory_space<hbm>> -> memref<10000x128xf32, #tpu.memory_space<hbm>>
    tpu.enqueue_indirect_dma source(%dma_start3A_69 : memref<10000x128xf32, #tpu.memory_space<hbm>>) target(%arg8 : memref<104x128xf32, #tpu.memory_space<vmem>>) offsets(%dma_start3A_66 : memref<104xi32, #tpu.memory_space<vmem>>) semaphore(%arg11 : memref<!tpu.dma_semaphore, #tpu.memory_space<semaphore_mem>>)
    %scan3A_70 = arith.constant 0 : i32
    %scan3A_71 = arith.constant 0 : i32
    %scan3A_72 = arith.constant 48 : i32
    %scan3A_73 = arith.addi %scan3A_71, %scan3A_72 : i32
    %scan3A_74 = arith.constant 1 : i32
    scf.for %scan3A_102 = %scan3A_71 to %scan3A_73 step %scan3A_74  : i32 {
      %mul3A_103 = arith.constant 2 : i32
      %mul3A_104 = arith.muli %scan3A_102, %mul3A_103 : i32
      %add3A_105 = arith.constant 0 : i32
      %add3A_106 = arith.addi %mul3A_104, %add3A_105 : i32
      %mul3A_107 = arith.constant 104 : i32
      %mul3A_108 = arith.muli %add3A_106, %mul3A_107 : i32
      %dma_wait3A_109 = tpu.memref_slice %arg5[%mul3A_108] : memref<10000xi32, #tpu.memory_space<vmem>> -> memref<104xi32, #tpu.memory_space<vmem>>
      %dma_wait3A_110 = arith.constant 0 : i32
      %dma_wait3A_111 = arith.constant 0 : i32
      %dma_wait3A_112 = tpu.memref_slice %arg2[%dma_wait3A_110, %dma_wait3A_111] : memref<10000x128xf32, #tpu.memory_space<hbm>> -> memref<10000x128xf32, #tpu.memory_space<hbm>>
      tpu.wait_indirect_dma semaphore(%arg10 : memref<!tpu.dma_semaphore, #tpu.memory_space<semaphore_mem>>) src(%dma_wait3A_112 : memref<10000x128xf32, #tpu.memory_space<hbm>>) dst(%arg7 : memref<104x128xf32, #tpu.memory_space<vmem>>)
      %mul3A_113 = arith.constant 104 : i32
      %mul3A_114 = arith.muli %add3A_106, %mul3A_113 : i32
      "tpu.region"() ({
        %run_scoped3A = tpu.sem_alloc : memref<!tpu.dma_semaphore, #tpu.memory_space<semaphore_mem>>
        %dma_start3A_140 = tpu.memref_slice %arg6[%mul3A_114] : memref<10000xi32, #tpu.memory_space<vmem>> -> memref<104xi32, #tpu.memory_space<vmem>>
        %dma_start3A_141 = arith.constant 0 : i32
        %dma_start3A_142 = arith.constant 0 : i32
        %dma_start3A_143 = tpu.memref_slice %arg9[%dma_start3A_141, %dma_start3A_142] : memref<10000x128xf32, #tpu.memory_space<vmem_shared>> -> memref<10000x128xf32, #tpu.memory_space<vmem_shared>>
        tpu.enqueue_indirect_dma source(%arg7 : memref<104x128xf32, #tpu.memory_space<vmem>>) target(%dma_start3A_143 : memref<10000x128xf32, #tpu.memory_space<vmem_shared>>) offsets(%dma_start3A_140 : memref<104xi32, #tpu.memory_space<vmem>>) semaphore(%run_scoped3A : memref<!tpu.dma_semaphore, #tpu.memory_space<semaphore_mem>>) {add = true}
        %dma_wait3A_144 = tpu.memref_slice %arg6[%mul3A_114] : memref<10000xi32, #tpu.memory_space<vmem>> -> memref<104xi32, #tpu.memory_space<vmem>>
        %dma_wait3A_145 = arith.constant 0 : i32
        %dma_wait3A_146 = arith.constant 0 : i32
        %dma_wait3A_147 = tpu.memref_slice %arg9[%dma_wait3A_145, %dma_wait3A_146] : memref<10000x128xf32, #tpu.memory_space<vmem_shared>> -> memref<10000x128xf32, #tpu.memory_space<vmem_shared>>
        tpu.wait_indirect_dma semaphore(%run_scoped3A : memref<!tpu.dma_semaphore, #tpu.memory_space<semaphore_mem>>) src(%arg7 : memref<104x128xf32, #tpu.memory_space<vmem>>) dst(%dma_wait3A_147 : memref<10000x128xf32, #tpu.memory_space<vmem_shared>>)
        tpu.yield
      }) : () -> ()
      %add3A_115 = arith.constant 2 : i32
      %add3A_116 = arith.addi %add3A_106, %add3A_115 : i32
      %lt3A = arith.constant 96 : i32
      %lt3A_117 = arith.cmpi slt, %add3A_116, %lt3A : i32
      %convert_element_type3A_118 = arith.extui %lt3A_117 : i1 to i32
      %cond3A_119 = arith.constant 0 : i32
      %cond3A_120 = arith.cmpi ne, %convert_element_type3A_118, %cond3A_119 : i32
      scf.if %cond3A_120 {
        %add3A_140 = arith.constant 2 : i32
        %add3A_141 = arith.addi %add3A_106, %add3A_140 : i32
        %mul3A_142 = arith.constant 104 : i32
        %mul3A_143 = arith.muli %add3A_141, %mul3A_142 : i32
        %dma_start3A_144 = tpu.memref_slice %arg5[%mul3A_143] : memref<10000xi32, #tpu.memory_space<vmem>> -> memref<104xi32, #tpu.memory_space<vmem>>
        %dma_start3A_145 = arith.constant 0 : i32
        %dma_start3A_146 = arith.constant 0 : i32
        %dma_start3A_147 = tpu.memref_slice %arg2[%dma_start3A_145, %dma_start3A_146] : memref<10000x128xf32, #tpu.memory_space<hbm>> -> memref<10000x128xf32, #tpu.memory_space<hbm>>
        tpu.enqueue_indirect_dma source(%dma_start3A_147 : memref<10000x128xf32, #tpu.memory_space<hbm>>) target(%arg7 : memref<104x128xf32, #tpu.memory_space<vmem>>) offsets(%dma_start3A_144 : memref<104xi32, #tpu.memory_space<vmem>>) semaphore(%arg10 : memref<!tpu.dma_semaphore, #tpu.memory_space<semaphore_mem>>)
      } else {
      }
      %mul3A_121 = arith.constant 2 : i32
      %mul3A_122 = arith.muli %scan3A_102, %mul3A_121 : i32
      %add3A_123 = arith.constant 1 : i32
      %add3A_124 = arith.addi %mul3A_122, %add3A_123 : i32
      %mul3A_125 = arith.constant 104 : i32
      %mul3A_126 = arith.muli %add3A_124, %mul3A_125 : i32
      %dma_wait3A_127 = tpu.memref_slice %arg5[%mul3A_126] : memref<10000xi32, #tpu.memory_space<vmem>> -> memref<104xi32, #tpu.memory_space<vmem>>
      %dma_wait3A_128 = arith.constant 0 : i32
      %dma_wait3A_129 = arith.constant 0 : i32
      %dma_wait3A_130 = tpu.memref_slice %arg2[%dma_wait3A_128, %dma_wait3A_129] : memref<10000x128xf32, #tpu.memory_space<hbm>> -> memref<10000x128xf32, #tpu.memory_space<hbm>>
      tpu.wait_indirect_dma semaphore(%arg11 : memref<!tpu.dma_semaphore, #tpu.memory_space<semaphore_mem>>) src(%dma_wait3A_130 : memref<10000x128xf32, #tpu.memory_space<hbm>>) dst(%arg8 : memref<104x128xf32, #tpu.memory_space<vmem>>)
      %mul3A_131 = arith.constant 104 : i32
      %mul3A_132 = arith.muli %add3A_124, %mul3A_131 : i32
      "tpu.region"() ({
        %run_scoped3A = tpu.sem_alloc : memref<!tpu.dma_semaphore, #tpu.memory_space<semaphore_mem>>
        %dma_start3A_140 = tpu.memref_slice %arg6[%mul3A_132] : memref<10000xi32, #tpu.memory_space<vmem>> -> memref<104xi32, #tpu.memory_space<vmem>>
        %dma_start3A_141 = arith.constant 0 : i32
        %dma_start3A_142 = arith.constant 0 : i32
        %dma_start3A_143 = tpu.memref_slice %arg9[%dma_start3A_141, %dma_start3A_142] : memref<10000x128xf32, #tpu.memory_space<vmem_shared>> -> memref<10000x128xf32, #tpu.memory_space<vmem_shared>>
        tpu.enqueue_indirect_dma source(%arg8 : memref<104x128xf32, #tpu.memory_space<vmem>>) target(%dma_start3A_143 : memref<10000x128xf32, #tpu.memory_space<vmem_shared>>) offsets(%dma_start3A_140 : memref<104xi32, #tpu.memory_space<vmem>>) semaphore(%run_scoped3A : memref<!tpu.dma_semaphore, #tpu.memory_space<semaphore_mem>>) {add = true}
        %dma_wait3A_144 = tpu.memref_slice %arg6[%mul3A_132] : memref<10000xi32, #tpu.memory_space<vmem>> -> memref<104xi32, #tpu.memory_space<vmem>>
        %dma_wait3A_145 = arith.constant 0 : i32
        %dma_wait3A_146 = arith.constant 0 : i32
        %dma_wait3A_147 = tpu.memref_slice %arg9[%dma_wait3A_145, %dma_wait3A_146] : memref<10000x128xf32, #tpu.memory_space<vmem_shared>> -> memref<10000x128xf32, #tpu.memory_space<vmem_shared>>
        tpu.wait_indirect_dma semaphore(%run_scoped3A : memref<!tpu.dma_semaphore, #tpu.memory_space<semaphore_mem>>) src(%arg8 : memref<104x128xf32, #tpu.memory_space<vmem>>) dst(%dma_wait3A_147 : memref<10000x128xf32, #tpu.memory_space<vmem_shared>>)
        tpu.yield
      }) : () -> ()
      %add3A_133 = arith.constant 2 : i32
      %add3A_134 = arith.addi %add3A_124, %add3A_133 : i32
      %lt3A_135 = arith.constant 96 : i32
      %lt3A_136 = arith.cmpi slt, %add3A_134, %lt3A_135 : i32
      %convert_element_type3A_137 = arith.extui %lt3A_136 : i1 to i32
      %cond3A_138 = arith.constant 0 : i32
      %cond3A_139 = arith.cmpi ne, %convert_element_type3A_137, %cond3A_138 : i32
      scf.if %cond3A_139 {
        %add3A_140 = arith.constant 2 : i32
        %add3A_141 = arith.addi %add3A_124, %add3A_140 : i32
        %mul3A_142 = arith.constant 104 : i32
        %mul3A_143 = arith.muli %add3A_141, %mul3A_142 : i32
        %dma_start3A_144 = tpu.memref_slice %arg5[%mul3A_143] : memref<10000xi32, #tpu.memory_space<vmem>> -> memref<104xi32, #tpu.memory_space<vmem>>
        %dma_start3A_145 = arith.constant 0 : i32
        %dma_start3A_146 = arith.constant 0 : i32
        %dma_start3A_147 = tpu.memref_slice %arg2[%dma_start3A_145, %dma_start3A_146] : memref<10000x128xf32, #tpu.memory_space<hbm>> -> memref<10000x128xf32, #tpu.memory_space<hbm>>
        tpu.enqueue_indirect_dma source(%dma_start3A_147 : memref<10000x128xf32, #tpu.memory_space<hbm>>) target(%arg8 : memref<104x128xf32, #tpu.memory_space<vmem>>) offsets(%dma_start3A_144 : memref<104xi32, #tpu.memory_space<vmem>>) semaphore(%arg11 : memref<!tpu.dma_semaphore, #tpu.memory_space<semaphore_mem>>)
      } else {
      }
    }
    %scan3A_75 = arith.constant 48 : i32
    %dma_start3A_76 = arith.constant 0 : i32
    %dma_start3A_77 = arith.constant 0 : i32
    %dma_start3A_78 = tpu.memref_slice %arg7[%dma_start3A_76, %dma_start3A_77] : memref<104x128xf32, #tpu.memory_space<vmem>> -> memref<16x128xf32, #tpu.memory_space<vmem>>
    %dma_start3A_79 = arith.constant 9984 : i32
    %dma_start3A_80 = tpu.memref_slice %arg5[%dma_start3A_79] : memref<10000xi32, #tpu.memory_space<vmem>> -> memref<16xi32, #tpu.memory_space<vmem>>
    %dma_start3A_81 = arith.constant 0 : i32
    %dma_start3A_82 = arith.constant 0 : i32
    %dma_start3A_83 = tpu.memref_slice %arg2[%dma_start3A_81, %dma_start3A_82] : memref<10000x128xf32, #tpu.memory_space<hbm>> -> memref<10000x128xf32, #tpu.memory_space<hbm>>
    tpu.enqueue_indirect_dma source(%dma_start3A_83 : memref<10000x128xf32, #tpu.memory_space<hbm>>) target(%dma_start3A_78 : memref<16x128xf32, #tpu.memory_space<vmem>>) offsets(%dma_start3A_80 : memref<16xi32, #tpu.memory_space<vmem>>) semaphore(%arg10 : memref<!tpu.dma_semaphore, #tpu.memory_space<semaphore_mem>>)
    %dma_wait3A_84 = arith.constant 0 : i32
    %dma_wait3A_85 = arith.constant 0 : i32
    %dma_wait3A_86 = tpu.memref_slice %arg7[%dma_wait3A_84, %dma_wait3A_85] : memref<104x128xf32, #tpu.memory_space<vmem>> -> memref<16x128xf32, #tpu.memory_space<vmem>>
    %dma_wait3A_87 = arith.constant 9984 : i32
    %dma_wait3A_88 = tpu.memref_slice %arg5[%dma_wait3A_87] : memref<10000xi32, #tpu.memory_space<vmem>> -> memref<16xi32, #tpu.memory_space<vmem>>
    %dma_wait3A_89 = arith.constant 0 : i32
    %dma_wait3A_90 = arith.constant 0 : i32
    %dma_wait3A_91 = tpu.memref_slice %arg2[%dma_wait3A_89, %dma_wait3A_90] : memref<10000x128xf32, #tpu.memory_space<hbm>> -> memref<10000x128xf32, #tpu.memory_space<hbm>>
    tpu.wait_indirect_dma semaphore(%arg10 : memref<!tpu.dma_semaphore, #tpu.memory_space<semaphore_mem>>) src(%dma_wait3A_91 : memref<10000x128xf32, #tpu.memory_space<hbm>>) dst(%dma_wait3A_86 : memref<16x128xf32, #tpu.memory_space<vmem>>)
    "tpu.region"() ({
      %run_scoped3A = tpu.sem_alloc : memref<!tpu.dma_semaphore, #tpu.memory_space<semaphore_mem>>
      %dma_start3A_102 = arith.constant 0 : i32
      %dma_start3A_103 = arith.constant 0 : i32
      %dma_start3A_104 = tpu.memref_slice %arg7[%dma_start3A_102, %dma_start3A_103] : memref<104x128xf32, #tpu.memory_space<vmem>> -> memref<16x128xf32, #tpu.memory_space<vmem>>
      %dma_start3A_105 = arith.constant 9984 : i32
      %dma_start3A_106 = tpu.memref_slice %arg6[%dma_start3A_105] : memref<10000xi32, #tpu.memory_space<vmem>> -> memref<16xi32, #tpu.memory_space<vmem>>
      %dma_start3A_107 = arith.constant 0 : i32
      %dma_start3A_108 = arith.constant 0 : i32
      %dma_start3A_109 = tpu.memref_slice %arg9[%dma_start3A_107, %dma_start3A_108] : memref<10000x128xf32, #tpu.memory_space<vmem_shared>> -> memref<10000x128xf32, #tpu.memory_space<vmem_shared>>
      tpu.enqueue_indirect_dma source(%dma_start3A_104 : memref<16x128xf32, #tpu.memory_space<vmem>>) target(%dma_start3A_109 : memref<10000x128xf32, #tpu.memory_space<vmem_shared>>) offsets(%dma_start3A_106 : memref<16xi32, #tpu.memory_space<vmem>>) semaphore(%run_scoped3A : memref<!tpu.dma_semaphore, #tpu.memory_space<semaphore_mem>>) {add = true}
      %dma_wait3A_110 = arith.constant 0 : i32
      %dma_wait3A_111 = arith.constant 0 : i32
      %dma_wait3A_112 = tpu.memref_slice %arg7[%dma_wait3A_110, %dma_wait3A_111] : memref<104x128xf32, #tpu.memory_space<vmem>> -> memref<16x128xf32, #tpu.memory_space<vmem>>
      %dma_wait3A_113 = arith.constant 9984 : i32
      %dma_wait3A_114 = tpu.memref_slice %arg6[%dma_wait3A_113] : memref<10000xi32, #tpu.memory_space<vmem>> -> memref<16xi32, #tpu.memory_space<vmem>>
      %dma_wait3A_115 = arith.constant 0 : i32
      %dma_wait3A_116 = arith.constant 0 : i32
      %dma_wait3A_117 = tpu.memref_slice %arg9[%dma_wait3A_115, %dma_wait3A_116] : memref<10000x128xf32, #tpu.memory_space<vmem_shared>> -> memref<10000x128xf32, #tpu.memory_space<vmem_shared>>
      tpu.wait_indirect_dma semaphore(%run_scoped3A : memref<!tpu.dma_semaphore, #tpu.memory_space<semaphore_mem>>) src(%dma_wait3A_112 : memref<16x128xf32, #tpu.memory_space<vmem>>) dst(%dma_wait3A_117 : memref<10000x128xf32, #tpu.memory_space<vmem_shared>>)
      tpu.yield
    }) : () -> ()
    %barrier3A_92 = arith.constant 0 : index
    tpu.barrier barrier_id(%barrier3A_92)
    %mul3A_93 = arith.constant 624 : i32
    %mul3A_94 = arith.muli %arg1, %mul3A_93 : i32
    %mul3A_95 = arith.constant 624 : i32
    %mul3A_96 = arith.muli %arg1, %mul3A_95 : i32
    "tpu.region"() ({
      %run_scoped3A = tpu.sem_alloc : memref<!tpu.dma_semaphore, #tpu.memory_space<semaphore_mem>>
      %dma_start3A_102 = arith.constant 0 : i32
      %dma_start3A_103 = arith.constant 0 : i32
      %dma_start3A_104 = tpu.memref_slice %arg4[%arg0, %dma_start3A_102, %dma_start3A_103] : memref<2x10000x128xf32, #tpu.memory_space<hbm>> -> memref<1x10000x128xf32, #tpu.memory_space<hbm>>
      %dma_start3A_105 = tpu.memref_squeeze %dma_start3A_104 : memref<1x10000x128xf32, #tpu.memory_space<hbm>> -> memref<10000x128xf32, #tpu.memory_space<hbm>>
      %dma_start3A_106 = arith.constant 0 : i32
      %dma_start3A_107 = tpu.memref_slice %dma_start3A_105[%mul3A_96, %dma_start3A_106] : memref<10000x128xf32, #tpu.memory_space<hbm>> -> memref<624x128xf32, #tpu.memory_space<hbm>>
      %dma_start3A_108 = arith.constant 0 : i32
      %dma_start3A_109 = tpu.memref_slice %arg9[%mul3A_94, %dma_start3A_108] : memref<10000x128xf32, #tpu.memory_space<vmem_shared>> -> memref<624x128xf32, #tpu.memory_space<vmem_shared>>
      tpu.enqueue_dma source(%dma_start3A_109 : memref<624x128xf32, #tpu.memory_space<vmem_shared>>) target(%dma_start3A_107 : memref<624x128xf32, #tpu.memory_space<hbm>>) target_semaphore(%run_scoped3A : memref<!tpu.dma_semaphore, #tpu.memory_space<semaphore_mem>>)
      %dma_wait3A_110 = arith.constant 0 : i32
      %dma_wait3A_111 = arith.constant 0 : i32
      %dma_wait3A_112 = tpu.memref_slice %arg4[%arg0, %dma_wait3A_110, %dma_wait3A_111] : memref<2x10000x128xf32, #tpu.memory_space<hbm>> -> memref<1x10000x128xf32, #tpu.memory_space<hbm>>
      %dma_wait3A_113 = tpu.memref_squeeze %dma_wait3A_112 : memref<1x10000x128xf32, #tpu.memory_space<hbm>> -> memref<10000x128xf32, #tpu.memory_space<hbm>>
      %dma_wait3A_114 = arith.constant 0 : i32
      %dma_wait3A_115 = tpu.memref_slice %dma_wait3A_113[%mul3A_96, %dma_wait3A_114] : memref<10000x128xf32, #tpu.memory_space<hbm>> -> memref<624x128xf32, #tpu.memory_space<hbm>>
      %dma_wait3A_116 = arith.constant 0 : i32
      %dma_wait3A_117 = tpu.memref_slice %arg9[%mul3A_94, %dma_wait3A_116] : memref<10000x128xf32, #tpu.memory_space<vmem_shared>> -> memref<624x128xf32, #tpu.memory_space<vmem_shared>>
      tpu.wait_dma2 semaphore(%run_scoped3A : memref<!tpu.dma_semaphore, #tpu.memory_space<semaphore_mem>>) src(%dma_wait3A_117 : memref<624x128xf32, #tpu.memory_space<vmem_shared>>) dst(%dma_wait3A_115 : memref<624x128xf32, #tpu.memory_space<hbm>>)
      tpu.yield
    }) : () -> ()
    %eq3A_97 = arith.constant 0 : i32
    %eq3A_98 = arith.cmpi eq, %arg1, %eq3A_97 : i32
    %convert_element_type3A_99 = arith.extui %eq3A_98 : i1 to i32
    %cond3A_100 = arith.constant 0 : i32
    %cond3A_101 = arith.cmpi ne, %convert_element_type3A_99, %cond3A_100 : i32
    scf.if %cond3A_101 {
      "tpu.region"() ({
        %run_scoped3A = tpu.sem_alloc : memref<!tpu.dma_semaphore, #tpu.memory_space<semaphore_mem>>
        %dma_start3A_102 = arith.constant 0 : i32
        %dma_start3A_103 = arith.constant 0 : i32
        %dma_start3A_104 = tpu.memref_slice %arg4[%arg0, %dma_start3A_102, %dma_start3A_103] : memref<2x10000x128xf32, #tpu.memory_space<hbm>> -> memref<1x10000x128xf32, #tpu.memory_space<hbm>>
        %dma_start3A_105 = tpu.memref_squeeze %dma_start3A_104 : memref<1x10000x128xf32, #tpu.memory_space<hbm>> -> memref<10000x128xf32, #tpu.memory_space<hbm>>
        %dma_start3A_106 = arith.constant 9984 : i32
        %dma_start3A_107 = arith.constant 0 : i32
        %dma_start3A_108 = tpu.memref_slice %dma_start3A_105[%dma_start3A_106, %dma_start3A_107] : memref<10000x128xf32, #tpu.memory_space<hbm>> -> memref<16x128xf32, #tpu.memory_space<hbm>>
        %dma_start3A_109 = arith.constant 9984 : i32
        %dma_start3A_110 = arith.constant 0 : i32
        %dma_start3A_111 = tpu.memref_slice %arg9[%dma_start3A_109, %dma_start3A_110] : memref<10000x128xf32, #tpu.memory_space<vmem_shared>> -> memref<16x128xf32, #tpu.memory_space<vmem_shared>>
        tpu.enqueue_dma source(%dma_start3A_111 : memref<16x128xf32, #tpu.memory_space<vmem_shared>>) target(%dma_start3A_108 : memref<16x128xf32, #tpu.memory_space<hbm>>) target_semaphore(%run_scoped3A : memref<!tpu.dma_semaphore, #tpu.memory_space<semaphore_mem>>)
        %dma_wait3A_112 = arith.constant 0 : i32
        %dma_wait3A_113 = arith.constant 0 : i32
        %dma_wait3A_114 = tpu.memref_slice %arg4[%arg0, %dma_wait3A_112, %dma_wait3A_113] : memref<2x10000x128xf32, #tpu.memory_space<hbm>> -> memref<1x10000x128xf32, #tpu.memory_space<hbm>>
        %dma_wait3A_115 = tpu.memref_squeeze %dma_wait3A_114 : memref<1x10000x128xf32, #tpu.memory_space<hbm>> -> memref<10000x128xf32, #tpu.memory_space<hbm>>
        %dma_wait3A_116 = arith.constant 9984 : i32
        %dma_wait3A_117 = arith.constant 0 : i32
        %dma_wait3A_118 = tpu.memref_slice %dma_wait3A_115[%dma_wait3A_116, %dma_wait3A_117] : memref<10000x128xf32, #tpu.memory_space<hbm>> -> memref<16x128xf32, #tpu.memory_space<hbm>>
        %dma_wait3A_119 = arith.constant 9984 : i32
        %dma_wait3A_120 = arith.constant 0 : i32
        %dma_wait3A_121 = tpu.memref_slice %arg9[%dma_wait3A_119, %dma_wait3A_120] : memref<10000x128xf32, #tpu.memory_space<vmem_shared>> -> memref<16x128xf32, #tpu.memory_space<vmem_shared>>
        tpu.wait_dma2 semaphore(%run_scoped3A : memref<!tpu.dma_semaphore, #tpu.memory_space<semaphore_mem>>) src(%dma_wait3A_121 : memref<16x128xf32, #tpu.memory_space<vmem_shared>>) dst(%dma_wait3A_118 : memref<16x128xf32, #tpu.memory_space<hbm>>)
        tpu.yield
      }) : () -> ()
    } else {
    }
    return
  }
}

#map = affine_map<(d0, d1) -> (0, 0)>
#map1 = affine_map<(d0, d1) -> (0, 0, 0)>
module attributes {stable_mosaic.version = 14 : i64} {
  func.func @_edge_body(%arg0: i32, %arg1: i32, %arg2: memref<10000x128xf32, #tpu.memory_space<hbm>>, %arg3: memref<2x320000xi32, #tpu.memory_space<hbm>>, %arg4: memref<2x10000x128xf32, #tpu.memory_space<hbm>>, %arg5: memref<10000xi32, #tpu.memory_space<vmem>>, %arg6: memref<10000xi32, #tpu.memory_space<vmem>>, %arg7: memref<104x128xf32, #tpu.memory_space<vmem>>, %arg8: memref<104x128xf32, #tpu.memory_space<vmem>>, %arg9: memref<10000x128xf32, #tpu.memory_space<vmem_shared>>, %arg10: memref<!tpu.dma_semaphore, #tpu.memory_space<semaphore_mem>>, %arg11: memref<!tpu.dma_semaphore, #tpu.memory_space<semaphore_mem>>) attributes {dimension_semantics = [#tpu.dimension_semantics<core_parallel>, #tpu.dimension_semantics<subcore_parallel>], iteration_bounds = array<i64: 2, 16>, scalar_prefetch = 0 : i64, scratch_operands = 7 : i64, tpu.core_type = #tpu.core_type<sc_vector_subcore>, window_params = [{transform_indices = #map}, {transform_indices = #map}, {transform_indices = #map1}]} {
    %mul3A = arith.constant 16 : i32
    %mul3A_0 = arith.muli %arg0, %mul3A : i32
    %add3A = arith.addi %mul3A_0, %arg1 : i32
    %mul3A_1 = arith.constant 10000 : i32
    %mul3A_2 = arith.muli %add3A, %mul3A_1 : i32
    %dma_start3A = arith.constant 0 : i32
    %dma_start3A_3 = arith.constant 0 : i32
    %dma_start3A_4 = tpu.memref_slice %arg3[%dma_start3A, %dma_start3A_3] : memref<2x320000xi32, #tpu.memory_space<hbm>> -> memref<1x320000xi32, #tpu.memory_space<hbm>>
    %dma_start3A_5 = tpu.memref_squeeze %dma_start3A_4 : memref<1x320000xi32, #tpu.memory_space<hbm>> -> memref<320000xi32, #tpu.memory_space<hbm>>
    %dma_start3A_6 = tpu.memref_slice %dma_start3A_5[%mul3A_2] : memref<320000xi32, #tpu.memory_space<hbm>> -> memref<10000xi32, #tpu.memory_space<hbm>>
    %dma_start3A_7 = arith.constant 0 : i32
    %dma_start3A_8 = tpu.memref_slice %arg3[%dma_start3A, %dma_start3A_7] : memref<2x320000xi32, #tpu.memory_space<hbm>> -> memref<1x320000xi32, #tpu.memory_space<hbm>>
    %dma_start3A_9 = tpu.memref_squeeze %dma_start3A_8 : memref<1x320000xi32, #tpu.memory_space<hbm>> -> memref<320000xi32, #tpu.memory_space<hbm>>
    %dma_start3A_10 = tpu.memref_slice %dma_start3A_9[%mul3A_2] : memref<320000xi32, #tpu.memory_space<hbm>> -> memref<10000xi32, #tpu.memory_space<hbm>>
    tpu.enqueue_dma source(%dma_start3A_10 : memref<10000xi32, #tpu.memory_space<hbm>>) target(%arg5 : memref<10000xi32, #tpu.memory_space<vmem>>) target_semaphore(%arg10 : memref<!tpu.dma_semaphore, #tpu.memory_space<semaphore_mem>>)
    %mul3A_11 = arith.constant 10000 : i32
    %mul3A_12 = arith.muli %add3A, %mul3A_11 : i32
    %dma_start3A_13 = arith.constant 1 : i32
    %dma_start3A_14 = arith.constant 0 : i32
    %dma_start3A_15 = tpu.memref_slice %arg3[%dma_start3A_13, %dma_start3A_14] : memref<2x320000xi32, #tpu.memory_space<hbm>> -> memref<1x320000xi32, #tpu.memory_space<hbm>>
    %dma_start3A_16 = tpu.memref_squeeze %dma_start3A_15 : memref<1x320000xi32, #tpu.memory_space<hbm>> -> memref<320000xi32, #tpu.memory_space<hbm>>
    %dma_start3A_17 = tpu.memref_slice %dma_start3A_16[%mul3A_12] : memref<320000xi32, #tpu.memory_space<hbm>> -> memref<10000xi32, #tpu.memory_space<hbm>>
    %dma_start3A_18 = arith.constant 0 : i32
    %dma_start3A_19 = tpu.memref_slice %arg3[%dma_start3A_13, %dma_start3A_18] : memref<2x320000xi32, #tpu.memory_space<hbm>> -> memref<1x320000xi32, #tpu.memory_space<hbm>>
    %dma_start3A_20 = tpu.memref_squeeze %dma_start3A_19 : memref<1x320000xi32, #tpu.memory_space<hbm>> -> memref<320000xi32, #tpu.memory_space<hbm>>
    %dma_start3A_21 = tpu.memref_slice %dma_start3A_20[%mul3A_12] : memref<320000xi32, #tpu.memory_space<hbm>> -> memref<10000xi32, #tpu.memory_space<hbm>>
    tpu.enqueue_dma source(%dma_start3A_21 : memref<10000xi32, #tpu.memory_space<hbm>>) target(%arg6 : memref<10000xi32, #tpu.memory_space<vmem>>) target_semaphore(%arg11 : memref<!tpu.dma_semaphore, #tpu.memory_space<semaphore_mem>>)
    %scan3A = arith.constant 0 : i32
    %scan3A_22 = arith.constant 0 : i32
    %scan3A_23 = arith.constant 96 : i32
    %scan3A_24 = arith.addi %scan3A_22, %scan3A_23 : i32
    %scan3A_25 = arith.constant 1 : i32
    scf.for %scan3A_102 = %scan3A_22 to %scan3A_24 step %scan3A_25  : i32 {
      %broadcast_in_dim3A = arith.constant 0.000000e+00 : f32
      %broadcast_in_dim3A_103 = vector.broadcast %broadcast_in_dim3A : f32 to vector<16xf32>
      %swap3A = arith.index_cast %scan3A_102 : i32 to index
      %swap3A_104 = arith.constant 0 : index
      %swap3A_105 = tpu.vector_load %arg8[%swap3A, %swap3A_104] {strides = array<i32>} : memref<104x128xf32, #tpu.memory_space<vmem>>, vector<1x16xf32>,
      %swap3A_106 = vector.shape_cast %swap3A_105 : vector<1x16xf32> to vector<16xf32>
      %swap3A_107 = vector.shape_cast %broadcast_in_dim3A_103 : vector<16xf32> to vector<1x16xf32>
      tpu.vector_store %arg8[%swap3A, %swap3A_104], %swap3A_107 {strides = array<i32>} : memref<104x128xf32, #tpu.memory_space<vmem>>, vector<1x16xf32>,
      %broadcast_in_dim3A_108 = arith.constant 0.000000e+00 : f32
      %broadcast_in_dim3A_109 = vector.broadcast %broadcast_in_dim3A_108 : f32 to vector<16xf32>
      %swap3A_110 = arith.index_cast %scan3A_102 : i32 to index
      %swap3A_111 = arith.constant 16 : index
      %swap3A_112 = tpu.vector_load %arg8[%swap3A_110, %swap3A_111] {strides = array<i32>} : memref<104x128xf32, #tpu.memory_space<vmem>>, vector<1x16xf32>,
      %swap3A_113 = vector.shape_cast %swap3A_112 : vector<1x16xf32> to vector<16xf32>
      %swap3A_114 = vector.shape_cast %broadcast_in_dim3A_109 : vector<16xf32> to vector<1x16xf32>
      tpu.vector_store %arg8[%swap3A_110, %swap3A_111], %swap3A_114 {strides = array<i32>} : memref<104x128xf32, #tpu.memory_space<vmem>>, vector<1x16xf32>,
      %broadcast_in_dim3A_115 = arith.constant 0.000000e+00 : f32
      %broadcast_in_dim3A_116 = vector.broadcast %broadcast_in_dim3A_115 : f32 to vector<16xf32>
      %swap3A_117 = arith.index_cast %scan3A_102 : i32 to index
      %swap3A_118 = arith.constant 32 : index
      %swap3A_119 = tpu.vector_load %arg8[%swap3A_117, %swap3A_118] {strides = array<i32>} : memref<104x128xf32, #tpu.memory_space<vmem>>, vector<1x16xf32>,
      %swap3A_120 = vector.shape_cast %swap3A_119 : vector<1x16xf32> to vector<16xf32>
      %swap3A_121 = vector.shape_cast %broadcast_in_dim3A_116 : vector<16xf32> to vector<1x16xf32>
      tpu.vector_store %arg8[%swap3A_117, %swap3A_118], %swap3A_121 {strides = array<i32>} : memref<104x128xf32, #tpu.memory_space<vmem>>, vector<1x16xf32>,
      %broadcast_in_dim3A_122 = arith.constant 0.000000e+00 : f32
      %broadcast_in_dim3A_123 = vector.broadcast %broadcast_in_dim3A_122 : f32 to vector<16xf32>
      %swap3A_124 = arith.index_cast %scan3A_102 : i32 to index
      %swap3A_125 = arith.constant 48 : index
      %swap3A_126 = tpu.vector_load %arg8[%swap3A_124, %swap3A_125] {strides = array<i32>} : memref<104x128xf32, #tpu.memory_space<vmem>>, vector<1x16xf32>,
      %swap3A_127 = vector.shape_cast %swap3A_126 : vector<1x16xf32> to vector<16xf32>
      %swap3A_128 = vector.shape_cast %broadcast_in_dim3A_123 : vector<16xf32> to vector<1x16xf32>
      tpu.vector_store %arg8[%swap3A_124, %swap3A_125], %swap3A_128 {strides = array<i32>} : memref<104x128xf32, #tpu.memory_space<vmem>>, vector<1x16xf32>,
      %broadcast_in_dim3A_129 = arith.constant 0.000000e+00 : f32
      %broadcast_in_dim3A_130 = vector.broadcast %broadcast_in_dim3A_129 : f32 to vector<16xf32>
      %swap3A_131 = arith.index_cast %scan3A_102 : i32 to index
      %swap3A_132 = arith.constant 64 : index
      %swap3A_133 = tpu.vector_load %arg8[%swap3A_131, %swap3A_132] {strides = array<i32>} : memref<104x128xf32, #tpu.memory_space<vmem>>, vector<1x16xf32>,
      %swap3A_134 = vector.shape_cast %swap3A_133 : vector<1x16xf32> to vector<16xf32>
      %swap3A_135 = vector.shape_cast %broadcast_in_dim3A_130 : vector<16xf32> to vector<1x16xf32>
      tpu.vector_store %arg8[%swap3A_131, %swap3A_132], %swap3A_135 {strides = array<i32>} : memref<104x128xf32, #tpu.memory_space<vmem>>, vector<1x16xf32>,
      %broadcast_in_dim3A_136 = arith.constant 0.000000e+00 : f32
      %broadcast_in_dim3A_137 = vector.broadcast %broadcast_in_dim3A_136 : f32 to vector<16xf32>
      %swap3A_138 = arith.index_cast %scan3A_102 : i32 to index
      %swap3A_139 = arith.constant 80 : index
      %swap3A_140 = tpu.vector_load %arg8[%swap3A_138, %swap3A_139] {strides = array<i32>} : memref<104x128xf32, #tpu.memory_space<vmem>>, vector<1x16xf32>,
      %swap3A_141 = vector.shape_cast %swap3A_140 : vector<1x16xf32> to vector<16xf32>
      %swap3A_142 = vector.shape_cast %broadcast_in_dim3A_137 : vector<16xf32> to vector<1x16xf32>
      tpu.vector_store %arg8[%swap3A_138, %swap3A_139], %swap3A_142 {strides = array<i32>} : memref<104x128xf32, #tpu.memory_space<vmem>>, vector<1x16xf32>,
      %broadcast_in_dim3A_143 = arith.constant 0.000000e+00 : f32
      %broadcast_in_dim3A_144 = vector.broadcast %broadcast_in_dim3A_143 : f32 to vector<16xf32>
      %swap3A_145 = arith.index_cast %scan3A_102 : i32 to index
      %swap3A_146 = arith.constant 96 : index
      %swap3A_147 = tpu.vector_load %arg8[%swap3A_145, %swap3A_146] {strides = array<i32>} : memref<104x128xf32, #tpu.memory_space<vmem>>, vector<1x16xf32>,
      %swap3A_148 = vector.shape_cast %swap3A_147 : vector<1x16xf32> to vector<16xf32>
      %swap3A_149 = vector.shape_cast %broadcast_in_dim3A_144 : vector<16xf32> to vector<1x16xf32>
      tpu.vector_store %arg8[%swap3A_145, %swap3A_146], %swap3A_149 {strides = array<i32>} : memref<104x128xf32, #tpu.memory_space<vmem>>, vector<1x16xf32>,
      %broadcast_in_dim3A_150 = arith.constant 0.000000e+00 : f32
      %broadcast_in_dim3A_151 = vector.broadcast %broadcast_in_dim3A_150 : f32 to vector<16xf32>
      %swap3A_152 = arith.index_cast %scan3A_102 : i32 to index
      %swap3A_153 = arith.constant 112 : index
      %swap3A_154 = tpu.vector_load %arg8[%swap3A_152, %swap3A_153] {strides = array<i32>} : memref<104x128xf32, #tpu.memory_space<vmem>>, vector<1x16xf32>,
      %swap3A_155 = vector.shape_cast %swap3A_154 : vector<1x16xf32> to vector<16xf32>
      %swap3A_156 = vector.shape_cast %broadcast_in_dim3A_151 : vector<16xf32> to vector<1x16xf32>
      tpu.vector_store %arg8[%swap3A_152, %swap3A_153], %swap3A_156 {strides = array<i32>} : memref<104x128xf32, #tpu.memory_space<vmem>>, vector<1x16xf32>,
    }
    %scan3A_26 = arith.constant 96 : i32
    %scan3A_27 = arith.constant 0 : i32
    %scan3A_28 = arith.constant 0 : i32
    %scan3A_29 = arith.constant 6 : i32
    %scan3A_30 = arith.addi %scan3A_28, %scan3A_29 : i32
    %scan3A_31 = arith.constant 1 : i32
    scf.for %scan3A_102 = %scan3A_28 to %scan3A_30 step %scan3A_31  : i32 {
      %mul3A_103 = arith.constant 624 : i32
      %mul3A_104 = arith.muli %arg1, %mul3A_103 : i32
      %mul3A_105 = arith.constant 96 : i32
      %mul3A_106 = arith.muli %scan3A_102, %mul3A_105 : i32
      %add3A_107 = arith.addi %mul3A_104, %mul3A_106 : i32
      "tpu.region"() ({
        %run_scoped3A = tpu.sem_alloc : memref<!tpu.dma_semaphore, #tpu.memory_space<semaphore_mem>>
        %dma_start3A_108 = arith.constant 0 : i32
        %dma_start3A_109 = arith.constant 0 : i32
        %dma_start3A_110 = tpu.memref_slice %arg8[%dma_start3A_108, %dma_start3A_109] : memref<104x128xf32, #tpu.memory_space<vmem>> -> memref<96x128xf32, #tpu.memory_space<vmem>>
        %dma_start3A_111 = arith.constant 0 : i32
        %dma_start3A_112 = tpu.memref_slice %arg9[%add3A_107, %dma_start3A_111] : memref<10000x128xf32, #tpu.memory_space<vmem_shared>> -> memref<96x128xf32, #tpu.memory_space<vmem_shared>>
        %dma_start3A_113 = arith.constant 0 : i32
        %dma_start3A_114 = tpu.memref_slice %arg9[%add3A_107, %dma_start3A_113] : memref<10000x128xf32, #tpu.memory_space<vmem_shared>> -> memref<96x128xf32, #tpu.memory_space<vmem_shared>>
        %dma_start3A_115 = arith.constant 0 : i32
        %dma_start3A_116 = arith.constant 0 : i32
        %dma_start3A_117 = tpu.memref_slice %arg8[%dma_start3A_115, %dma_start3A_116] : memref<104x128xf32, #tpu.memory_space<vmem>> -> memref<96x128xf32, #tpu.memory_space<vmem>>
        tpu.enqueue_dma source(%dma_start3A_117 : memref<96x128xf32, #tpu.memory_space<vmem>>) target(%dma_start3A_114 : memref<96x128xf32, #tpu.memory_space<vmem_shared>>) target_semaphore(%run_scoped3A : memref<!tpu.dma_semaphore, #tpu.memory_space<semaphore_mem>>)
        %dma_wait3A_118 = arith.constant 0 : i32
        %dma_wait3A_119 = arith.constant 0 : i32
        %dma_wait3A_120 = tpu.memref_slice %arg8[%dma_wait3A_118, %dma_wait3A_119] : memref<104x128xf32, #tpu.memory_space<vmem>> -> memref<96x128xf32, #tpu.memory_space<vmem>>
        %dma_wait3A_121 = arith.constant 0 : i32
        %dma_wait3A_122 = tpu.memref_slice %arg9[%add3A_107, %dma_wait3A_121] : memref<10000x128xf32, #tpu.memory_space<vmem_shared>> -> memref<96x128xf32, #tpu.memory_space<vmem_shared>>
        %dma_wait3A_123 = arith.constant 0 : i32
        %dma_wait3A_124 = tpu.memref_slice %arg9[%add3A_107, %dma_wait3A_123] : memref<10000x128xf32, #tpu.memory_space<vmem_shared>> -> memref<96x128xf32, #tpu.memory_space<vmem_shared>>
        %dma_wait3A_125 = arith.constant 0 : i32
        %dma_wait3A_126 = arith.constant 0 : i32
        %dma_wait3A_127 = tpu.memref_slice %arg8[%dma_wait3A_125, %dma_wait3A_126] : memref<104x128xf32, #tpu.memory_space<vmem>> -> memref<96x128xf32, #tpu.memory_space<vmem>>
        tpu.wait_dma2 semaphore(%run_scoped3A : memref<!tpu.dma_semaphore, #tpu.memory_space<semaphore_mem>>) src(%dma_wait3A_127 : memref<96x128xf32, #tpu.memory_space<vmem>>) dst(%dma_wait3A_124 : memref<96x128xf32, #tpu.memory_space<vmem_shared>>)
        tpu.yield
      }) : () -> ()
    }
    %scan3A_32 = arith.constant 6 : i32
    %mul3A_33 = arith.constant 624 : i32
    %mul3A_34 = arith.muli %arg1, %mul3A_33 : i32
    %add3A_35 = arith.constant 576 : i32
    %add3A_36 = arith.addi %mul3A_34, %add3A_35 : i32
    "tpu.region"() ({
      %run_scoped3A = tpu.sem_alloc : memref<!tpu.dma_semaphore, #tpu.memory_space<semaphore_mem>>
      %dma_start3A_102 = arith.constant 0 : i32
      %dma_start3A_103 = arith.constant 0 : i32
      %dma_start3A_104 = tpu.memref_slice %arg8[%dma_start3A_102, %dma_start3A_103] : memref<104x128xf32, #tpu.memory_space<vmem>> -> memref<48x128xf32, #tpu.memory_space<vmem>>
      %dma_start3A_105 = arith.constant 0 : i32
      %dma_start3A_106 = tpu.memref_slice %arg9[%add3A_36, %dma_start3A_105] : memref<10000x128xf32, #tpu.memory_space<vmem_shared>> -> memref<48x128xf32, #tpu.memory_space<vmem_shared>>
      %dma_start3A_107 = arith.constant 0 : i32
      %dma_start3A_108 = tpu.memref_slice %arg9[%add3A_36, %dma_start3A_107] : memref<10000x128xf32, #tpu.memory_space<vmem_shared>> -> memref<48x128xf32, #tpu.memory_space<vmem_shared>>
      %dma_start3A_109 = arith.constant 0 : i32
      %dma_start3A_110 = arith.constant 0 : i32
      %dma_start3A_111 = tpu.memref_slice %arg8[%dma_start3A_109, %dma_start3A_110] : memref<104x128xf32, #tpu.memory_space<vmem>> -> memref<48x128xf32, #tpu.memory_space<vmem>>
      tpu.enqueue_dma source(%dma_start3A_111 : memref<48x128xf32, #tpu.memory_space<vmem>>) target(%dma_start3A_108 : memref<48x128xf32, #tpu.memory_space<vmem_shared>>) target_semaphore(%run_scoped3A : memref<!tpu.dma_semaphore, #tpu.memory_space<semaphore_mem>>)
      %dma_wait3A_112 = arith.constant 0 : i32
      %dma_wait3A_113 = arith.constant 0 : i32
      %dma_wait3A_114 = tpu.memref_slice %arg8[%dma_wait3A_112, %dma_wait3A_113] : memref<104x128xf32, #tpu.memory_space<vmem>> -> memref<48x128xf32, #tpu.memory_space<vmem>>
      %dma_wait3A_115 = arith.constant 0 : i32
      %dma_wait3A_116 = tpu.memref_slice %arg9[%add3A_36, %dma_wait3A_115] : memref<10000x128xf32, #tpu.memory_space<vmem_shared>> -> memref<48x128xf32, #tpu.memory_space<vmem_shared>>
      %dma_wait3A_117 = arith.constant 0 : i32
      %dma_wait3A_118 = tpu.memref_slice %arg9[%add3A_36, %dma_wait3A_117] : memref<10000x128xf32, #tpu.memory_space<vmem_shared>> -> memref<48x128xf32, #tpu.memory_space<vmem_shared>>
      %dma_wait3A_119 = arith.constant 0 : i32
      %dma_wait3A_120 = arith.constant 0 : i32
      %dma_wait3A_121 = tpu.memref_slice %arg8[%dma_wait3A_119, %dma_wait3A_120] : memref<104x128xf32, #tpu.memory_space<vmem>> -> memref<48x128xf32, #tpu.memory_space<vmem>>
      tpu.wait_dma2 semaphore(%run_scoped3A : memref<!tpu.dma_semaphore, #tpu.memory_space<semaphore_mem>>) src(%dma_wait3A_121 : memref<48x128xf32, #tpu.memory_space<vmem>>) dst(%dma_wait3A_118 : memref<48x128xf32, #tpu.memory_space<vmem_shared>>)
      tpu.yield
    }) : () -> ()
    %eq3A = arith.constant 0 : i32
    %eq3A_37 = arith.cmpi eq, %arg1, %eq3A : i32
    %convert_element_type3A = arith.extui %eq3A_37 : i1 to i32
    %cond3A = arith.constant 0 : i32
    %cond3A_38 = arith.cmpi ne, %convert_element_type3A, %cond3A : i32
    scf.if %cond3A_38 {
      "tpu.region"() ({
        %run_scoped3A = tpu.sem_alloc : memref<!tpu.dma_semaphore, #tpu.memory_space<semaphore_mem>>
        %dma_start3A_102 = arith.constant 0 : i32
        %dma_start3A_103 = arith.constant 0 : i32
        %dma_start3A_104 = tpu.memref_slice %arg8[%dma_start3A_102, %dma_start3A_103] : memref<104x128xf32, #tpu.memory_space<vmem>> -> memref<16x128xf32, #tpu.memory_space<vmem>>
        %dma_start3A_105 = arith.constant 9984 : i32
        %dma_start3A_106 = arith.constant 0 : i32
        %dma_start3A_107 = tpu.memref_slice %arg9[%dma_start3A_105, %dma_start3A_106] : memref<10000x128xf32, #tpu.memory_space<vmem_shared>> -> memref<16x128xf32, #tpu.memory_space<vmem_shared>>
        %dma_start3A_108 = arith.constant 9984 : i32
        %dma_start3A_109 = arith.constant 0 : i32
        %dma_start3A_110 = tpu.memref_slice %arg9[%dma_start3A_108, %dma_start3A_109] : memref<10000x128xf32, #tpu.memory_space<vmem_shared>> -> memref<16x128xf32, #tpu.memory_space<vmem_shared>>
        %dma_start3A_111 = arith.constant 0 : i32
        %dma_start3A_112 = arith.constant 0 : i32
        %dma_start3A_113 = tpu.memref_slice %arg8[%dma_start3A_111, %dma_start3A_112] : memref<104x128xf32, #tpu.memory_space<vmem>> -> memref<16x128xf32, #tpu.memory_space<vmem>>
        tpu.enqueue_dma source(%dma_start3A_113 : memref<16x128xf32, #tpu.memory_space<vmem>>) target(%dma_start3A_110 : memref<16x128xf32, #tpu.memory_space<vmem_shared>>) target_semaphore(%run_scoped3A : memref<!tpu.dma_semaphore, #tpu.memory_space<semaphore_mem>>)
        %dma_wait3A_114 = arith.constant 0 : i32
        %dma_wait3A_115 = arith.constant 0 : i32
        %dma_wait3A_116 = tpu.memref_slice %arg8[%dma_wait3A_114, %dma_wait3A_115] : memref<104x128xf32, #tpu.memory_space<vmem>> -> memref<16x128xf32, #tpu.memory_space<vmem>>
        %dma_wait3A_117 = arith.constant 9984 : i32
        %dma_wait3A_118 = arith.constant 0 : i32
        %dma_wait3A_119 = tpu.memref_slice %arg9[%dma_wait3A_117, %dma_wait3A_118] : memref<10000x128xf32, #tpu.memory_space<vmem_shared>> -> memref<16x128xf32, #tpu.memory_space<vmem_shared>>
        %dma_wait3A_120 = arith.constant 9984 : i32
        %dma_wait3A_121 = arith.constant 0 : i32
        %dma_wait3A_122 = tpu.memref_slice %arg9[%dma_wait3A_120, %dma_wait3A_121] : memref<10000x128xf32, #tpu.memory_space<vmem_shared>> -> memref<16x128xf32, #tpu.memory_space<vmem_shared>>
        %dma_wait3A_123 = arith.constant 0 : i32
        %dma_wait3A_124 = arith.constant 0 : i32
        %dma_wait3A_125 = tpu.memref_slice %arg8[%dma_wait3A_123, %dma_wait3A_124] : memref<104x128xf32, #tpu.memory_space<vmem>> -> memref<16x128xf32, #tpu.memory_space<vmem>>
        tpu.wait_dma2 semaphore(%run_scoped3A : memref<!tpu.dma_semaphore, #tpu.memory_space<semaphore_mem>>) src(%dma_wait3A_125 : memref<16x128xf32, #tpu.memory_space<vmem>>) dst(%dma_wait3A_122 : memref<16x128xf32, #tpu.memory_space<vmem_shared>>)
        tpu.yield
      }) : () -> ()
    } else {
    }
    %mul3A_39 = arith.constant 10000 : i32
    %mul3A_40 = arith.muli %add3A, %mul3A_39 : i32
    %dma_wait3A = arith.constant 0 : i32
    %dma_wait3A_41 = arith.constant 0 : i32
    %dma_wait3A_42 = tpu.memref_slice %arg3[%dma_wait3A, %dma_wait3A_41] : memref<2x320000xi32, #tpu.memory_space<hbm>> -> memref<1x320000xi32, #tpu.memory_space<hbm>>
    %dma_wait3A_43 = tpu.memref_squeeze %dma_wait3A_42 : memref<1x320000xi32, #tpu.memory_space<hbm>> -> memref<320000xi32, #tpu.memory_space<hbm>>
    %dma_wait3A_44 = tpu.memref_slice %dma_wait3A_43[%mul3A_40] : memref<320000xi32, #tpu.memory_space<hbm>> -> memref<10000xi32, #tpu.memory_space<hbm>>
    %dma_wait3A_45 = arith.constant 0 : i32
    %dma_wait3A_46 = tpu.memref_slice %arg3[%dma_wait3A, %dma_wait3A_45] : memref<2x320000xi32, #tpu.memory_space<hbm>> -> memref<1x320000xi32, #tpu.memory_space<hbm>>
    %dma_wait3A_47 = tpu.memref_squeeze %dma_wait3A_46 : memref<1x320000xi32, #tpu.memory_space<hbm>> -> memref<320000xi32, #tpu.memory_space<hbm>>
    %dma_wait3A_48 = tpu.memref_slice %dma_wait3A_47[%mul3A_40] : memref<320000xi32, #tpu.memory_space<hbm>> -> memref<10000xi32, #tpu.memory_space<hbm>>
    tpu.wait_dma2 semaphore(%arg10 : memref<!tpu.dma_semaphore, #tpu.memory_space<semaphore_mem>>) src(%dma_wait3A_48 : memref<10000xi32, #tpu.memory_space<hbm>>) dst(%arg5 : memref<10000xi32, #tpu.memory_space<vmem>>)
    %mul3A_49 = arith.constant 10000 : i32
    %mul3A_50 = arith.muli %add3A, %mul3A_49 : i32
    %dma_wait3A_51 = arith.constant 1 : i32
    %dma_wait3A_52 = arith.constant 0 : i32
    %dma_wait3A_53 = tpu.memref_slice %arg3[%dma_wait3A_51, %dma_wait3A_52] : memref<2x320000xi32, #tpu.memory_space<hbm>> -> memref<1x320000xi32, #tpu.memory_space<hbm>>
    %dma_wait3A_54 = tpu.memref_squeeze %dma_wait3A_53 : memref<1x320000xi32, #tpu.memory_space<hbm>> -> memref<320000xi32, #tpu.memory_space<hbm>>
    %dma_wait3A_55 = tpu.memref_slice %dma_wait3A_54[%mul3A_50] : memref<320000xi32, #tpu.memory_space<hbm>> -> memref<10000xi32, #tpu.memory_space<hbm>>
    %dma_wait3A_56 = arith.constant 0 : i32
    %dma_wait3A_57 = tpu.memref_slice %arg3[%dma_wait3A_51, %dma_wait3A_56] : memref<2x320000xi32, #tpu.memory_space<hbm>> -> memref<1x320000xi32, #tpu.memory_space<hbm>>
    %dma_wait3A_58 = tpu.memref_squeeze %dma_wait3A_57 : memref<1x320000xi32, #tpu.memory_space<hbm>> -> memref<320000xi32, #tpu.memory_space<hbm>>
    %dma_wait3A_59 = tpu.memref_slice %dma_wait3A_58[%mul3A_50] : memref<320000xi32, #tpu.memory_space<hbm>> -> memref<10000xi32, #tpu.memory_space<hbm>>
    tpu.wait_dma2 semaphore(%arg11 : memref<!tpu.dma_semaphore, #tpu.memory_space<semaphore_mem>>) src(%dma_wait3A_59 : memref<10000xi32, #tpu.memory_space<hbm>>) dst(%arg6 : memref<10000xi32, #tpu.memory_space<vmem>>)
    %barrier3A = arith.constant 0 : index
    tpu.barrier barrier_id(%barrier3A)
    %dma_start3A_60 = arith.constant 0 : i32
    %dma_start3A_61 = tpu.memref_slice %arg5[%dma_start3A_60] : memref<10000xi32, #tpu.memory_space<vmem>> -> memref<104xi32, #tpu.memory_space<vmem>>
    %dma_start3A_62 = arith.constant 0 : i32
    %dma_start3A_63 = arith.constant 0 : i32
    %dma_start3A_64 = tpu.memref_slice %arg2[%dma_start3A_62, %dma_start3A_63] : memref<10000x128xf32, #tpu.memory_space<hbm>> -> memref<10000x128xf32, #tpu.memory_space<hbm>>
    tpu.enqueue_indirect_dma source(%dma_start3A_64 : memref<10000x128xf32, #tpu.memory_space<hbm>>) target(%arg7 : memref<104x128xf32, #tpu.memory_space<vmem>>) offsets(%dma_start3A_61 : memref<104xi32, #tpu.memory_space<vmem>>) semaphore(%arg10 : memref<!tpu.dma_semaphore, #tpu.memory_space<semaphore_mem>>)
    %dma_start3A_65 = arith.constant 104 : i32
    %dma_start3A_66 = tpu.memref_slice %arg5[%dma_start3A_65] : memref<10000xi32, #tpu.memory_space<vmem>> -> memref<104xi32, #tpu.memory_space<vmem>>
    %dma_start3A_67 = arith.constant 0 : i32
    %dma_start3A_68 = arith.constant 0 : i32
    %dma_start3A_69 = tpu.memref_slice %arg2[%dma_start3A_67, %dma_start3A_68] : memref<10000x128xf32, #tpu.memory_space<hbm>> -> memref<10000x128xf32, #tpu.memory_space<hbm>>
    tpu.enqueue_indirect_dma source(%dma_start3A_69 : memref<10000x128xf32, #tpu.memory_space<hbm>>) target(%arg8 : memref<104x128xf32, #tpu.memory_space<vmem>>) offsets(%dma_start3A_66 : memref<104xi32, #tpu.memory_space<vmem>>) semaphore(%arg11 : memref<!tpu.dma_semaphore, #tpu.memory_space<semaphore_mem>>)
    %scan3A_70 = arith.constant 0 : i32
    %scan3A_71 = arith.constant 0 : i32
    %scan3A_72 = arith.constant 48 : i32
    %scan3A_73 = arith.addi %scan3A_71, %scan3A_72 : i32
    %scan3A_74 = arith.constant 1 : i32
    scf.for %scan3A_102 = %scan3A_71 to %scan3A_73 step %scan3A_74  : i32 {
      %mul3A_103 = arith.constant 2 : i32
      %mul3A_104 = arith.muli %scan3A_102, %mul3A_103 : i32
      %add3A_105 = arith.constant 0 : i32
      %add3A_106 = arith.addi %mul3A_104, %add3A_105 : i32
      %mul3A_107 = arith.constant 104 : i32
      %mul3A_108 = arith.muli %add3A_106, %mul3A_107 : i32
      %dma_wait3A_109 = tpu.memref_slice %arg5[%mul3A_108] : memref<10000xi32, #tpu.memory_space<vmem>> -> memref<104xi32, #tpu.memory_space<vmem>>
      %dma_wait3A_110 = arith.constant 0 : i32
      %dma_wait3A_111 = arith.constant 0 : i32
      %dma_wait3A_112 = tpu.memref_slice %arg2[%dma_wait3A_110, %dma_wait3A_111] : memref<10000x128xf32, #tpu.memory_space<hbm>> -> memref<10000x128xf32, #tpu.memory_space<hbm>>
      tpu.wait_indirect_dma semaphore(%arg10 : memref<!tpu.dma_semaphore, #tpu.memory_space<semaphore_mem>>) src(%dma_wait3A_112 : memref<10000x128xf32, #tpu.memory_space<hbm>>) dst(%arg7 : memref<104x128xf32, #tpu.memory_space<vmem>>)
      %mul3A_113 = arith.constant 104 : i32
      %mul3A_114 = arith.muli %add3A_106, %mul3A_113 : i32
      "tpu.region"() ({
        %run_scoped3A = tpu.sem_alloc : memref<!tpu.dma_semaphore, #tpu.memory_space<semaphore_mem>>
        %dma_start3A_140 = tpu.memref_slice %arg6[%mul3A_114] : memref<10000xi32, #tpu.memory_space<vmem>> -> memref<104xi32, #tpu.memory_space<vmem>>
        %dma_start3A_141 = arith.constant 0 : i32
        %dma_start3A_142 = arith.constant 0 : i32
        %dma_start3A_143 = tpu.memref_slice %arg9[%dma_start3A_141, %dma_start3A_142] : memref<10000x128xf32, #tpu.memory_space<vmem_shared>> -> memref<10000x128xf32, #tpu.memory_space<vmem_shared>>
        tpu.enqueue_indirect_dma source(%arg7 : memref<104x128xf32, #tpu.memory_space<vmem>>) target(%dma_start3A_143 : memref<10000x128xf32, #tpu.memory_space<vmem_shared>>) offsets(%dma_start3A_140 : memref<104xi32, #tpu.memory_space<vmem>>) semaphore(%run_scoped3A : memref<!tpu.dma_semaphore, #tpu.memory_space<semaphore_mem>>) {add = true}
        %dma_wait3A_144 = tpu.memref_slice %arg6[%mul3A_114] : memref<10000xi32, #tpu.memory_space<vmem>> -> memref<104xi32, #tpu.memory_space<vmem>>
        %dma_wait3A_145 = arith.constant 0 : i32
        %dma_wait3A_146 = arith.constant 0 : i32
        %dma_wait3A_147 = tpu.memref_slice %arg9[%dma_wait3A_145, %dma_wait3A_146] : memref<10000x128xf32, #tpu.memory_space<vmem_shared>> -> memref<10000x128xf32, #tpu.memory_space<vmem_shared>>
        tpu.wait_indirect_dma semaphore(%run_scoped3A : memref<!tpu.dma_semaphore, #tpu.memory_space<semaphore_mem>>) src(%arg7 : memref<104x128xf32, #tpu.memory_space<vmem>>) dst(%dma_wait3A_147 : memref<10000x128xf32, #tpu.memory_space<vmem_shared>>)
        tpu.yield
      }) : () -> ()
      %add3A_115 = arith.constant 2 : i32
      %add3A_116 = arith.addi %add3A_106, %add3A_115 : i32
      %lt3A = arith.constant 96 : i32
      %lt3A_117 = arith.cmpi slt, %add3A_116, %lt3A : i32
      %convert_element_type3A_118 = arith.extui %lt3A_117 : i1 to i32
      %cond3A_119 = arith.constant 0 : i32
      %cond3A_120 = arith.cmpi ne, %convert_element_type3A_118, %cond3A_119 : i32
      scf.if %cond3A_120 {
        %add3A_140 = arith.constant 2 : i32
        %add3A_141 = arith.addi %add3A_106, %add3A_140 : i32
        %mul3A_142 = arith.constant 104 : i32
        %mul3A_143 = arith.muli %add3A_141, %mul3A_142 : i32
        %dma_start3A_144 = tpu.memref_slice %arg5[%mul3A_143] : memref<10000xi32, #tpu.memory_space<vmem>> -> memref<104xi32, #tpu.memory_space<vmem>>
        %dma_start3A_145 = arith.constant 0 : i32
        %dma_start3A_146 = arith.constant 0 : i32
        %dma_start3A_147 = tpu.memref_slice %arg2[%dma_start3A_145, %dma_start3A_146] : memref<10000x128xf32, #tpu.memory_space<hbm>> -> memref<10000x128xf32, #tpu.memory_space<hbm>>
        tpu.enqueue_indirect_dma source(%dma_start3A_147 : memref<10000x128xf32, #tpu.memory_space<hbm>>) target(%arg7 : memref<104x128xf32, #tpu.memory_space<vmem>>) offsets(%dma_start3A_144 : memref<104xi32, #tpu.memory_space<vmem>>) semaphore(%arg10 : memref<!tpu.dma_semaphore, #tpu.memory_space<semaphore_mem>>)
      } else {
      }
      %mul3A_121 = arith.constant 2 : i32
      %mul3A_122 = arith.muli %scan3A_102, %mul3A_121 : i32
      %add3A_123 = arith.constant 1 : i32
      %add3A_124 = arith.addi %mul3A_122, %add3A_123 : i32
      %mul3A_125 = arith.constant 104 : i32
      %mul3A_126 = arith.muli %add3A_124, %mul3A_125 : i32
      %dma_wait3A_127 = tpu.memref_slice %arg5[%mul3A_126] : memref<10000xi32, #tpu.memory_space<vmem>> -> memref<104xi32, #tpu.memory_space<vmem>>
      %dma_wait3A_128 = arith.constant 0 : i32
      %dma_wait3A_129 = arith.constant 0 : i32
      %dma_wait3A_130 = tpu.memref_slice %arg2[%dma_wait3A_128, %dma_wait3A_129] : memref<10000x128xf32, #tpu.memory_space<hbm>> -> memref<10000x128xf32, #tpu.memory_space<hbm>>
      tpu.wait_indirect_dma semaphore(%arg11 : memref<!tpu.dma_semaphore, #tpu.memory_space<semaphore_mem>>) src(%dma_wait3A_130 : memref<10000x128xf32, #tpu.memory_space<hbm>>) dst(%arg8 : memref<104x128xf32, #tpu.memory_space<vmem>>)
      %mul3A_131 = arith.constant 104 : i32
      %mul3A_132 = arith.muli %add3A_124, %mul3A_131 : i32
      "tpu.region"() ({
        %run_scoped3A = tpu.sem_alloc : memref<!tpu.dma_semaphore, #tpu.memory_space<semaphore_mem>>
        %dma_start3A_140 = tpu.memref_slice %arg6[%mul3A_132] : memref<10000xi32, #tpu.memory_space<vmem>> -> memref<104xi32, #tpu.memory_space<vmem>>
        %dma_start3A_141 = arith.constant 0 : i32
        %dma_start3A_142 = arith.constant 0 : i32
        %dma_start3A_143 = tpu.memref_slice %arg9[%dma_start3A_141, %dma_start3A_142] : memref<10000x128xf32, #tpu.memory_space<vmem_shared>> -> memref<10000x128xf32, #tpu.memory_space<vmem_shared>>
        tpu.enqueue_indirect_dma source(%arg8 : memref<104x128xf32, #tpu.memory_space<vmem>>) target(%dma_start3A_143 : memref<10000x128xf32, #tpu.memory_space<vmem_shared>>) offsets(%dma_start3A_140 : memref<104xi32, #tpu.memory_space<vmem>>) semaphore(%run_scoped3A : memref<!tpu.dma_semaphore, #tpu.memory_space<semaphore_mem>>) {add = true}
        %dma_wait3A_144 = tpu.memref_slice %arg6[%mul3A_132] : memref<10000xi32, #tpu.memory_space<vmem>> -> memref<104xi32, #tpu.memory_space<vmem>>
        %dma_wait3A_145 = arith.constant 0 : i32
        %dma_wait3A_146 = arith.constant 0 : i32
        %dma_wait3A_147 = tpu.memref_slice %arg9[%dma_wait3A_145, %dma_wait3A_146] : memref<10000x128xf32, #tpu.memory_space<vmem_shared>> -> memref<10000x128xf32, #tpu.memory_space<vmem_shared>>
        tpu.wait_indirect_dma semaphore(%run_scoped3A : memref<!tpu.dma_semaphore, #tpu.memory_space<semaphore_mem>>) src(%arg8 : memref<104x128xf32, #tpu.memory_space<vmem>>) dst(%dma_wait3A_147 : memref<10000x128xf32, #tpu.memory_space<vmem_shared>>)
        tpu.yield
      }) : () -> ()
      %add3A_133 = arith.constant 2 : i32
      %add3A_134 = arith.addi %add3A_124, %add3A_133 : i32
      %lt3A_135 = arith.constant 96 : i32
      %lt3A_136 = arith.cmpi slt, %add3A_134, %lt3A_135 : i32
      %convert_element_type3A_137 = arith.extui %lt3A_136 : i1 to i32
      %cond3A_138 = arith.constant 0 : i32
      %cond3A_139 = arith.cmpi ne, %convert_element_type3A_137, %cond3A_138 : i32
      scf.if %cond3A_139 {
        %add3A_140 = arith.constant 2 : i32
        %add3A_141 = arith.addi %add3A_124, %add3A_140 : i32
        %mul3A_142 = arith.constant 104 : i32
        %mul3A_143 = arith.muli %add3A_141, %mul3A_142 : i32
        %dma_start3A_144 = tpu.memref_slice %arg5[%mul3A_143] : memref<10000xi32, #tpu.memory_space<vmem>> -> memref<104xi32, #tpu.memory_space<vmem>>
        %dma_start3A_145 = arith.constant 0 : i32
        %dma_start3A_146 = arith.constant 0 : i32
        %dma_start3A_147 = tpu.memref_slice %arg2[%dma_start3A_145, %dma_start3A_146] : memref<10000x128xf32, #tpu.memory_space<hbm>> -> memref<10000x128xf32, #tpu.memory_space<hbm>>
        tpu.enqueue_indirect_dma source(%dma_start3A_147 : memref<10000x128xf32, #tpu.memory_space<hbm>>) target(%arg8 : memref<104x128xf32, #tpu.memory_space<vmem>>) offsets(%dma_start3A_144 : memref<104xi32, #tpu.memory_space<vmem>>) semaphore(%arg11 : memref<!tpu.dma_semaphore, #tpu.memory_space<semaphore_mem>>)
      } else {
      }
    }
    %scan3A_75 = arith.constant 48 : i32
    %dma_start3A_76 = arith.constant 0 : i32
    %dma_start3A_77 = arith.constant 0 : i32
    %dma_start3A_78 = tpu.memref_slice %arg7[%dma_start3A_76, %dma_start3A_77] : memref<104x128xf32, #tpu.memory_space<vmem>> -> memref<16x128xf32, #tpu.memory_space<vmem>>
    %dma_start3A_79 = arith.constant 9984 : i32
    %dma_start3A_80 = tpu.memref_slice %arg5[%dma_start3A_79] : memref<10000xi32, #tpu.memory_space<vmem>> -> memref<16xi32, #tpu.memory_space<vmem>>
    %dma_start3A_81 = arith.constant 0 : i32
    %dma_start3A_82 = arith.constant 0 : i32
    %dma_start3A_83 = tpu.memref_slice %arg2[%dma_start3A_81, %dma_start3A_82] : memref<10000x128xf32, #tpu.memory_space<hbm>> -> memref<10000x128xf32, #tpu.memory_space<hbm>>
    tpu.enqueue_indirect_dma source(%dma_start3A_83 : memref<10000x128xf32, #tpu.memory_space<hbm>>) target(%dma_start3A_78 : memref<16x128xf32, #tpu.memory_space<vmem>>) offsets(%dma_start3A_80 : memref<16xi32, #tpu.memory_space<vmem>>) semaphore(%arg10 : memref<!tpu.dma_semaphore, #tpu.memory_space<semaphore_mem>>)
    %dma_wait3A_84 = arith.constant 0 : i32
    %dma_wait3A_85 = arith.constant 0 : i32
    %dma_wait3A_86 = tpu.memref_slice %arg7[%dma_wait3A_84, %dma_wait3A_85] : memref<104x128xf32, #tpu.memory_space<vmem>> -> memref<16x128xf32, #tpu.memory_space<vmem>>
    %dma_wait3A_87 = arith.constant 9984 : i32
    %dma_wait3A_88 = tpu.memref_slice %arg5[%dma_wait3A_87] : memref<10000xi32, #tpu.memory_space<vmem>> -> memref<16xi32, #tpu.memory_space<vmem>>
    %dma_wait3A_89 = arith.constant 0 : i32
    %dma_wait3A_90 = arith.constant 0 : i32
    %dma_wait3A_91 = tpu.memref_slice %arg2[%dma_wait3A_89, %dma_wait3A_90] : memref<10000x128xf32, #tpu.memory_space<hbm>> -> memref<10000x128xf32, #tpu.memory_space<hbm>>
    tpu.wait_indirect_dma semaphore(%arg10 : memref<!tpu.dma_semaphore, #tpu.memory_space<semaphore_mem>>) src(%dma_wait3A_91 : memref<10000x128xf32, #tpu.memory_space<hbm>>) dst(%dma_wait3A_86 : memref<16x128xf32, #tpu.memory_space<vmem>>)
    "tpu.region"() ({
      %run_scoped3A = tpu.sem_alloc : memref<!tpu.dma_semaphore, #tpu.memory_space<semaphore_mem>>
      %dma_start3A_102 = arith.constant 0 : i32
      %dma_start3A_103 = arith.constant 0 : i32
      %dma_start3A_104 = tpu.memref_slice %arg7[%dma_start3A_102, %dma_start3A_103] : memref<104x128xf32, #tpu.memory_space<vmem>> -> memref<16x128xf32, #tpu.memory_space<vmem>>
      %dma_start3A_105 = arith.constant 9984 : i32
      %dma_start3A_106 = tpu.memref_slice %arg6[%dma_start3A_105] : memref<10000xi32, #tpu.memory_space<vmem>> -> memref<16xi32, #tpu.memory_space<vmem>>
      %dma_start3A_107 = arith.constant 0 : i32
      %dma_start3A_108 = arith.constant 0 : i32
      %dma_start3A_109 = tpu.memref_slice %arg9[%dma_start3A_107, %dma_start3A_108] : memref<10000x128xf32, #tpu.memory_space<vmem_shared>> -> memref<10000x128xf32, #tpu.memory_space<vmem_shared>>
      tpu.enqueue_indirect_dma source(%dma_start3A_104 : memref<16x128xf32, #tpu.memory_space<vmem>>) target(%dma_start3A_109 : memref<10000x128xf32, #tpu.memory_space<vmem_shared>>) offsets(%dma_start3A_106 : memref<16xi32, #tpu.memory_space<vmem>>) semaphore(%run_scoped3A : memref<!tpu.dma_semaphore, #tpu.memory_space<semaphore_mem>>) {add = true}
      %dma_wait3A_110 = arith.constant 0 : i32
      %dma_wait3A_111 = arith.constant 0 : i32
      %dma_wait3A_112 = tpu.memref_slice %arg7[%dma_wait3A_110, %dma_wait3A_111] : memref<104x128xf32, #tpu.memory_space<vmem>> -> memref<16x128xf32, #tpu.memory_space<vmem>>
      %dma_wait3A_113 = arith.constant 9984 : i32
      %dma_wait3A_114 = tpu.memref_slice %arg6[%dma_wait3A_113] : memref<10000xi32, #tpu.memory_space<vmem>> -> memref<16xi32, #tpu.memory_space<vmem>>
      %dma_wait3A_115 = arith.constant 0 : i32
      %dma_wait3A_116 = arith.constant 0 : i32
      %dma_wait3A_117 = tpu.memref_slice %arg9[%dma_wait3A_115, %dma_wait3A_116] : memref<10000x128xf32, #tpu.memory_space<vmem_shared>> -> memref<10000x128xf32, #tpu.memory_space<vmem_shared>>
      tpu.wait_indirect_dma semaphore(%run_scoped3A : memref<!tpu.dma_semaphore, #tpu.memory_space<semaphore_mem>>) src(%dma_wait3A_112 : memref<16x128xf32, #tpu.memory_space<vmem>>) dst(%dma_wait3A_117 : memref<10000x128xf32, #tpu.memory_space<vmem_shared>>)
      tpu.yield
    }) : () -> ()
    %barrier3A_92 = arith.constant 0 : index
    tpu.barrier barrier_id(%barrier3A_92)
    %mul3A_93 = arith.constant 624 : i32
    %mul3A_94 = arith.muli %arg1, %mul3A_93 : i32
    %mul3A_95 = arith.constant 624 : i32
    %mul3A_96 = arith.muli %arg1, %mul3A_95 : i32
    "tpu.region"() ({
      %run_scoped3A = tpu.sem_alloc : memref<!tpu.dma_semaphore, #tpu.memory_space<semaphore_mem>>
      %dma_start3A_102 = arith.constant 0 : i32
      %dma_start3A_103 = arith.constant 0 : i32
      %dma_start3A_104 = tpu.memref_slice %arg4[%arg0, %dma_start3A_102, %dma_start3A_103] : memref<2x10000x128xf32, #tpu.memory_space<hbm>> -> memref<1x10000x128xf32, #tpu.memory_space<hbm>>
      %dma_start3A_105 = tpu.memref_squeeze %dma_start3A_104 : memref<1x10000x128xf32, #tpu.memory_space<hbm>> -> memref<10000x128xf32, #tpu.memory_space<hbm>>
      %dma_start3A_106 = arith.constant 0 : i32
      %dma_start3A_107 = tpu.memref_slice %dma_start3A_105[%mul3A_96, %dma_start3A_106] : memref<10000x128xf32, #tpu.memory_space<hbm>> -> memref<624x128xf32, #tpu.memory_space<hbm>>
      %dma_start3A_108 = arith.constant 0 : i32
      %dma_start3A_109 = tpu.memref_slice %arg9[%mul3A_94, %dma_start3A_108] : memref<10000x128xf32, #tpu.memory_space<vmem_shared>> -> memref<624x128xf32, #tpu.memory_space<vmem_shared>>
      tpu.enqueue_dma source(%dma_start3A_109 : memref<624x128xf32, #tpu.memory_space<vmem_shared>>) target(%dma_start3A_107 : memref<624x128xf32, #tpu.memory_space<hbm>>) target_semaphore(%run_scoped3A : memref<!tpu.dma_semaphore, #tpu.memory_space<semaphore_mem>>)
      %dma_wait3A_110 = arith.constant 0 : i32
      %dma_wait3A_111 = arith.constant 0 : i32
      %dma_wait3A_112 = tpu.memref_slice %arg4[%arg0, %dma_wait3A_110, %dma_wait3A_111] : memref<2x10000x128xf32, #tpu.memory_space<hbm>> -> memref<1x10000x128xf32, #tpu.memory_space<hbm>>
      %dma_wait3A_113 = tpu.memref_squeeze %dma_wait3A_112 : memref<1x10000x128xf32, #tpu.memory_space<hbm>> -> memref<10000x128xf32, #tpu.memory_space<hbm>>
      %dma_wait3A_114 = arith.constant 0 : i32
      %dma_wait3A_115 = tpu.memref_slice %dma_wait3A_113[%mul3A_96, %dma_wait3A_114] : memref<10000x128xf32, #tpu.memory_space<hbm>> -> memref<624x128xf32, #tpu.memory_space<hbm>>
      %dma_wait3A_116 = arith.constant 0 : i32
      %dma_wait3A_117 = tpu.memref_slice %arg9[%mul3A_94, %dma_wait3A_116] : memref<10000x128xf32, #tpu.memory_space<vmem_shared>> -> memref<624x128xf32, #tpu.memory_space<vmem_shared>>
      tpu.wait_dma2 semaphore(%run_scoped3A : memref<!tpu.dma_semaphore, #tpu.memory_space<semaphore_mem>>) src(%dma_wait3A_117 : memref<624x128xf32, #tpu.memory_space<vmem_shared>>) dst(%dma_wait3A_115 : memref<624x128xf32, #tpu.memory_space<hbm>>)
      tpu.yield
    }) : () -> ()
    %eq3A_97 = arith.constant 0 : i32
    %eq3A_98 = arith.cmpi eq, %arg1, %eq3A_97 : i32
    %convert_element_type3A_99 = arith.extui %eq3A_98 : i1 to i32
    %cond3A_100 = arith.constant 0 : i32
    %cond3A_101 = arith.cmpi ne, %convert_element_type3A_99, %cond3A_100 : i32
    scf.if %cond3A_101 {
      "tpu.region"() ({
        %run_scoped3A = tpu.sem_alloc : memref<!tpu.dma_semaphore, #tpu.memory_space<semaphore_mem>>
        %dma_start3A_102 = arith.constant 0 : i32
        %dma_start3A_103 = arith.constant 0 : i32
        %dma_start3A_104 = tpu.memref_slice %arg4[%arg0, %dma_start3A_102, %dma_start3A_103] : memref<2x10000x128xf32, #tpu.memory_space<hbm>> -> memref<1x10000x128xf32, #tpu.memory_space<hbm>>
        %dma_start3A_105 = tpu.memref_squeeze %dma_start3A_104 : memref<1x10000x128xf32, #tpu.memory_space<hbm>> -> memref<10000x128xf32, #tpu.memory_space<hbm>>
        %dma_start3A_106 = arith.constant 9984 : i32
        %dma_start3A_107 = arith.constant 0 : i32
        %dma_start3A_108 = tpu.memref_slice %dma_start3A_105[%dma_start3A_106, %dma_start3A_107] : memref<10000x128xf32, #tpu.memory_space<hbm>> -> memref<16x128xf32, #tpu.memory_space<hbm>>
        %dma_start3A_109 = arith.constant 9984 : i32
        %dma_start3A_110 = arith.constant 0 : i32
        %dma_start3A_111 = tpu.memref_slice %arg9[%dma_start3A_109, %dma_start3A_110] : memref<10000x128xf32, #tpu.memory_space<vmem_shared>> -> memref<16x128xf32, #tpu.memory_space<vmem_shared>>
        tpu.enqueue_dma source(%dma_start3A_111 : memref<16x128xf32, #tpu.memory_space<vmem_shared>>) target(%dma_start3A_108 : memref<16x128xf32, #tpu.memory_space<hbm>>) target_semaphore(%run_scoped3A : memref<!tpu.dma_semaphore, #tpu.memory_space<semaphore_mem>>)
        %dma_wait3A_112 = arith.constant 0 : i32
        %dma_wait3A_113 = arith.constant 0 : i32
        %dma_wait3A_114 = tpu.memref_slice %arg4[%arg0, %dma_wait3A_112, %dma_wait3A_113] : memref<2x10000x128xf32, #tpu.memory_space<hbm>> -> memref<1x10000x128xf32, #tpu.memory_space<hbm>>
        %dma_wait3A_115 = tpu.memref_squeeze %dma_wait3A_114 : memref<1x10000x128xf32, #tpu.memory_space<hbm>> -> memref<10000x128xf32, #tpu.memory_space<hbm>>
        %dma_wait3A_116 = arith.constant 9984 : i32
        %dma_wait3A_117 = arith.constant 0 : i32
        %dma_wait3A_118 = tpu.memref_slice %dma_wait3A_115[%dma_wait3A_116, %dma_wait3A_117] : memref<10000x128xf32, #tpu.memory_space<hbm>> -> memref<16x128xf32, #tpu.memory_space<hbm>>
        %dma_wait3A_119 = arith.constant 9984 : i32
        %dma_wait3A_120 = arith.constant 0 : i32
        %dma_wait3A_121 = tpu.memref_slice %arg9[%dma_wait3A_119, %dma_wait3A_120] : memref<10000x128xf32, #tpu.memory_space<vmem_shared>> -> memref<16x128xf32, #tpu.memory_space<vmem_shared>>
        tpu.wait_dma2 semaphore(%run_scoped3A : memref<!tpu.dma_semaphore, #tpu.memory_space<semaphore_mem>>) src(%dma_wait3A_121 : memref<16x128xf32, #tpu.memory_space<vmem_shared>>) dst(%dma_wait3A_118 : memref<16x128xf32, #tpu.memory_space<hbm>>)
        tpu.yield
      }) : () -> ()
    } else {
    }
    return
  }
}

module attributes {stable_mosaic.version = 14 : i64} {
  func.func @_mid_body(%arg0: memref<2x10000x128xf32, #tpu.memory_space<vmem>>, %arg1: memref<10000x128xf32, #tpu.memory_space<vmem>>, %arg2: memref<2x10000x16xf32, #tpu.memory_space<vmem>>, %arg3: memref<128xf32, #tpu.memory_space<vmem>>, %arg4: memref<128xf32, #tpu.memory_space<vmem>>, %arg5: memref<128xf32, #tpu.memory_space<vmem>>, %arg6: memref<128x128xf32, #tpu.memory_space<vmem>>, %arg7: memref<10000x128xf32, #tpu.memory_space<vmem>>, %arg8: memref<10000x128xf32, #tpu.memory_space<vmem>>) attributes {dimension_semantics = [], scalar_prefetch = 0 : i64, scratch_operands = 0 : i64, tpu.core_type = #tpu.core_type<tc>} {
    %get3A = arith.constant 0 : index
    %get3A_0 = arith.constant 0 : index
    %get3A_1 = arith.constant 0 : index
    %get3A_2 = vector.load %arg2[%get3A, %get3A_0, %get3A_1] : memref<2x10000x16xf32, #tpu.memory_space<vmem>>, vector<1x10000x16xf32>
    %get3A_3 = vector.shape_cast %get3A_2 : vector<1x10000x16xf32> to vector<10000x16xf32>
    %slice3A = vector.extract_strided_slice %get3A_3 {offsets = [0, 0], sizes = [10000, 1], strides = [1, 1]} : vector<10000x16xf32> to vector<10000x1xf32>
    %get3A_4 = arith.constant 1 : index
    %get3A_5 = arith.constant 0 : index
    %get3A_6 = arith.constant 0 : index
    %get3A_7 = vector.load %arg2[%get3A_4, %get3A_5, %get3A_6] : memref<2x10000x16xf32, #tpu.memory_space<vmem>>, vector<1x10000x16xf32>
    %get3A_8 = vector.shape_cast %get3A_7 : vector<1x10000x16xf32> to vector<10000x16xf32>
    %slice3A_9 = vector.extract_strided_slice %get3A_8 {offsets = [0, 0], sizes = [10000, 1], strides = [1, 1]} : vector<10000x16xf32> to vector<10000x1xf32>
    %add3A = arith.addf %slice3A, %slice3A_9 : vector<10000x1xf32>
    %add3A_10 = arith.constant 1.000000e+00 : f32
    %add3A_11 = vector.broadcast %add3A_10 : f32 to vector<10000x1xf32>
    %add3A_12 = arith.addf %add3A, %add3A_11 : vector<10000x1xf32>
    %max3A = arith.constant 1.000000e+00 : f32
    %max3A_13 = vector.broadcast %max3A : f32 to vector<10000x1xf32>
    %max3A_14 = arith.maximumf %add3A_12, %max3A_13 : vector<10000x1xf32>
    %rsqrt3A = math.rsqrt %max3A_14 : vector<10000x1xf32>
    %get3A_15 = arith.constant 0 : index
    %get3A_16 = arith.constant 0 : index
    %get3A_17 = arith.constant 0 : index
    %get3A_18 = vector.load %arg0[%get3A_15, %get3A_16, %get3A_17] : memref<2x10000x128xf32, #tpu.memory_space<vmem>>, vector<1x10000x128xf32>
    %get3A_19 = vector.shape_cast %get3A_18 : vector<1x10000x128xf32> to vector<10000x128xf32>
    %get3A_20 = arith.constant 1 : index
    %get3A_21 = arith.constant 0 : index
    %get3A_22 = arith.constant 0 : index
    %get3A_23 = vector.load %arg0[%get3A_20, %get3A_21, %get3A_22] : memref<2x10000x128xf32, #tpu.memory_space<vmem>>, vector<1x10000x128xf32>
    %get3A_24 = vector.shape_cast %get3A_23 : vector<1x10000x128xf32> to vector<10000x128xf32>
    %add3A_25 = arith.addf %get3A_19, %get3A_24 : vector<10000x128xf32>
    %get3A_26 = arith.constant 0 : index
    %get3A_27 = arith.constant 0 : index
    %get3A_28 = vector.load %arg1[%get3A_26, %get3A_27] : memref<10000x128xf32, #tpu.memory_space<vmem>>, vector<10000x128xf32>
    %add3A_29 = arith.addf %add3A_25, %get3A_28 : vector<10000x128xf32>
    %mul3A = vector.broadcast %rsqrt3A : vector<10000x1xf32> to vector<10000x128xf32>
    %mul3A_30 = arith.mulf %add3A_29, %mul3A : vector<10000x128xf32>
    %get3A_31 = arith.constant 0 : index
    %get3A_32 = vector.load %arg3[%get3A_31] : memref<128xf32, #tpu.memory_space<vmem>>, vector<128xf32>
    %broadcast_in_dim3A = vector.shape_cast %get3A_32 : vector<128xf32> to vector<1x128xf32>
    %add3A_33 = vector.broadcast %broadcast_in_dim3A : vector<1x128xf32> to vector<10000x128xf32>
    %add3A_34 = arith.addf %mul3A_30, %add3A_33 : vector<10000x128xf32>
    %reduce_sum3A = arith.constant dense<0.000000e+00> : vector<128xf32>
    %reduce_sum3A_35 = vector.multi_reduction <add>, %add3A_34, %reduce_sum3A [0] : vector<10000x128xf32> to vector<128xf32>
    %broadcast_in_dim3A_36 = vector.shape_cast %reduce_sum3A_35 : vector<128xf32> to vector<1x128xf32>
    %div3A = arith.constant 1.000000e+04 : f32
    %div3A_37 = vector.broadcast %div3A : f32 to vector<1x128xf32>
    %div3A_38 = arith.divf %broadcast_in_dim3A_36, %div3A_37 : vector<1x128xf32>
    %sub3A = vector.broadcast %div3A_38 : vector<1x128xf32> to vector<10000x128xf32>
    %sub3A_39 = arith.subf %add3A_34, %sub3A : vector<10000x128xf32>
    %integer_pow3A = arith.mulf %sub3A_39, %sub3A_39 : vector<10000x128xf32>
    %reduce_sum3A_40 = arith.constant dense<0.000000e+00> : vector<128xf32>
    %reduce_sum3A_41 = vector.multi_reduction <add>, %integer_pow3A, %reduce_sum3A_40 [0] : vector<10000x128xf32> to vector<128xf32>
    %broadcast_in_dim3A_42 = vector.shape_cast %reduce_sum3A_41 : vector<128xf32> to vector<1x128xf32>
    %div3A_43 = arith.constant 1.000000e+04 : f32
    %div3A_44 = vector.broadcast %div3A_43 : f32 to vector<1x128xf32>
    %div3A_45 = arith.divf %broadcast_in_dim3A_42, %div3A_44 : vector<1x128xf32>
    %sub3A_46 = vector.broadcast %div3A_38 : vector<1x128xf32> to vector<10000x128xf32>
    %sub3A_47 = arith.subf %add3A_34, %sub3A_46 : vector<10000x128xf32>
    %add3A_48 = arith.constant 9.99999974E-6 : f32
    %add3A_49 = vector.broadcast %add3A_48 : f32 to vector<1x128xf32>
    %add3A_50 = arith.addf %div3A_45, %add3A_49 : vector<1x128xf32>
    %rsqrt3A_51 = math.rsqrt %add3A_50 : vector<1x128xf32>
    %mul3A_52 = vector.broadcast %rsqrt3A_51 : vector<1x128xf32> to vector<10000x128xf32>
    %mul3A_53 = arith.mulf %sub3A_47, %mul3A_52 : vector<10000x128xf32>
    %get3A_54 = arith.constant 0 : index
    %get3A_55 = vector.load %arg4[%get3A_54] : memref<128xf32, #tpu.memory_space<vmem>>, vector<128xf32>
    %broadcast_in_dim3A_56 = vector.shape_cast %get3A_55 : vector<128xf32> to vector<1x128xf32>
    %mul3A_57 = vector.broadcast %broadcast_in_dim3A_56 : vector<1x128xf32> to vector<10000x128xf32>
    %mul3A_58 = arith.mulf %mul3A_53, %mul3A_57 : vector<10000x128xf32>
    %get3A_59 = arith.constant 0 : index
    %get3A_60 = vector.load %arg5[%get3A_59] : memref<128xf32, #tpu.memory_space<vmem>>, vector<128xf32>
    %broadcast_in_dim3A_61 = vector.shape_cast %get3A_60 : vector<128xf32> to vector<1x128xf32>
    %add3A_62 = vector.broadcast %broadcast_in_dim3A_61 : vector<1x128xf32> to vector<10000x128xf32>
    %add3A_63 = arith.addf %mul3A_58, %add3A_62 : vector<10000x128xf32>
    %max3A_64 = arith.constant 0.000000e+00 : f32
    %max3A_65 = vector.broadcast %max3A_64 : f32 to vector<10000x128xf32>
    %max3A_66 = arith.maximumf %add3A_63, %max3A_65 : vector<10000x128xf32>
    %swap3A = arith.constant 0 : index
    %swap3A_67 = arith.constant 0 : index
    %swap3A_68 = vector.load %arg7[%swap3A, %swap3A_67] : memref<10000x128xf32, #tpu.memory_space<vmem>>, vector<10000x128xf32>
    tpu.vector_store %arg7[%swap3A, %swap3A_67], %max3A_66 {strides = array<i32>} : memref<10000x128xf32, #tpu.memory_space<vmem>>, vector<10000x128xf32>,
    %get3A_69 = arith.constant 0 : index
    %get3A_70 = arith.constant 0 : index
    %get3A_71 = vector.load %arg6[%get3A_69, %get3A_70] : memref<128x128xf32, #tpu.memory_space<vmem>>, vector<128x128xf32>
    %dot_general3A = arith.constant dense<0.000000e+00> : vector<10000x128xf32>
    %dot_general3A_72 = tpu.matmul %max3A_66, %get3A_71, %dot_general3A {dimension_numbers = #tpu.dot_dimension_numbers<[1], [0], [0], [1], [0, 0, 1, 1], [], []>, transpose_lhs_hint = false} : vector<10000x128xf32>, vector<128x128xf32>, vector<10000x128xf32> -> vector<10000x128xf32>
    %mul3A_73 = vector.broadcast %rsqrt3A : vector<10000x1xf32> to vector<10000x128xf32>
    %mul3A_74 = arith.mulf %dot_general3A_72, %mul3A_73 : vector<10000x128xf32>
    %swap3A_75 = arith.constant 0 : index
    %swap3A_76 = arith.constant 0 : index
    %swap3A_77 = vector.load %arg8[%swap3A_75, %swap3A_76] : memref<10000x128xf32, #tpu.memory_space<vmem>>, vector<10000x128xf32>
    tpu.vector_store %arg8[%swap3A_75, %swap3A_76], %mul3A_74 {strides = array<i32>} : memref<10000x128xf32, #tpu.memory_space<vmem>>, vector<10000x128xf32>,
    return
  }
}

module attributes {stable_mosaic.version = 14 : i64} {
  func.func @_t0_body(%arg0: memref<10000x128xf32, #tpu.memory_space<vmem>>, %arg1: memref<128x128xf32, #tpu.memory_space<vmem>>, %arg2: memref<2x10000x16xf32, #tpu.memory_space<vmem>>, %arg3: memref<10000x128xf32, #tpu.memory_space<vmem>>) attributes {dimension_semantics = [], scalar_prefetch = 0 : i64, scratch_operands = 0 : i64, tpu.core_type = #tpu.core_type<tc>} {
    %get3A = arith.constant 0 : index
    %get3A_0 = arith.constant 0 : index
    %get3A_1 = arith.constant 0 : index
    %get3A_2 = vector.load %arg2[%get3A, %get3A_0, %get3A_1] : memref<2x10000x16xf32, #tpu.memory_space<vmem>>, vector<1x10000x16xf32>
    %get3A_3 = vector.shape_cast %get3A_2 : vector<1x10000x16xf32> to vector<10000x16xf32>
    %slice3A = vector.extract_strided_slice %get3A_3 {offsets = [0, 0], sizes = [10000, 1], strides = [1, 1]} : vector<10000x16xf32> to vector<10000x1xf32>
    %get3A_4 = arith.constant 1 : index
    %get3A_5 = arith.constant 0 : index
    %get3A_6 = arith.constant 0 : index
    %get3A_7 = vector.load %arg2[%get3A_4, %get3A_5, %get3A_6] : memref<2x10000x16xf32, #tpu.memory_space<vmem>>, vector<1x10000x16xf32>
    %get3A_8 = vector.shape_cast %get3A_7 : vector<1x10000x16xf32> to vector<10000x16xf32>
    %slice3A_9 = vector.extract_strided_slice %get3A_8 {offsets = [0, 0], sizes = [10000, 1], strides = [1, 1]} : vector<10000x16xf32> to vector<10000x1xf32>
    %add3A = arith.addf %slice3A, %slice3A_9 : vector<10000x1xf32>
    %add3A_10 = arith.constant 1.000000e+00 : f32
    %add3A_11 = vector.broadcast %add3A_10 : f32 to vector<10000x1xf32>
    %add3A_12 = arith.addf %add3A, %add3A_11 : vector<10000x1xf32>
    %max3A = arith.constant 1.000000e+00 : f32
    %max3A_13 = vector.broadcast %max3A : f32 to vector<10000x1xf32>
    %max3A_14 = arith.maximumf %add3A_12, %max3A_13 : vector<10000x1xf32>
    %rsqrt3A = math.rsqrt %max3A_14 : vector<10000x1xf32>
    %get3A_15 = arith.constant 0 : index
    %get3A_16 = arith.constant 0 : index
    %get3A_17 = vector.load %arg0[%get3A_15, %get3A_16] : memref<10000x128xf32, #tpu.memory_space<vmem>>, vector<10000x128xf32>
    %get3A_18 = arith.constant 0 : index
    %get3A_19 = arith.constant 0 : index
    %get3A_20 = vector.load %arg1[%get3A_18, %get3A_19] : memref<128x128xf32, #tpu.memory_space<vmem>>, vector<128x128xf32>
    %dot_general3A = arith.constant dense<0.000000e+00> : vector<10000x128xf32>
    %dot_general3A_21 = tpu.matmul %get3A_17, %get3A_20, %dot_general3A {dimension_numbers = #tpu.dot_dimension_numbers<[1], [0], [0], [1], [0, 0, 1, 1], [], []>, transpose_lhs_hint = false} : vector<10000x128xf32>, vector<128x128xf32>, vector<10000x128xf32> -> vector<10000x128xf32>
    %mul3A = vector.broadcast %rsqrt3A : vector<10000x1xf32> to vector<10000x128xf32>
    %mul3A_22 = arith.mulf %dot_general3A_21, %mul3A : vector<10000x128xf32>
    %swap3A = arith.constant 0 : index
    %swap3A_23 = arith.constant 0 : index
    %swap3A_24 = vector.load %arg3[%swap3A, %swap3A_23] : memref<10000x128xf32, #tpu.memory_space<vmem>>, vector<10000x128xf32>
    tpu.vector_store %arg3[%swap3A, %swap3A_23], %mul3A_22 {strides = array<i32>} : memref<10000x128xf32, #tpu.memory_space<vmem>>, vector<10000x128xf32>,
    return
  }
}

module attributes {stable_mosaic.version = 14 : i64} {
  func.func @_fin_body(%arg0: memref<2x10000x128xf32, #tpu.memory_space<vmem>>, %arg1: memref<10000x128xf32, #tpu.memory_space<vmem>>, %arg2: memref<2x10000x16xf32, #tpu.memory_space<vmem>>, %arg3: memref<128xf32, #tpu.memory_space<vmem>>, %arg4: memref<128xf32, #tpu.memory_space<vmem>>, %arg5: memref<128xf32, #tpu.memory_space<vmem>>, %arg6: memref<10000x128xf32, #tpu.memory_space<vmem>>, %arg7: memref<10000x128xf32, #tpu.memory_space<vmem>>, %arg8: memref<128x128xf32, #tpu.memory_space<vmem>>, %arg9: memref<128xf32, #tpu.memory_space<vmem>>, %arg10: memref<10000x128xf32, #tpu.memory_space<vmem>>) attributes {dimension_semantics = [], scalar_prefetch = 0 : i64, scratch_operands = 0 : i64, tpu.core_type = #tpu.core_type<tc>} {
    %get3A = arith.constant 0 : index
    %get3A_0 = arith.constant 0 : index
    %get3A_1 = arith.constant 0 : index
    %get3A_2 = vector.load %arg2[%get3A, %get3A_0, %get3A_1] : memref<2x10000x16xf32, #tpu.memory_space<vmem>>, vector<1x10000x16xf32>
    %get3A_3 = vector.shape_cast %get3A_2 : vector<1x10000x16xf32> to vector<10000x16xf32>
    %slice3A = vector.extract_strided_slice %get3A_3 {offsets = [0, 0], sizes = [10000, 1], strides = [1, 1]} : vector<10000x16xf32> to vector<10000x1xf32>
    %get3A_4 = arith.constant 1 : index
    %get3A_5 = arith.constant 0 : index
    %get3A_6 = arith.constant 0 : index
    %get3A_7 = vector.load %arg2[%get3A_4, %get3A_5, %get3A_6] : memref<2x10000x16xf32, #tpu.memory_space<vmem>>, vector<1x10000x16xf32>
    %get3A_8 = vector.shape_cast %get3A_7 : vector<1x10000x16xf32> to vector<10000x16xf32>
    %slice3A_9 = vector.extract_strided_slice %get3A_8 {offsets = [0, 0], sizes = [10000, 1], strides = [1, 1]} : vector<10000x16xf32> to vector<10000x1xf32>
    %add3A = arith.addf %slice3A, %slice3A_9 : vector<10000x1xf32>
    %add3A_10 = arith.constant 1.000000e+00 : f32
    %add3A_11 = vector.broadcast %add3A_10 : f32 to vector<10000x1xf32>
    %add3A_12 = arith.addf %add3A, %add3A_11 : vector<10000x1xf32>
    %max3A = arith.constant 1.000000e+00 : f32
    %max3A_13 = vector.broadcast %max3A : f32 to vector<10000x1xf32>
    %max3A_14 = arith.maximumf %add3A_12, %max3A_13 : vector<10000x1xf32>
    %rsqrt3A = math.rsqrt %max3A_14 : vector<10000x1xf32>
    %get3A_15 = arith.constant 0 : index
    %get3A_16 = arith.constant 0 : index
    %get3A_17 = arith.constant 0 : index
    %get3A_18 = vector.load %arg0[%get3A_15, %get3A_16, %get3A_17] : memref<2x10000x128xf32, #tpu.memory_space<vmem>>, vector<1x10000x128xf32>
    %get3A_19 = vector.shape_cast %get3A_18 : vector<1x10000x128xf32> to vector<10000x128xf32>
    %get3A_20 = arith.constant 1 : index
    %get3A_21 = arith.constant 0 : index
    %get3A_22 = arith.constant 0 : index
    %get3A_23 = vector.load %arg0[%get3A_20, %get3A_21, %get3A_22] : memref<2x10000x128xf32, #tpu.memory_space<vmem>>, vector<1x10000x128xf32>
    %get3A_24 = vector.shape_cast %get3A_23 : vector<1x10000x128xf32> to vector<10000x128xf32>
    %add3A_25 = arith.addf %get3A_19, %get3A_24 : vector<10000x128xf32>
    %get3A_26 = arith.constant 0 : index
    %get3A_27 = arith.constant 0 : index
    %get3A_28 = vector.load %arg1[%get3A_26, %get3A_27] : memref<10000x128xf32, #tpu.memory_space<vmem>>, vector<10000x128xf32>
    %add3A_29 = arith.addf %add3A_25, %get3A_28 : vector<10000x128xf32>
    %mul3A = vector.broadcast %rsqrt3A : vector<10000x1xf32> to vector<10000x128xf32>
    %mul3A_30 = arith.mulf %add3A_29, %mul3A : vector<10000x128xf32>
    %get3A_31 = arith.constant 0 : index
    %get3A_32 = vector.load %arg3[%get3A_31] : memref<128xf32, #tpu.memory_space<vmem>>, vector<128xf32>
    %broadcast_in_dim3A = vector.shape_cast %get3A_32 : vector<128xf32> to vector<1x128xf32>
    %add3A_33 = vector.broadcast %broadcast_in_dim3A : vector<1x128xf32> to vector<10000x128xf32>
    %add3A_34 = arith.addf %mul3A_30, %add3A_33 : vector<10000x128xf32>
    %reduce_sum3A = arith.constant dense<0.000000e+00> : vector<128xf32>
    %reduce_sum3A_35 = vector.multi_reduction <add>, %add3A_34, %reduce_sum3A [0] : vector<10000x128xf32> to vector<128xf32>
    %broadcast_in_dim3A_36 = vector.shape_cast %reduce_sum3A_35 : vector<128xf32> to vector<1x128xf32>
    %div3A = arith.constant 1.000000e+04 : f32
    %div3A_37 = vector.broadcast %div3A : f32 to vector<1x128xf32>
    %div3A_38 = arith.divf %broadcast_in_dim3A_36, %div3A_37 : vector<1x128xf32>
    %sub3A = vector.broadcast %div3A_38 : vector<1x128xf32> to vector<10000x128xf32>
    %sub3A_39 = arith.subf %add3A_34, %sub3A : vector<10000x128xf32>
    %integer_pow3A = arith.mulf %sub3A_39, %sub3A_39 : vector<10000x128xf32>
    %reduce_sum3A_40 = arith.constant dense<0.000000e+00> : vector<128xf32>
    %reduce_sum3A_41 = vector.multi_reduction <add>, %integer_pow3A, %reduce_sum3A_40 [0] : vector<10000x128xf32> to vector<128xf32>
    %broadcast_in_dim3A_42 = vector.shape_cast %reduce_sum3A_41 : vector<128xf32> to vector<1x128xf32>
    %div3A_43 = arith.constant 1.000000e+04 : f32
    %div3A_44 = vector.broadcast %div3A_43 : f32 to vector<1x128xf32>
    %div3A_45 = arith.divf %broadcast_in_dim3A_42, %div3A_44 : vector<1x128xf32>
    %sub3A_46 = vector.broadcast %div3A_38 : vector<1x128xf32> to vector<10000x128xf32>
    %sub3A_47 = arith.subf %add3A_34, %sub3A_46 : vector<10000x128xf32>
    %add3A_48 = arith.constant 9.99999974E-6 : f32
    %add3A_49 = vector.broadcast %add3A_48 : f32 to vector<1x128xf32>
    %add3A_50 = arith.addf %div3A_45, %add3A_49 : vector<1x128xf32>
    %rsqrt3A_51 = math.rsqrt %add3A_50 : vector<1x128xf32>
    %mul3A_52 = vector.broadcast %rsqrt3A_51 : vector<1x128xf32> to vector<10000x128xf32>
    %mul3A_53 = arith.mulf %sub3A_47, %mul3A_52 : vector<10000x128xf32>
    %get3A_54 = arith.constant 0 : index
    %get3A_55 = vector.load %arg4[%get3A_54] : memref<128xf32, #tpu.memory_space<vmem>>, vector<128xf32>
    %broadcast_in_dim3A_56 = vector.shape_cast %get3A_55 : vector<128xf32> to vector<1x128xf32>
    %mul3A_57 = vector.broadcast %broadcast_in_dim3A_56 : vector<1x128xf32> to vector<10000x128xf32>
    %mul3A_58 = arith.mulf %mul3A_53, %mul3A_57 : vector<10000x128xf32>
    %get3A_59 = arith.constant 0 : index
    %get3A_60 = vector.load %arg5[%get3A_59] : memref<128xf32, #tpu.memory_space<vmem>>, vector<128xf32>
    %broadcast_in_dim3A_61 = vector.shape_cast %get3A_60 : vector<128xf32> to vector<1x128xf32>
    %add3A_62 = vector.broadcast %broadcast_in_dim3A_61 : vector<1x128xf32> to vector<10000x128xf32>
    %add3A_63 = arith.addf %mul3A_58, %add3A_62 : vector<10000x128xf32>
    %max3A_64 = arith.constant 0.000000e+00 : f32
    %max3A_65 = vector.broadcast %max3A_64 : f32 to vector<10000x128xf32>
    %max3A_66 = arith.maximumf %add3A_63, %max3A_65 : vector<10000x128xf32>
    %get3A_67 = arith.constant 0 : index
    %get3A_68 = arith.constant 0 : index
    %get3A_69 = vector.load %arg6[%get3A_67, %get3A_68] : memref<10000x128xf32, #tpu.memory_space<vmem>>, vector<10000x128xf32>
    %get3A_70 = arith.constant 0 : index
    %get3A_71 = arith.constant 0 : index
    %get3A_72 = vector.load %arg7[%get3A_70, %get3A_71] : memref<10000x128xf32, #tpu.memory_space<vmem>>, vector<10000x128xf32>
    %max3A_73 = arith.maximumf %get3A_69, %get3A_72 : vector<10000x128xf32>
    %max3A_74 = arith.maximumf %max3A_73, %max3A_66 : vector<10000x128xf32>
    %get3A_75 = arith.constant 0 : index
    %get3A_76 = arith.constant 0 : index
    %get3A_77 = vector.load %arg8[%get3A_75, %get3A_76] : memref<128x128xf32, #tpu.memory_space<vmem>>, vector<128x128xf32>
    %dot_general3A = arith.constant dense<0.000000e+00> : vector<10000x128xf32>
    %dot_general3A_78 = tpu.matmul %max3A_74, %get3A_77, %dot_general3A {dimension_numbers = #tpu.dot_dimension_numbers<[1], [0], [0], [1], [0, 0, 1, 1], [], []>, transpose_lhs_hint = false} : vector<10000x128xf32>, vector<128x128xf32>, vector<10000x128xf32> -> vector<10000x128xf32>
    %get3A_79 = arith.constant 0 : index
    %get3A_80 = vector.load %arg9[%get3A_79] : memref<128xf32, #tpu.memory_space<vmem>>, vector<128xf32>
    %broadcast_in_dim3A_81 = vector.shape_cast %get3A_80 : vector<128xf32> to vector<1x128xf32>
    %add3A_82 = vector.broadcast %broadcast_in_dim3A_81 : vector<1x128xf32> to vector<10000x128xf32>
    %add3A_83 = arith.addf %dot_general3A_78, %add3A_82 : vector<10000x128xf32>
    %reduce_max3A = arith.constant dense<0xFF800000> : vector<10000xf32>
    %reduce_max3A_84 = vector.multi_reduction <maximumf>, %add3A_83, %reduce_max3A [1] : vector<10000x128xf32> to vector<10000xf32>
    %broadcast_in_dim3A_85 = vector.shape_cast %reduce_max3A_84 : vector<10000xf32> to vector<10000x1xf32>
    %sub3A_86 = vector.broadcast %broadcast_in_dim3A_85 : vector<10000x1xf32> to vector<10000x128xf32>
    %sub3A_87 = arith.subf %add3A_83, %sub3A_86 : vector<10000x128xf32>
    %exp3A = math.exp %sub3A_87 : vector<10000x128xf32>
    %reduce_sum3A_88 = arith.constant dense<0.000000e+00> : vector<10000xf32>
    %reduce_sum3A_89 = vector.multi_reduction <add>, %exp3A, %reduce_sum3A_88 [1] : vector<10000x128xf32> to vector<10000xf32>
    %broadcast_in_dim3A_90 = vector.shape_cast %reduce_sum3A_89 : vector<10000xf32> to vector<10000x1xf32>
    %log3A = math.log %broadcast_in_dim3A_90 : vector<10000x1xf32>
    %sub3A_91 = vector.broadcast %log3A : vector<10000x1xf32> to vector<10000x128xf32>
    %sub3A_92 = arith.subf %sub3A_87, %sub3A_91 : vector<10000x128xf32>
    %swap3A = arith.constant 0 : index
    %swap3A_93 = arith.constant 0 : index
    %swap3A_94 = vector.load %arg10[%swap3A, %swap3A_93] : memref<10000x128xf32, #tpu.memory_space<vmem>>, vector<10000x128xf32>
    tpu.vector_store %arg10[%swap3A, %swap3A_93], %sub3A_92 {strides = array<i32>} : memref<10000x128xf32, #tpu.memory_space<vmem>>, vector<10000x128xf32>,
    return
  }
}

</mosaic_0001>

<sc_bundles>
// kernel: kernel.10.cloned.1.call-start
scs
__scs_entry_jumppad:
0x0: {  	(pc) =	sbr.rel $0x88, $3  }
0x1: {  	(tag) =	ssettag $0x0;
	lr =	simm.s32 $0x1  }
0x2: {  	[smem:$0x3F91] =	sst lr;
	_ =	strace $0xD0000000  }
0x3: {  	_ = 	snop  }
0x4: {  	_ = 	snop  }
0x5: {  	_ = 	snop  }
0x6: {  	_ = 	snop  }
0x7: {  	_ = 	snop  }
__scs_overlays_trampoline_lowered:
0x8: {  	[smem:$0x3FA0] =	sst s0  }
0x9: {  	[smem:$0x3FA1] =	sst s1  }
0xa: {  	[smem:$0x3FA2] =	sst s2  }
0xb: {  	[smem:$0x3FA3] =	sst s3  }
0xc: {  	[smem:$0x3FA4] =	sst s4  }
0xd: {  	[smem:$0x3FA5] =	sst s5  }
0xe: {  	[smem:$0x3FA6] =	sst s6  }
0xf: {  	[smem:$0x3FA7] =	sst s7  }
0x10: {  	[smem:$0x3FA8] =	sst s8  }
0x11: {  	[smem:$0x3FA9] =	sst s9;
	s0 =	simm.s32 @!p0 $0x0  }
0x12: {  	s1 =	sld [smem:$0x3F8F];
	s0 =	simm.s32 @p0 $0x1  }
0x13: {  	[smem:$0x3FAA] =	sst s0;
	s0 =	simm.s32 @!p1 $0x0  }
0x14: {  	s2 =	sld [smem:$0x3F8E];
	s0 =	simm.s32 @p1 $0x1  }
0x15: {  	[smem:$0x3FAB] =	sst s0;
	s0 =	simm.s32 @!p2 $0x0  }
0x16: {  	s3 =	sld [smem:$0x3FDB];
	s0 =	simm.s32 @p2 $0x1  }
0x17: {  	s4 =	simm.s32 $0x1BF5;
	[smem:$0x3FAD] =	sst s0  }
0x18: {  	s0 =	sld [smem:$0x3F90];
	_ =	swait.ge [sflag:s4], $0x0  }
0x19: {  	s7 =	sld [smem:$0x3F91]  }
0x1a: {  	s8 =	sadd.s32 $0xFFFFE003, lr  }
0x1b: {  	s9 =	sadd.s32 $0xFFFFFEF7, lr;
	s5 =	simm.s32 $0xFFFFFFFF;
	p2 =	slt.u32 s8, $0xFFFFF086  }
0x1c: {  	p1 =	slt.u32 s9, $0xF7A;
	s5 =	simm.s32 @!p2 $0x0  }
0x1d: {  	s5 =	simm.s32 @p1 $0x1;
	p0 =	seq.s32 s7, s2  }
0x1e: {  	s7 =	smul.u32 @!p0 $0xF7A, s2;
	p2 =	seq.s32 @!p0 s5, $0x0  }
0x1f: {  	s9 =	smul.u32 $0xF7A, s1;
	s8 =	simm.s32 @!p0 $0x1BF5;
	p2 =	por !p2, p0  }
0x20: {  	[sflag:s8] =	ssyncset.s32 @!p0 $0xFFFFF086;
	s6 =	sadd.s32 @!p0 s3, s7;
	s7 =	simm.s32 @!p0 $0x108  }
0x21: {  	s3 =	sadd.s32 s3, s9;
	s6 =	sadd.s32 @!p0 $0x88, s6;
	s7 =	simm.s32 @p2 $0x1082  }
0x22: {  	[simem:s7], [sflag:s8] =	dma.local @!p0 [hbm:s6], $0xF7A  }
0x23: {  	s9 =	sor.u32 $0xD0000000, s2;
	s6 =	simm.s32 $0x108;
	_ =	swait.ge @!p0 [sflag:s8], $0x0  }
0x24: {  	s3 =	sadd.s32 $0x88, s3;
	s6 =	simm.s32 @!p1 $0x1082;
	[sflag:s4] =	ssyncset.s32 $0xFFFFF086  }
0x25: {  	[simem:s6], [sflag:s4] =	dma.local [hbm:s3], $0xF7A  }
0x26: {  	[smem:$0x3F91] =	sst s1;
	(tag) =	ssettag s2;
	_ =	strace s9  }
0x27: {  	s1 =	sld [smem:$0x3FA1]  }
0x28: {  	s2 =	sld [smem:$0x3FA2]  }
0x29: {  	s4 =	sld [smem:$0x3FA4]  }
0x2a: {  	p0 =	seq.s32 s5, $0x0;
	s5 =	sld [smem:$0x3FA5]  }
0x2b: {  	s6 =	sld [smem:$0x3FA6]  }
0x2c: {  	s7 =	sld [smem:$0x3FA7]  }
0x2d: {  	s3 =	simm.s32 $0x108;
	s8 =	sld [smem:$0x3FA8]  }
0x2e: {  	s3 =	simm.s32 @!p0 $0x1082;
	s9 =	sld [smem:$0x3FA9]  }
0x2f: {  	lr =	sadd.s32 s0, s3;
	s0 =	sld [smem:$0x3FA0]  }
0x30: {  	s3 =	sld [smem:$0x3FA3]  }
0x31: {  	[smem:$0x3FAC] =	sst s10  }
0x32: {  	s10 =	sld [smem:$0x3FAA];
	_ =	sdelay $0x3  }
0x33: {  	p0 =	seq.s32 s10, $0x1;
	s10 =	sld [smem:$0x3FAC];
	_ =	sdelay $0x3  }
0x34: {  	[smem:$0x3FAC] =	sst s10  }
0x35: {  	s10 =	sld [smem:$0x3FAB];
	_ =	sdelay $0x3  }
0x36: {  	p1 =	seq.s32 s10, $0x1;
	s10 =	sld [smem:$0x3FAC];
	_ =	sdelay $0x3  }
0x37: {  	[smem:$0x3FAC] =	sst s10  }
0x38: {  	s10 =	sld [smem:$0x3FAD]  }
0x39: {  	_ = 	snop;
	(pc) =	sbr.ind lr, $3  }
0x3a: {  	_ = 	snop  }
0x3b: {  	_ = 	snop  }
0x3c: {  	p2 =	seq.s32 s10, $0x1;
	s10 =	sld [smem:$0x3FAC]  }
0x3d: {  	_ =	shalt  }
0x3e: {  	_ =	shalt  }
0x3f: {  	_ =	shalt  }
0x40: {  	_ =	shalt  }
0x41: {  	_ =	shalt  }
0x42: {  	_ =	shalt  }
0x43: {  	_ =	shalt  }
0x44: {  	_ =	shalt  }
0x45: {  	_ =	shalt  }
0x46: {  	_ =	shalt  }
0x47: {  	_ =	shalt  }
0x48: {  	_ =	shalt  }
0x49: {  	_ =	shalt  }
0x4a: {  	_ =	shalt  }
0x4b: {  	_ =	shalt  }
0x4c: {  	_ =	shalt  }
0x4d: {  	_ =	shalt  }
0x4e: {  	_ =	shalt  }
0x4f: {  	_ =	shalt  }
0x50: {  	_ =	shalt  }
0x51: {  	_ =	shalt  }
0x52: {  	_ =	shalt  }
0x53: {  	_ =	shalt  }
0x54: {  	_ =	shalt  }
0x55: {  	_ =	shalt  }
0x56: {  	_ =	shalt  }
0x57: {  	_ =	shalt  }
0x58: {  	_ =	shalt  }
0x59: {  	_ =	shalt  }
0x5a: {  	_ =	shalt  }
0x5b: {  	_ =	shalt  }
0x5c: {  	_ =	shalt  }
0x5d: {  	_ =	shalt  }
0x5e: {  	_ =	shalt  }
0x5f: {  	_ =	shalt  }
0x60: {  	_ =	shalt  }
0x61: {  	_ =	shalt  }
0x62: {  	_ =	shalt  }
0x63: {  	_ =	shalt  }
0x64: {  	_ =	shalt  }
0x65: {  	_ =	shalt  }
0x66: {  	_ =	shalt  }
0x67: {  	_ =	shalt  }
0x68: {  	_ =	shalt  }
0x69: {  	_ =	shalt  }
0x6a: {  	_ =	shalt  }
0x6b: {  	_ =	shalt  }
0x6c: {  	_ =	shalt  }
0x6d: {  	_ =	shalt  }
0x6e: {  	_ =	shalt  }
0x6f: {  	_ =	shalt  }
0x70: {  	_ =	shalt  }
0x71: {  	_ =	shalt  }
0x72: {  	_ =	shalt  }
0x73: {  	_ =	shalt  }
0x74: {  	_ =	shalt  }
0x75: {  	_ =	shalt  }
0x76: {  	_ =	shalt  }
0x77: {  	_ =	shalt  }
0x78: {  	_ =	shalt  }
0x79: {  	_ =	shalt  }
0x7a: {  	_ =	shalt  }
0x7b: {  	_ =	shalt  }
0x7c: {  	_ =	shalt  }
0x7d: {  	_ =	shalt  }
0x7e: {  	_ =	shalt  }
0x7f: {  	_ =	shalt  }
0x80: {  	_ =	shalt  }
0x81: {  	_ =	shalt  }
0x82: {  	_ =	shalt  }
0x83: {  	_ =	shalt  }
0x84: {  	_ =	shalt  }
0x85: {  	_ =	shalt  }
0x86: {  	_ =	shalt  }
0x87: {  	_ =	shalt  }
.Lfunc_end0:
.L_simem_size_0:
called_computation_lowered:
.L_overlay_start_0:
0x88: {  	s2 =	sld [smem:$0x3FD9]  }
0x89: {  	s3 =	sld [smem:$0x3FFE];
	_ =	sdelay $0x1  }
0x8a: {  	s1 =	srdreg.scid  }
0x8b: {  	s0 =	sand.u32 $0x1, s1  }
0x8c: {  	s17 =	sshll.u32 s0, $0xA;
	s2 =	sadd.s32 s3, s2  }
0x8d: {  	s2 =	sadd.s32 s2, s17  }
0x8e: {  	[smem:$0x3FB8] =	sst s2  }
0x8f: {  	_ = 	snop  }
0x90: {  	s2 =	sld [smem:$0x3FD0];
	(tm) =	ssettm $0x1  }
0x91: {  	s18 =	sld [smem:$0x3FFB];
	_ =	sdelay $0x3  }
0x92: {  	_ =	strace s18  }
0x93: {  	s3 =	sld [smem:$0x3FFC];
	_ =	sdelay $0x3  }
0x94: {  	_ =	strace s3  }
0x95: {  	s3 =	sld [smem:$0x3FFD];
	_ =	sdelay $0x3  }
0x96: {  	_ =	strace s3  }
0x97: {  	_ =	strace $0x8FFFFFFF  }
0x98: {  	s19 =	sld [smem:$0x3FDB];
	_ =	sdelay $0x1  }
0x99: {  	s4 =	simm.s32 $_scs_section_size  }
0x9a: {  	s5 =	simm.s32 $_size__tile_overlayer_lowered;
	s6 =	simm.s32 $_tile_overlayer_lowered  }
0x9b: {  	s22 =	simm.s32 $0x1BFF;
	s21 =	sshll.u32 s6, $0x1;
	s3 =	sadd.s32 s4, s19  }
0x9c: {  	s7 =	simm.s32 $0x0;
	s20 =	sshll.u32 s5, $0x1;
	s5 =	sadd.s32 s21, s3  }
0x9d: {  	[timem:s7], [sflag:s22] =	dma.local [hbm:s5], s20  }
0x9e: {  	_ =	swait.ge [sflag:s22], s20  }
0x9f: {  	s4 =	ssub.s32 $0x0, s20;
	[sflag:s22] =	ssyncset.done $0x0  }
0xa0: {  	[sflag:s22] =	ssyncadd.s32 s4;
	_ =	sdelay $0x1  }
0xa1: {  	s23 =	simm.s32 $0x1B8B  }
0xa2: {  	_ =	swait.ge [sflag:s23], $0x1  }
0xa3: {  	[sflag:s23] =	ssyncset.done $0x0  }
0xa4: {  	s25 =	simm.s32 $0x1B8E;
	s24 =	sld [smem:$0x3FFE];
	[sflag:s23] =	ssyncadd.s32 $0xFFFFFFFF  }
0xa5: {  	s26 =	simm.s32 $execute0_lowered;
	[smem:$0x3FD2] =	sst s25  }
0xa6: {  	s5 =	sshll.u32 s26, $0x1;
	_ =	strace $0x80000046;
	[dreg:$0x1] =	wrdreg $0xFFFFFFFF  }
0xa7: {  	s28 =	simm.s32 $_size_execute0_lowered;
	s3 =	sadd.s32 s3, s5;
	[dreg:$0x0] =	wrdreg $0x0  }
0xa8: {  	s5 =	sshll.u32 s28, $0x1;
	[dreg:$0x2] =	wrdreg s3  }
0xa9: {  	[dreg:$0x3] =	wrdreg s5  }
0xaa: {  	[dreg:$0x4] =	wrdreg $0xC0  }
0xab: {  	_ =	task [dreg:s7], $0x5FFFF  }
0xac: {  	[dreg:$0x1] =	wrdreg $0xFFFFFFFF  }
0xad: {  	[dreg:$0x0] =	wrdreg $0x60  }
0xae: {  	[dreg:$0x2] =	wrdreg s24  }
0xaf: {  	[dreg:$0x3] =	wrdreg s2  }
0xb0: {  	[dreg:$0x4] =	wrdreg $0x54900  }
0xb1: {  	[dreg:$0x5] =	wrdreg $0x9  }
0xb2: {  	_ =	task.clear_ibuf [dreg:s7], $0x6FFFF;
	_ =	strace $0x90000046  }
0xb3: {  	s29 =	simm.s32 $0x9;
	_ =	strace $0x80000048  }
0xb4: {  	_ =	swait.ge [sflag:s29], $0x1  }
0xb5: {  	[sflag:s29] =	ssyncadd.s32 $0xFFFFFFFF  }
0xb6: {  	_ =	strace $0x90000048  }
0xb7: {  	_ =	sfence  }
0xb8: {  	s30 =	sld [smem:$0x0];
	_ =	sdelay $0x2  }
0xb9: {  	s31 =	sshll.u32 s1, $0xD;
	s1 =	sshrl.u32 s1, $0x2  }
0xba: {  	s3 =	sand.u32 $0x4000, s31;
	s1 =	sadd.s32 s1, s30  }
0xbb: {  	s0 =	sor.u32 s3, s0;
	s1 =	sshll.u32 s1, $0x11  }
0xbc: {  	s0 =	sor.u32 s1, s0  }
0xbd: {  	s0 =	sadd.s32 $0x8F2B, s0  }
0xbe: {  	[sflag:s0] =	ssyncadd.remote.s32 $0x1  }
0xbf: {  	_ =	sfence.sel $0xFFFF  }
0xc0: {  	[dreg:$0x0] =	wrdreg $0xFFFFFFFF;
	(pc) =	sbr.abs _section_cstart, $3  }
0xc1: {  	[dreg:$0x1] =	wrdreg $0xFFFFFFFF  }
0xc2: {  	_ =	task.clear_ibuf [dreg:s7], $0x2FFFF;
	_ =	strace $0x9FFFFFFF  }
0xc3: {  	(tm) =	ssettm $0x7FFFFFFF  }
tec
execute0_lowered:
.L_overlay_start_1:
0x0: {  	(tag) =	ssettag $0x1  }
0x1: {  	s5 =	rddreg [dreg:$0x0]  }
0x2: {  	s6 =	rddreg [dreg:$0x1]  }
0x3: {  	s1 =	rddreg [dreg:$0x2]  }
0x4: {  	s0 =	rddreg [dreg:$0x3];
	s2 =	simm.s32 $0x0;
	s3 =	srdreg.scid  }
0x5: {  	s12 =	stileid.u32;
	[smem:$0x7FF] =	sst s2  }
0x6: {  	s3 =	sand.u32 $0x1, s3;
	s9 =	smul.u32 $0x2700, s12;
	s11 =	sadd.s32 $0xE240, s5  }
0x7: {  	p0 =	sne.s32 s12, $0x0;
	s14 =	sshll.u32 s12, $0x6;
	_ =	strace $0x80000047  }
0x8: {  	s4 =	ssub.s32 $0x2, s3;
	s8 =	sshll.u32 s3, $0x4;
	s10 =	smul.u32 $0x4E20, s3  }
0x9: {  	s14 =	sor.u32 $0x1C01, s14;
	s7 =	sshrl.u32 s4, $0x1;
	s8 =	sor.u32 s12, s8  }
0xa: {  	s3 =	sadd.s32 s9, s1;
	s13 =	sshrl.u32 s9, $0x3;
	s9 =	simm.s32 $0x68  }
0xb: {  	s12 =	simm.s32 $0x2700;
	s7 =	ssub.s32 s4, s7;
	s4 =	sadd.s32 $0x27000, s1  }
0xc: {  	s8 =	smul.u32 $0x4E2, s8;
	s16 =	sadd.s32 s6, s10;
	s6 =	simm.s32 $0x2D90  }
0xd: {  	s10 =	simm.s32 $0x2710;
	s15 =	sshrl.u32 s3, $0x3;
	s5 =	smax.u32 s7, $0x1  }
0xe: {  	s7 =	simm.s32 $0x1;
	s13 =	sadd.s32 s13, s16;
	s16 =	sadd.s32 @!p0 $0x4E00, s16  }
0xf: {  	v0 =	vimm.f32 $1.000000000e+00;
	v1 =	vimm.f32 $0.0e+00;
	s17 =	sshrl.u32 @!p0 s4, $0x3;
	s8 =	sadd.s32 s8, s11;
	s11 =	simm.s32 $0x10  }
.LBB2_1:
0x10: {  	s18 =	simm.s32 $0x0  }
.LBB2_2:
0x11: {  	p1 =	sne.s32 s18, $0x19C0  }
.Ltmp0:
0x12: {  	_ = 	snop;
	(pc) =	sbr.rel @p1 .LBB2_2-.Ltmp0, $3  }
0x13: {  	_ =	sdelay $0x1  }
0x14: {  	s19 =	sshra.s32 s18, $0x2  }
0x15: {  	s18 =	sadd.s32 $0x40, s18;
	[tilespmem:s19+$0x2710] =	vst v0  }
0x16: {  	s18 =	simm.s32 $0x40;
	s19 =	simm.s32 $0x0  }
.LBB2_4:
0x17: {  	p1 =	sne.s32 s18, $0x9BC0;
	[tilespmem:s19+$0x2D90] =	vst v1;
	s19 =	smov.u32 s18;
	s18 =	sadd.s32 $0x40, s18  }
.Ltmp1:
0x18: {  	(pc) =	sbr.rel @p1 .LBB2_4-.Ltmp1, $2  }
0x19: {  	_ =	sdelay $0x2  }
0x1a: {  	s19 =	sshra.s32 s19, $0x2  }
0x1b: {  	[tilespmem:s19+$0x2D90] =	vst v1  }
0x1c: {  	[spmem:s3] =	stream.linear.scatter [tilespmem:s6], [sflag:$0x1], $0x2700, $0x38;
	[tilespmem:$0x7BA0] =	vst v63  }
0x1d: {  	_ =	swait.ge [sflag:s7], $0x2700  }
0x1e: {  	[sflag:s7] =	ssyncset.done $0x0  }
0x1f: {  	s18 =	simm.s32 @!p0 $0x2D90;
	[sflag:s7] =	ssyncadd.s32 $0xFFFFD900  }
0x20: {  	[spmem:s4] =	stream.linear.scatter @!p0 [tilespmem:s18], [sflag:$0x1], $0x100, $0x38;
	[tilespmem:$0x7BA0] =	vst v63  }
0x21: {  	s18 =	simm.s32 @!p0 $0x1  }
0x22: {  	_ =	swait.ge @!p0 [sflag:s18], $0x100  }
0x23: {  	[sflag:s18] =	ssyncset.done @!p0 $0x0  }
0x24: {  	s30 =	simm.s32 $0x0;
	[sflag:s18] =	ssyncadd.s32 @!p0 $0xFFFFFF00  }
0x25: {  	[tilespmem:s30], [sflag:$0x1] =	stream.linear.gather [hbm4b:s8+s30], $0x2710, $0x38;
	[tilespmem:$0x7BA0] =	vst v63  }
0x26: {  	_ =	swait.ge [sflag:s7], $0x2710  }
0x27: {  	[sflag:s7] =	ssyncset.done $0x0  }
0x28: {  	[sflag:s7] =	ssyncadd.s32 $0xFFFFD8F0  }
0x29: {  	s31 =	simm.s32 $0x0;
	[bflag:$0x0] =	sbarrier.arrive $0xFFFF  }
0x2a: {  	[spmem:s1] =	stream.indirect.scatter.add.f32 [tilespmem:s10], [sflag:$0x1], $0x10, s31, s9, $0xb8;
	[tilespmem:$0x7BA0] =	vst v63  }
0x2b: {  	_ =	swait.ge [sflag:s7], $0x680  }
0x2c: {  	s18 =	simm.s32 $0x1A0;
	[sflag:s7] =	ssyncset.done $0x0  }
.LBB2_6:
0x2d: {  	s19 =	sshra.s32 s18, $0x2;
	[sflag:s7] =	ssyncadd.s32 $0xFFFFF980;
	p1 =	sne.s32 s18, $0x9A60  }
0x2e: {  	[spmem:s1] =	stream.indirect.scatter.add.f32 [tilespmem:s10], [sflag:$0x1], $0x10, s19, s9, $0xb8;
	[tilespmem:$0x7BA0] =	vst v63  }
.Ltmp2:
0x2f: {  	_ = 	snop;
	(pc) =	sbr.rel @p1 .LBB2_6-.Ltmp2, $4  }
0x30: {  	_ = 	snop  }
0x31: {  	s18 =	sadd.s32 $0x1A0, s18  }
0x32: {  	_ =	swait.ge [sflag:s7], $0x680  }
0x33: {  	[sflag:s7] =	ssyncset.done $0x0  }
0x34: {  	[sflag:s7] =	ssyncadd.s32 $0xFFFFF980  }
0x35: {  	[spmem:s1] =	stream.indirect.scatter.add.f32 [tilespmem:s10], [sflag:$0x1], $0x10, s12, s11, $0xb8;
	[tilespmem:$0x7BA0] =	vst v63  }
0x36: {  	_ =	swait.ge [sflag:s7], $0x100  }
0x37: {  	[sflag:s7] =	ssyncset.done $0x0  }
0x38: {  	[sflag:s7] =	ssyncadd.s32 $0xFFFFFF00  }
0x39: {  	[bflag:$0x0] =	sbarrier.arrive $0xFFFF  }
0x3a: {  	[hbm:s13], [sflag:s14] =	dma.local [spmem:s15], $0x4E0  }
0x3b: {  	s2 =	sadd.s32 $0x1, s2;
	_ =	swait.ge [sflag:s7], $0x4E0  }
0x3c: {  	p1 =	sne.s32 s2, s5;
	[sflag:s7] =	ssyncset.done $0x0  }
.Ltmp3:
0x3d: {  	s18 =	simm.s32 @!p0 $0x1;
	[sflag:s7] =	ssyncadd.s32 $0xFFFFFB20;
	(pc) =	sbr.rel @p1 .LBB2_1-.Ltmp3, $4  }
0x3e: {  	[hbm:s16], [sflag:s14] =	dma.local @!p0 [spmem:s17], $0x20  }
0x3f: {  	_ =	swait.ge @!p0 [sflag:s18], $0x20  }
0x40: {  	[sflag:s18] =	ssyncset.done @!p0 $0x0  }
0x41: {  	[sflag:s18] =	ssyncadd.s32 @!p0 $0xFFFFFFE0  }
0x42: {  	_ =	sfence.sel $0x180000  }
0x43: {  	[bflag:$0x0] =	sbarrier.arrive $0xFFFF  }
0x44: {  	_ =	strace $0x90000047  }
0x45: {  	s0 =	sadd.s32 @!p0 $0x100000, s0;
	[bflag:$0x2] =	sbarrier.arrive $0xFFFF  }
0x46: {  	[sflag:s0] =	ssyncadd.tile.s32 @!p0 $0x1;
	_ =	shalt  }
.Lfunc_end2:
_tile_overlayer_lowered:
.L_overlay_start_2:
0x47: {  	(tag) =	ssettag $0x2  }
0x48: {  	s0 =	rddreg [dreg:$0x0];
	s2 =	stileid.u32  }
0x49: {  	s1 =	rddreg [dreg:$0x1];
	p0 =	sne.s32 s2, $0x0  }
0x4a: {  	s3 =	rddreg [dreg:$0x2];
	[bflag:$0x3] =	sbarrier.arrive $0xFFFF;
	s2 =	simm.s32 @!p0 $0x1C01  }
0x4b: {  	[timem:s3], [sflag:s2] =	dma.local @!p0 [hbm:s0], s1  }
0x4c: {  	s0 =	simm.s32 @!p0 $0x1  }
0x4d: {  	_ =	swait.ge @!p0 [sflag:s0], s1  }
0x4e: {  	s1 =	ssub.s32 @!p0 $0x0, s1;
	[sflag:s0] =	ssyncset.done @!p0 $0x0  }
0x4f: {  	[sflag:s0] =	ssyncadd.s32 @!p0 s1  }
0x50: {  	[bflag:$0x3] =	sbarrier.arrive $0xFFFF  }
0x51: {  	_ =	shalt  }

// kernel: kernel.13.cloned.1.call-start
scs
__scs_entry_jumppad:
0x0: {  	(pc) =	sbr.rel $0x88, $3  }
0x1: {  	(tag) =	ssettag $0x0;
	lr =	simm.s32 $0x1  }
0x2: {  	[smem:$0x3F91] =	sst lr;
	_ =	strace $0xD0000000  }
0x3: {  	_ = 	snop  }
0x4: {  	_ = 	snop  }
0x5: {  	_ = 	snop  }
0x6: {  	_ = 	snop  }
0x7: {  	_ = 	snop  }
__scs_overlays_trampoline_lowered:
0x8: {  	[smem:$0x3FA0] =	sst s0  }
0x9: {  	[smem:$0x3FA1] =	sst s1  }
0xa: {  	[smem:$0x3FA2] =	sst s2  }
0xb: {  	[smem:$0x3FA3] =	sst s3  }
0xc: {  	[smem:$0x3FA4] =	sst s4  }
0xd: {  	[smem:$0x3FA5] =	sst s5  }
0xe: {  	[smem:$0x3FA6] =	sst s6  }
0xf: {  	[smem:$0x3FA7] =	sst s7  }
0x10: {  	[smem:$0x3FA8] =	sst s8  }
0x11: {  	[smem:$0x3FA9] =	sst s9;
	s0 =	simm.s32 @!p0 $0x0  }
0x12: {  	s1 =	sld [smem:$0x3F8F];
	s0 =	simm.s32 @p0 $0x1  }
0x13: {  	[smem:$0x3FAA] =	sst s0;
	s0 =	simm.s32 @!p1 $0x0  }
0x14: {  	s2 =	sld [smem:$0x3F8E];
	s0 =	simm.s32 @p1 $0x1  }
0x15: {  	[smem:$0x3FAB] =	sst s0;
	s0 =	simm.s32 @!p2 $0x0  }
0x16: {  	s3 =	sld [smem:$0x3FDB];
	s0 =	simm.s32 @p2 $0x1  }
0x17: {  	s4 =	simm.s32 $0x1BF5;
	[smem:$0x3FAD] =	sst s0  }
0x18: {  	s0 =	sld [smem:$0x3F90];
	_ =	swait.ge [sflag:s4], $0x0  }
0x19: {  	s7 =	sld [smem:$0x3F91]  }
0x1a: {  	s8 =	sadd.s32 $0xFFFFE003, lr  }
0x1b: {  	s9 =	sadd.s32 $0xFFFFFEF7, lr;
	s5 =	simm.s32 $0xFFFFFFFF;
	p2 =	slt.u32 s8, $0xFFFFF086  }
0x1c: {  	p1 =	slt.u32 s9, $0xF7A;
	s5 =	simm.s32 @!p2 $0x0  }
0x1d: {  	s5 =	simm.s32 @p1 $0x1;
	p0 =	seq.s32 s7, s2  }
0x1e: {  	s7 =	smul.u32 @!p0 $0xF7A, s2;
	p2 =	seq.s32 @!p0 s5, $0x0  }
0x1f: {  	s9 =	smul.u32 $0xF7A, s1;
	s8 =	simm.s32 @!p0 $0x1BF5;
	p2 =	por !p2, p0  }
0x20: {  	[sflag:s8] =	ssyncset.s32 @!p0 $0xFFFFF086;
	s6 =	sadd.s32 @!p0 s3, s7;
	s7 =	simm.s32 @!p0 $0x108  }
0x21: {  	s3 =	sadd.s32 s3, s9;
	s6 =	sadd.s32 @!p0 $0x88, s6;
	s7 =	simm.s32 @p2 $0x1082  }
0x22: {  	[simem:s7], [sflag:s8] =	dma.local @!p0 [hbm:s6], $0xF7A  }
0x23: {  	s9 =	sor.u32 $0xD0000000, s2;
	s6 =	simm.s32 $0x108;
	_ =	swait.ge @!p0 [sflag:s8], $0x0  }
0x24: {  	s3 =	sadd.s32 $0x88, s3;
	s6 =	simm.s32 @!p1 $0x1082;
	[sflag:s4] =	ssyncset.s32 $0xFFFFF086  }
0x25: {  	[simem:s6], [sflag:s4] =	dma.local [hbm:s3], $0xF7A  }
0x26: {  	[smem:$0x3F91] =	sst s1;
	(tag) =	ssettag s2;
	_ =	strace s9  }
0x27: {  	s1 =	sld [smem:$0x3FA1]  }
0x28: {  	s2 =	sld [smem:$0x3FA2]  }
0x29: {  	s4 =	sld [smem:$0x3FA4]  }
0x2a: {  	p0 =	seq.s32 s5, $0x0;
	s5 =	sld [smem:$0x3FA5]  }
0x2b: {  	s6 =	sld [smem:$0x3FA6]  }
0x2c: {  	s7 =	sld [smem:$0x3FA7]  }
0x2d: {  	s3 =	simm.s32 $0x108;
	s8 =	sld [smem:$0x3FA8]  }
0x2e: {  	s3 =	simm.s32 @!p0 $0x1082;
	s9 =	sld [smem:$0x3FA9]  }
0x2f: {  	lr =	sadd.s32 s0, s3;
	s0 =	sld [smem:$0x3FA0]  }
0x30: {  	s3 =	sld [smem:$0x3FA3]  }
0x31: {  	[smem:$0x3FAC] =	sst s10  }
0x32: {  	s10 =	sld [smem:$0x3FAA];
	_ =	sdelay $0x3  }
0x33: {  	p0 =	seq.s32 s10, $0x1;
	s10 =	sld [smem:$0x3FAC];
	_ =	sdelay $0x3  }
0x34: {  	[smem:$0x3FAC] =	sst s10  }
0x35: {  	s10 =	sld [smem:$0x3FAB];
	_ =	sdelay $0x3  }
0x36: {  	p1 =	seq.s32 s10, $0x1;
	s10 =	sld [smem:$0x3FAC];
	_ =	sdelay $0x3  }
0x37: {  	[smem:$0x3FAC] =	sst s10  }
0x38: {  	s10 =	sld [smem:$0x3FAD]  }
0x39: {  	_ = 	snop;
	(pc) =	sbr.ind lr, $3  }
0x3a: {  	_ = 	snop  }
0x3b: {  	_ = 	snop  }
0x3c: {  	p2 =	seq.s32 s10, $0x1;
	s10 =	sld [smem:$0x3FAC]  }
0x3d: {  	_ =	shalt  }
0x3e: {  	_ =	shalt  }
0x3f: {  	_ =	shalt  }
0x40: {  	_ =	shalt  }
0x41: {  	_ =	shalt  }
0x42: {  	_ =	shalt  }
0x43: {  	_ =	shalt  }
0x44: {  	_ =	shalt  }
0x45: {  	_ =	shalt  }
0x46: {  	_ =	shalt  }
0x47: {  	_ =	shalt  }
0x48: {  	_ =	shalt  }
0x49: {  	_ =	shalt  }
0x4a: {  	_ =	shalt  }
0x4b: {  	_ =	shalt  }
0x4c: {  	_ =	shalt  }
0x4d: {  	_ =	shalt  }
0x4e: {  	_ =	shalt  }
0x4f: {  	_ =	shalt  }
0x50: {  	_ =	shalt  }
0x51: {  	_ =	shalt  }
0x52: {  	_ =	shalt  }
0x53: {  	_ =	shalt  }
0x54: {  	_ =	shalt  }
0x55: {  	_ =	shalt  }
0x56: {  	_ =	shalt  }
0x57: {  	_ =	shalt  }
0x58: {  	_ =	shalt  }
0x59: {  	_ =	shalt  }
0x5a: {  	_ =	shalt  }
0x5b: {  	_ =	shalt  }
0x5c: {  	_ =	shalt  }
0x5d: {  	_ =	shalt  }
0x5e: {  	_ =	shalt  }
0x5f: {  	_ =	shalt  }
0x60: {  	_ =	shalt  }
0x61: {  	_ =	shalt  }
0x62: {  	_ =	shalt  }
0x63: {  	_ =	shalt  }
0x64: {  	_ =	shalt  }
0x65: {  	_ =	shalt  }
0x66: {  	_ =	shalt  }
0x67: {  	_ =	shalt  }
0x68: {  	_ =	shalt  }
0x69: {  	_ =	shalt  }
0x6a: {  	_ =	shalt  }
0x6b: {  	_ =	shalt  }
0x6c: {  	_ =	shalt  }
0x6d: {  	_ =	shalt  }
0x6e: {  	_ =	shalt  }
0x6f: {  	_ =	shalt  }
0x70: {  	_ =	shalt  }
0x71: {  	_ =	shalt  }
0x72: {  	_ =	shalt  }
0x73: {  	_ =	shalt  }
0x74: {  	_ =	shalt  }
0x75: {  	_ =	shalt  }
0x76: {  	_ =	shalt  }
0x77: {  	_ =	shalt  }
0x78: {  	_ =	shalt  }
0x79: {  	_ =	shalt  }
0x7a: {  	_ =	shalt  }
0x7b: {  	_ =	shalt  }
0x7c: {  	_ =	shalt  }
0x7d: {  	_ =	shalt  }
0x7e: {  	_ =	shalt  }
0x7f: {  	_ =	shalt  }
0x80: {  	_ =	shalt  }
0x81: {  	_ =	shalt  }
0x82: {  	_ =	shalt  }
0x83: {  	_ =	shalt  }
0x84: {  	_ =	shalt  }
0x85: {  	_ =	shalt  }
0x86: {  	_ =	shalt  }
0x87: {  	_ =	shalt  }
.Lfunc_end0:
.L_simem_size_0:
called_computation.1_lowered:
.L_overlay_start_0:
0x88: {  	s2 =	sld [smem:$0x3FD9]  }
0x89: {  	s3 =	sld [smem:$0x3FFE];
	_ =	sdelay $0x1  }
0x8a: {  	s1 =	srdreg.scid  }
0x8b: {  	s0 =	sand.u32 $0x1, s1  }
0x8c: {  	s17 =	sshll.u32 s0, $0xA;
	s2 =	sadd.s32 s3, s2  }
0x8d: {  	s2 =	sadd.s32 s2, s17  }
0x8e: {  	[smem:$0x3FB8] =	sst s2  }
0x8f: {  	_ = 	snop  }
0x90: {  	s2 =	sld [smem:$0x3FD0];
	(tm) =	ssettm $0x1  }
0x91: {  	s18 =	sld [smem:$0x3FFB];
	_ =	sdelay $0x3  }
0x92: {  	_ =	strace s18  }
0x93: {  	s3 =	sld [smem:$0x3FFC];
	_ =	sdelay $0x3  }
0x94: {  	_ =	strace s3  }
0x95: {  	s3 =	sld [smem:$0x3FFD];
	_ =	sdelay $0x3  }
0x96: {  	_ =	strace s3  }
0x97: {  	_ =	strace $0x8FFFFFFF  }
0x98: {  	s19 =	sld [smem:$0x3FDB];
	_ =	sdelay $0x1  }
0x99: {  	s4 =	simm.s32 $_scs_section_size  }
0x9a: {  	s5 =	simm.s32 $_size__tile_overlayer_lowered;
	s6 =	simm.s32 $_tile_overlayer_lowered  }
0x9b: {  	s22 =	simm.s32 $0x1BFF;
	s21 =	sshll.u32 s6, $0x1;
	s3 =	sadd.s32 s4, s19  }
0x9c: {  	s7 =	simm.s32 $0x0;
	s20 =	sshll.u32 s5, $0x1;
	s5 =	sadd.s32 s21, s3  }
0x9d: {  	[timem:s7], [sflag:s22] =	dma.local [hbm:s5], s20  }
0x9e: {  	_ =	swait.ge [sflag:s22], s20  }
0x9f: {  	s4 =	ssub.s32 $0x0, s20;
	[sflag:s22] =	ssyncset.done $0x0  }
0xa0: {  	[sflag:s22] =	ssyncadd.s32 s4;
	_ =	sdelay $0x1  }
0xa1: {  	s23 =	simm.s32 $0x1B8B  }
0xa2: {  	_ =	swait.ge [sflag:s23], $0x1  }
0xa3: {  	[sflag:s23] =	ssyncset.done $0x0  }
0xa4: {  	s25 =	simm.s32 $0x1B8E;
	s24 =	sld [smem:$0x3FFE];
	[sflag:s23] =	ssyncadd.s32 $0xFFFFFFFF  }
0xa5: {  	s26 =	simm.s32 $execute0_lowered;
	[smem:$0x3FD2] =	sst s25  }
0xa6: {  	s5 =	sshll.u32 s26, $0x1;
	_ =	strace $0x80000049;
	[dreg:$0x1] =	wrdreg $0xFFFFFFFF  }
0xa7: {  	s28 =	simm.s32 $_size_execute0_lowered;
	s3 =	sadd.s32 s3, s5;
	[dreg:$0x0] =	wrdreg $0x0  }
0xa8: {  	s5 =	sshll.u32 s28, $0x1;
	[dreg:$0x2] =	wrdreg s3  }
0xa9: {  	[dreg:$0x3] =	wrdreg s5  }
0xaa: {  	[dreg:$0x4] =	wrdreg $0xC0  }
0xab: {  	_ =	task [dreg:s7], $0x5FFFF  }
0xac: {  	[dreg:$0x1] =	wrdreg $0xFFFFFFFF  }
0xad: {  	[dreg:$0x0] =	wrdreg $0x60  }
0xae: {  	[dreg:$0x2] =	wrdreg s2  }
0xaf: {  	[dreg:$0x3] =	wrdreg s24  }
0xb0: {  	[dreg:$0x4] =	wrdreg $0xB6200  }
0xb1: {  	[dreg:$0x5] =	wrdreg $0x9  }
0xb2: {  	_ =	task.clear_ibuf [dreg:s7], $0x6FFFF;
	_ =	strace $0x90000049  }
0xb3: {  	s29 =	simm.s32 $0x9;
	_ =	strace $0x8000004B  }
0xb4: {  	_ =	swait.ge [sflag:s29], $0x1  }
0xb5: {  	[sflag:s29] =	ssyncadd.s32 $0xFFFFFFFF  }
0xb6: {  	_ =	strace $0x9000004B  }
0xb7: {  	_ =	sfence  }
0xb8: {  	s30 =	sld [smem:$0x0];
	_ =	sdelay $0x2  }
0xb9: {  	s31 =	sshll.u32 s1, $0xD;
	s1 =	sshrl.u32 s1, $0x2  }
0xba: {  	s3 =	sand.u32 $0x4000, s31;
	s1 =	sadd.s32 s1, s30  }
0xbb: {  	s0 =	sor.u32 s3, s0;
	s1 =	sshll.u32 s1, $0x11  }
0xbc: {  	s0 =	sor.u32 s1, s0  }
0xbd: {  	s0 =	sadd.s32 $0x8F2B, s0  }
0xbe: {  	[sflag:s0] =	ssyncadd.remote.s32 $0x1  }
0xbf: {  	_ =	sfence.sel $0xFFFF  }
0xc0: {  	[dreg:$0x0] =	wrdreg $0xFFFFFFFF;
	(pc) =	sbr.abs _section_cstart, $3  }
0xc1: {  	[dreg:$0x1] =	wrdreg $0xFFFFFFFF  }
0xc2: {  	_ =	task.clear_ibuf [dreg:s7], $0x2FFFF;
	_ =	strace $0x9FFFFFFF  }
0xc3: {  	(tm) =	ssettm $0x7FFFFFFF  }
tec
execute0_lowered:
.L_overlay_start_1:
0x0: {  	(tag) =	ssettag $0x1  }
0x1: {  	s1 =	srdreg.scid;
	s0 =	rddreg [dreg:$0x0]  }
0x2: {  	s2 =	rddreg [dreg:$0x1];
	s18 =	stileid.u32  }
0x3: {  	s3 =	rddreg [dreg:$0x2];
	s19 =	simm.s32 $0x3;
	s20 =	simm.s32 $0x1  }
0x4: {  	s21 =	simm.s32 $0x2;
	s22 =	simm.s32 $0x68;
	s23 =	simm.s32 $0x4E20  }
0x5: {  	s28 =	simm.s32 $0x4DA8;
	s29 =	simm.s32 $0x10;
	s30 =	simm.s32 $0x2700  }
0x6: {  	s31 =	simm.s32 $0x4E10;
	s1 =	sand.u32 $0x1, s1;
	s7 =	smul.u32 $0x4E000, s18  }
0x7: {  	s11 =	smul.u32 $0x13800, s18;
	s9 =	sadd.s32 $0x138000, s3;
	p0 =	sne.s32 s18, $0x0  }
0x8: {  	s4 =	sshll.u32 s1, $0x4;
	s6 =	smul.u32 $0x27100, s1;
	s1 =	ssub.s32 $0x2, s1  }
0x9: {  	s5 =	sor.u32 s18, s4;
	s4 =	simm.s32 $0x0;
	s25 =	sshrl.u32 s1, $0x1  }
0xa: {  	s7 =	sshrl.u32 s7, $0x2;
	s26 =	sshrl.u32 s11, $0x3;
	s17 =	sadd.s32 s11, s3  }
0xb: {  	s18 =	simm.s32 $0x8220;
	s5 =	smul.u32 $0x4E2, s5;
	[smem:$0x7FF] =	sst s4  }
0xc: {  	s1 =	ssub.s32 s1, s25;
	s7 =	sadd.s32 s7, s3;
	s25 =	sshrl.u32 s17, $0x3  }
0xd: {  	_ =	strace $0x8000004A;
	s11 =	smax.u32 s1, $0x1;
	s12 =	sadd.s32 $0x3000, s7  }
0xe: {  	s13 =	sadd.s32 $0x6000, s7;
	s14 =	sadd.s32 $0x9000, s7;
	s15 =	sadd.s32 $0xC000, s7  }
0xf: {  	s16 =	sadd.s32 $0xF000, s7;
	s8 =	sadd.s32 s5, s2;
	s2 =	sadd.s32 s6, s2  }
0x10: {  	s1 =	simm.s32 $0x0;
	s5 =	sadd.s32 $0x4600, s8;
	s10 =	sadd.s32 $0x66200, s2  }
0x11: {  	v0 =	vimm.f32 $0.0e+00;
	s6 =	sadd.s32 $0xE240, s8;
	s8 =	sadd.s32 $0x12000, s7;
	s24 =	sadd.s32 s26, s10  }
.LBB2_1:
0x12: {  	[tilespmem:s4], [sflag:$0x1] =	stream.linear.gather [hbm4b:s5+s4], $0x2710, $0x38;
	[tilespmem:$0x1EEA0] =	vst v63  }
0x13: {  	s2 =	simm.s32 $0x2710  }
0x14: {  	[tilespmem:s2], [sflag:$0x2] =	stream.linear.gather [hbm4b:s6+s4], $0x2710, $0x38;
	[tilespmem:$0x1EEA0] =	vst v63  }
0x15: {  	s17 =	simm.s32 $0x200;
	s2 =	simm.s32 $0x0  }
.LBB2_2:
0x16: {  	p1 =	sne.s32 s17, $0xBE00;
	[tilespmem:s2+$0x8290] =	vst v0  }
0x17: {  	[tilespmem:s2+$0x8220] =	vst v0  }
0x18: {  	[tilespmem:s2+$0x8230] =	vst v0  }
.Ltmp0:
0x19: {  	[tilespmem:s2+$0x8240] =	vst v0;
	(pc) =	sbr.rel @p1 .LBB2_2-.Ltmp0, $4  }
0x1a: {  	[tilespmem:s2+$0x8250] =	vst v0  }
0x1b: {  	[tilespmem:s2+$0x8260] =	vst v0  }
0x1c: {  	[tilespmem:s2+$0x8270] =	vst v0  }
0x1d: {  	[tilespmem:s2+$0x8280] =	vst v0;
	s2 =	sshra.s32 s17, $0x2;
	s17 =	sadd.s32 $0x200, s17  }
0x1e: {  	[tilespmem:s2+$0x8290] =	vst v0  }
0x1f: {  	[tilespmem:s2+$0x8220] =	vst v0  }
0x20: {  	[tilespmem:s2+$0x8230] =	vst v0  }
0x21: {  	[tilespmem:s2+$0x8240] =	vst v0  }
0x22: {  	[tilespmem:s2+$0x8250] =	vst v0  }
0x23: {  	[tilespmem:s2+$0x8260] =	vst v0  }
0x24: {  	[tilespmem:s2+$0x8270] =	vst v0  }
0x25: {  	[tilespmem:s2+$0x8280] =	vst v0  }
0x26: {  	[spmem:s7] =	stream.linear.scatter [tilespmem:s18], [sflag:$0x3], $0x3000, $0x38;
	[tilespmem:$0x1EEA0] =	vst v63  }
0x27: {  	_ =	swait.ge [sflag:s19], $0x3000  }
0x28: {  	[sflag:s19] =	ssyncset.done $0x0  }
0x29: {  	[sflag:s19] =	ssyncadd.s32 $0xFFFFD000  }
0x2a: {  	[spmem:s12] =	stream.linear.scatter [tilespmem:s18], [sflag:$0x3], $0x3000, $0x38;
	[tilespmem:$0x1EEA0] =	vst v63  }
0x2b: {  	_ =	swait.ge [sflag:s19], $0x3000  }
0x2c: {  	[sflag:s19] =	ssyncset.done $0x0  }
0x2d: {  	[sflag:s19] =	ssyncadd.s32 $0xFFFFD000  }
0x2e: {  	[spmem:s13] =	stream.linear.scatter [tilespmem:s18], [sflag:$0x3], $0x3000, $0x38;
	[tilespmem:$0x1EEA0] =	vst v63  }
0x2f: {  	_ =	swait.ge [sflag:s19], $0x3000  }
0x30: {  	[sflag:s19] =	ssyncset.done $0x0  }
0x31: {  	[sflag:s19] =	ssyncadd.s32 $0xFFFFD000  }
0x32: {  	[spmem:s14] =	stream.linear.scatter [tilespmem:s18], [sflag:$0x3], $0x3000, $0x38;
	[tilespmem:$0x1EEA0] =	vst v63  }
0x33: {  	_ =	swait.ge [sflag:s19], $0x3000  }
0x34: {  	[sflag:s19] =	ssyncset.done $0x0  }
0x35: {  	[sflag:s19] =	ssyncadd.s32 $0xFFFFD000  }
0x36: {  	[spmem:s15] =	stream.linear.scatter [tilespmem:s18], [sflag:$0x3], $0x3000, $0x38;
	[tilespmem:$0x1EEA0] =	vst v63  }
0x37: {  	_ =	swait.ge [sflag:s19], $0x3000  }
0x38: {  	[sflag:s19] =	ssyncset.done $0x0  }
0x39: {  	[sflag:s19] =	ssyncadd.s32 $0xFFFFD000  }
0x3a: {  	[spmem:s16] =	stream.linear.scatter [tilespmem:s18], [sflag:$0x3], $0x3000, $0x38;
	[tilespmem:$0x1EEA0] =	vst v63  }
0x3b: {  	_ =	swait.ge [sflag:s19], $0x3000  }
0x3c: {  	[sflag:s19] =	ssyncset.done $0x0  }
0x3d: {  	[sflag:s19] =	ssyncadd.s32 $0xFFFFD000  }
0x3e: {  	[spmem:s8] =	stream.linear.scatter [tilespmem:s18], [sflag:$0x3], $0x1800, $0x38;
	[tilespmem:$0x1EEA0] =	vst v63  }
0x3f: {  	_ =	swait.ge [sflag:s19], $0x1800  }
0x40: {  	[sflag:s19] =	ssyncset.done $0x0  }
0x41: {  	s2 =	simm.s32 @!p0 $0x8220;
	[sflag:s19] =	ssyncadd.s32 $0xFFFFE800  }
0x42: {  	[spmem:s9] =	stream.linear.scatter @!p0 [tilespmem:s2], [sflag:$0x3], $0x800, $0x38;
	[tilespmem:$0x1EEA0] =	vst v63  }
0x43: {  	s2 =	simm.s32 @!p0 $0x3  }
0x44: {  	_ =	swait.ge @!p0 [sflag:s2], $0x800  }
0x45: {  	[sflag:s2] =	ssyncset.done @!p0 $0x0  }
0x46: {  	[sflag:s2] =	ssyncadd.s32 @!p0 $0xFFFFF800  }
0x47: {  	_ =	swait.ge [sflag:s20], $0x2710  }
0x48: {  	[sflag:s20] =	ssyncset.done $0x0  }
0x49: {  	[sflag:s20] =	ssyncadd.s32 $0xFFFFD8F0  }
0x4a: {  	_ =	swait.ge [sflag:s21], $0x2710  }
0x4b: {  	[sflag:s21] =	ssyncset.done $0x0  }
0x4c: {  	[sflag:s21] =	ssyncadd.s32 $0xFFFFD8F0  }
0x4d: {  	s17 =	simm.s32 $0x0;
	[bflag:$0x0] =	sbarrier.arrive $0xFFFF  }
0x4e: {  	[tilespmem:s23], [sflag:$0x1] =	stream.indirect.gather [hbm4b:s0+s22], $0x80, s17, s22, $0xb8;
	[tilespmem:$0x1EEA0] =	vst v63  }
0x4f: {  	_ = 	snop  }
0x50: {  	[tilespmem:s18], [sflag:$0x2] =	stream.indirect.gather [hbm4b:s0+s22], $0x80, s22, s22, $0xb8;
	[tilespmem:$0x1EEA0] =	vst v63  }
0x51: {  	_ =	swait.ge [sflag:s20], $0x3400  }
0x52: {  	[sflag:s20] =	ssyncset.done $0x0  }
0x53: {  	s26 =	simm.s32 $0x2710;
	[sflag:s20] =	ssyncadd.s32 $0xFFFFCC00  }
0x54: {  	[spmem:s3] =	stream.indirect.scatter.add.f32 [tilespmem:s23], [sflag:$0x3], $0x80, s26, s22, $0xb8;
	[tilespmem:$0x1EEA0] =	vst v63  }
0x55: {  	_ =	swait.ge [sflag:s19], $0x3400  }
0x56: {  	[sflag:s19] =	ssyncset.done $0x0  }
0x57: {  	s17 =	simm.s32 $0xD0;
	[sflag:s19] =	ssyncadd.s32 $0xFFFFCC00  }
0x58: {  	[tilespmem:s23], [sflag:$0x1] =	stream.indirect.gather [hbm4b:s0+s22], $0x80, s17, s22, $0xb8;
	[tilespmem:$0x1EEA0] =	vst v63  }
0x59: {  	_ =	swait.ge [sflag:s21], $0x3400  }
0x5a: {  	[sflag:s21] =	ssyncset.done $0x0  }
0x5b: {  	s26 =	simm.s32 $0x2778;
	[sflag:s21] =	ssyncadd.s32 $0xFFFFCC00  }
0x5c: {  	[spmem:s3] =	stream.indirect.scatter.add.f32 [tilespmem:s18], [sflag:$0x3], $0x80, s26, s22, $0xb8;
	[tilespmem:$0x1EEA0] =	vst v63  }
0x5d: {  	_ =	swait.ge [sflag:s19], $0x3400  }
0x5e: {  	[sflag:s19] =	ssyncset.done $0x0  }
0x5f: {  	s2 =	simm.s32 $0x340;
	s17 =	simm.s32 $0x138;
	[sflag:s19] =	ssyncadd.s32 $0xFFFFCC00  }
.LBB2_4:
0x60: {  	[tilespmem:s18], [sflag:$0x2] =	stream.indirect.gather [hbm4b:s0+s22], $0x80, s17, s22, $0xb8;
	[tilespmem:$0x1EEA0] =	vst v63  }
0x61: {  	s17 =	smov.u32 s2  }
0x62: {  	p1 =	sne.s32 s2, $0x9580;
	s2 =	sadd.s32 $0x340, s2;
	_ =	swait.ge [sflag:s20], $0x3400  }
0x63: {  	s17 =	sshra.s32 s17, $0x2;
	[sflag:s20] =	ssyncset.done $0x0  }
0x64: {  	s26 =	sadd.s32 $0x2710, s17;
	[sflag:s20] =	ssyncadd.s32 $0xFFFFCC00  }
0x65: {  	[spmem:s3] =	stream.indirect.scatter.add.f32 [tilespmem:s23], [sflag:$0x3], $0x80, s26, s22, $0xb8;
	[tilespmem:$0x1EEA0] =	vst v63  }
0x66: {  	_ =	swait.ge [sflag:s19], $0x3400  }
0x67: {  	[sflag:s19] =	ssyncset.done $0x0  }
0x68: {  	s26 =	sadd.s32 $0xD0, s17;
	[sflag:s19] =	ssyncadd.s32 $0xFFFFCC00  }
0x69: {  	[tilespmem:s23], [sflag:$0x1] =	stream.indirect.gather [hbm4b:s0+s22], $0x80, s26, s22, $0xb8;
	[tilespmem:$0x1EEA0] =	vst v63  }
0x6a: {  	_ =	swait.ge [sflag:s21], $0x3400  }
0x6b: {  	[sflag:s21] =	ssyncset.done $0x0  }
.Ltmp1:
0x6c: {  	s26 =	sadd.s32 $0x2778, s17;
	[sflag:s21] =	ssyncadd.s32 $0xFFFFCC00;
	(pc) =	sbr.rel @p1 .LBB2_4-.Ltmp1, $4  }
0x6d: {  	[spmem:s3] =	stream.indirect.scatter.add.f32 [tilespmem:s18], [sflag:$0x3], $0x80, s26, s22, $0xb8;
	[tilespmem:$0x1EEA0] =	vst v63  }
0x6e: {  	_ =	swait.ge [sflag:s19], $0x3400  }
0x6f: {  	[sflag:s19] =	ssyncset.done $0x0  }
0x70: {  	s17 =	sadd.s32 $0x138, s17;
	[sflag:s19] =	ssyncadd.s32 $0xFFFFCC00  }
0x71: {  	[tilespmem:s18], [sflag:$0x2] =	stream.indirect.gather [hbm4b:s0+s22], $0x80, s17, s22, $0xb8;
	[tilespmem:$0x1EEA0] =	vst v63  }
0x72: {  	_ =	swait.ge [sflag:s20], $0x3400  }
0x73: {  	[sflag:s20] =	ssyncset.done $0x0  }
0x74: {  	s2 =	simm.s32 $0x4D40;
	[sflag:s20] =	ssyncadd.s32 $0xFFFFCC00  }
0x75: {  	[spmem:s3] =	stream.indirect.scatter.add.f32 [tilespmem:s23], [sflag:$0x3], $0x80, s2, s22, $0xb8;
	[tilespmem:$0x1EEA0] =	vst v63  }
0x76: {  	_ =	swait.ge [sflag:s19], $0x3400  }
0x77: {  	[sflag:s19] =	ssyncset.done $0x0  }
0x78: {  	[sflag:s19] =	ssyncadd.s32 $0xFFFFCC00  }
0x79: {  	_ =	swait.ge [sflag:s21], $0x3400  }
0x7a: {  	[sflag:s21] =	ssyncset.done $0x0  }
0x7b: {  	[sflag:s21] =	ssyncadd.s32 $0xFFFFCC00  }
0x7c: {  	[spmem:s3] =	stream.indirect.scatter.add.f32 [tilespmem:s18], [sflag:$0x3], $0x80, s28, s22, $0xb8;
	[tilespmem:$0x1EEA0] =	vst v63  }
0x7d: {  	_ =	swait.ge [sflag:s19], $0x3400  }
0x7e: {  	[sflag:s19] =	ssyncset.done $0x0  }
0x7f: {  	[sflag:s19] =	ssyncadd.s32 $0xFFFFCC00  }
0x80: {  	[tilespmem:s23], [sflag:$0x1] =	stream.indirect.gather [hbm4b:s0+s29], $0x80, s30, s29, $0xb8;
	[tilespmem:$0x1EEA0] =	vst v63  }
0x81: {  	_ =	swait.ge [sflag:s20], $0x800  }
0x82: {  	[sflag:s20] =	ssyncset.done $0x0  }
0x83: {  	[sflag:s20] =	ssyncadd.s32 $0xFFFFF800  }
0x84: {  	[spmem:s3] =	stream.indirect.scatter.add.f32 [tilespmem:s23], [sflag:$0x3], $0x80, s31, s29, $0xb8;
	[tilespmem:$0x1EEA0] =	vst v63  }
0x85: {  	_ =	swait.ge [sflag:s19], $0x800  }
0x86: {  	s26 =	stileid.u32;
	[sflag:s19] =	ssyncset.done $0x0  }
0x87: {  	s2 =	sshll.u32 s26, $0x6;
	[sflag:s19] =	ssyncadd.s32 $0xFFFFF800  }
0x88: {  	s2 =	sor.u32 $0x1C03, s2;
	[bflag:$0x0] =	sbarrier.arrive $0xFFFF  }
0x89: {  	[hbm:s24], [sflag:s2] =	dma.local [spmem:s25], $0x2700  }
0x8a: {  	_ =	swait.ge [sflag:s19], $0x2700  }
0x8b: {  	s17 =	sadd.s32 @!p0 $0x27000, s10;
	s1 =	sadd.s32 $0x1, s1;
	[sflag:s19] =	ssyncset.done $0x0  }
0x8c: {  	p1 =	sne.s32 s1, s11;
	s26 =	sshrl.u32 @!p0 s9, $0x3;
	[sflag:s19] =	ssyncadd.s32 $0xFFFFD900  }
0x8d: {  	[hbm:s17], [sflag:s2] =	dma.local @!p0 [spmem:s26], $0x100  }
.Ltmp2:
0x8e: {  	_ = 	snop;
	(pc) =	sbr.rel @p1 .LBB2_1-.Ltmp2, $4  }
0x8f: {  	s2 =	simm.s32 @!p0 $0x3  }
0x90: {  	_ =	swait.ge @!p0 [sflag:s2], $0x100  }
0x91: {  	[sflag:s2] =	ssyncset.done @!p0 $0x0  }
0x92: {  	[sflag:s2] =	ssyncadd.s32 @!p0 $0xFFFFFF00  }
0x93: {  	_ =	sfence.sel $0x180000  }
0x94: {  	[bflag:$0x0] =	sbarrier.arrive $0xFFFF  }
0x95: {  	_ =	strace $0x9000004A  }
0x96: {  	[bflag:$0x2] =	sbarrier.arrive $0xFFFF  }
0x97: {  	s0 =	rddreg [dreg:$0x3]  }
0x98: {  	s0 =	sadd.s32 @!p0 $0x100000, s0  }
0x99: {  	[sflag:s0] =	ssyncadd.tile.s32 @!p0 $0x1;
	_ =	shalt  }
.Lfunc_end2:
_tile_overlayer_lowered:
.L_overlay_start_2:
0x9a: {  	(tag) =	ssettag $0x2  }
0x9b: {  	s0 =	rddreg [dreg:$0x0];
	s2 =	stileid.u32  }
0x9c: {  	s1 =	rddreg [dreg:$0x1];
	p0 =	sne.s32 s2, $0x0  }
0x9d: {  	s3 =	rddreg [dreg:$0x2];
	[bflag:$0x3] =	sbarrier.arrive $0xFFFF;
	s2 =	simm.s32 @!p0 $0x1C03  }
0x9e: {  	[timem:s3], [sflag:s2] =	dma.local @!p0 [hbm:s0], s1  }
0x9f: {  	s0 =	simm.s32 @!p0 $0x3  }
0xa0: {  	_ =	swait.ge @!p0 [sflag:s0], s1  }
0xa1: {  	s1 =	ssub.s32 @!p0 $0x0, s1;
	[sflag:s0] =	ssyncset.done @!p0 $0x0  }
0xa2: {  	[sflag:s0] =	ssyncadd.s32 @!p0 s1  }
0xa3: {  	[bflag:$0x3] =	sbarrier.arrive $0xFFFF  }
0xa4: {  	_ =	shalt  }

// kernel: kernel.16.cloned.1.call-start
scs
__scs_entry_jumppad:
0x0: {  	(pc) =	sbr.rel $0x88, $3  }
0x1: {  	(tag) =	ssettag $0x0;
	lr =	simm.s32 $0x1  }
0x2: {  	[smem:$0x3F91] =	sst lr;
	_ =	strace $0xD0000000  }
0x3: {  	_ = 	snop  }
0x4: {  	_ = 	snop  }
0x5: {  	_ = 	snop  }
0x6: {  	_ = 	snop  }
0x7: {  	_ = 	snop  }
__scs_overlays_trampoline_lowered:
0x8: {  	[smem:$0x3FA0] =	sst s0  }
0x9: {  	[smem:$0x3FA1] =	sst s1  }
0xa: {  	[smem:$0x3FA2] =	sst s2  }
0xb: {  	[smem:$0x3FA3] =	sst s3  }
0xc: {  	[smem:$0x3FA4] =	sst s4  }
0xd: {  	[smem:$0x3FA5] =	sst s5  }
0xe: {  	[smem:$0x3FA6] =	sst s6  }
0xf: {  	[smem:$0x3FA7] =	sst s7  }
0x10: {  	[smem:$0x3FA8] =	sst s8  }
0x11: {  	[smem:$0x3FA9] =	sst s9;
	s0 =	simm.s32 @!p0 $0x0  }
0x12: {  	s1 =	sld [smem:$0x3F8F];
	s0 =	simm.s32 @p0 $0x1  }
0x13: {  	[smem:$0x3FAA] =	sst s0;
	s0 =	simm.s32 @!p1 $0x0  }
0x14: {  	s2 =	sld [smem:$0x3F8E];
	s0 =	simm.s32 @p1 $0x1  }
0x15: {  	[smem:$0x3FAB] =	sst s0;
	s0 =	simm.s32 @!p2 $0x0  }
0x16: {  	s3 =	sld [smem:$0x3FDB];
	s0 =	simm.s32 @p2 $0x1  }
0x17: {  	s4 =	simm.s32 $0x1BF5;
	[smem:$0x3FAD] =	sst s0  }
0x18: {  	s0 =	sld [smem:$0x3F90];
	_ =	swait.ge [sflag:s4], $0x0  }
0x19: {  	s7 =	sld [smem:$0x3F91]  }
0x1a: {  	s8 =	sadd.s32 $0xFFFFE003, lr  }
0x1b: {  	s9 =	sadd.s32 $0xFFFFFEF7, lr;
	s5 =	simm.s32 $0xFFFFFFFF;
	p2 =	slt.u32 s8, $0xFFFFF086  }
0x1c: {  	p1 =	slt.u32 s9, $0xF7A;
	s5 =	simm.s32 @!p2 $0x0  }
0x1d: {  	s5 =	simm.s32 @p1 $0x1;
	p0 =	seq.s32 s7, s2  }
0x1e: {  	s7 =	smul.u32 @!p0 $0xF7A, s2;
	p2 =	seq.s32 @!p0 s5, $0x0  }
0x1f: {  	s9 =	smul.u32 $0xF7A, s1;
	s8 =	simm.s32 @!p0 $0x1BF5;
	p2 =	por !p2, p0  }
0x20: {  	[sflag:s8] =	ssyncset.s32 @!p0 $0xFFFFF086;
	s6 =	sadd.s32 @!p0 s3, s7;
	s7 =	simm.s32 @!p0 $0x108  }
0x21: {  	s3 =	sadd.s32 s3, s9;
	s6 =	sadd.s32 @!p0 $0x88, s6;
	s7 =	simm.s32 @p2 $0x1082  }
0x22: {  	[simem:s7], [sflag:s8] =	dma.local @!p0 [hbm:s6], $0xF7A  }
0x23: {  	s9 =	sor.u32 $0xD0000000, s2;
	s6 =	simm.s32 $0x108;
	_ =	swait.ge @!p0 [sflag:s8], $0x0  }
0x24: {  	s3 =	sadd.s32 $0x88, s3;
	s6 =	simm.s32 @!p1 $0x1082;
	[sflag:s4] =	ssyncset.s32 $0xFFFFF086  }
0x25: {  	[simem:s6], [sflag:s4] =	dma.local [hbm:s3], $0xF7A  }
0x26: {  	[smem:$0x3F91] =	sst s1;
	(tag) =	ssettag s2;
	_ =	strace s9  }
0x27: {  	s1 =	sld [smem:$0x3FA1]  }
0x28: {  	s2 =	sld [smem:$0x3FA2]  }
0x29: {  	s4 =	sld [smem:$0x3FA4]  }
0x2a: {  	p0 =	seq.s32 s5, $0x0;
	s5 =	sld [smem:$0x3FA5]  }
0x2b: {  	s6 =	sld [smem:$0x3FA6]  }
0x2c: {  	s7 =	sld [smem:$0x3FA7]  }
0x2d: {  	s3 =	simm.s32 $0x108;
	s8 =	sld [smem:$0x3FA8]  }
0x2e: {  	s3 =	simm.s32 @!p0 $0x1082;
	s9 =	sld [smem:$0x3FA9]  }
0x2f: {  	lr =	sadd.s32 s0, s3;
	s0 =	sld [smem:$0x3FA0]  }
0x30: {  	s3 =	sld [smem:$0x3FA3]  }
0x31: {  	[smem:$0x3FAC] =	sst s10  }
0x32: {  	s10 =	sld [smem:$0x3FAA];
	_ =	sdelay $0x3  }
0x33: {  	p0 =	seq.s32 s10, $0x1;
	s10 =	sld [smem:$0x3FAC];
	_ =	sdelay $0x3  }
0x34: {  	[smem:$0x3FAC] =	sst s10  }
0x35: {  	s10 =	sld [smem:$0x3FAB];
	_ =	sdelay $0x3  }
0x36: {  	p1 =	seq.s32 s10, $0x1;
	s10 =	sld [smem:$0x3FAC];
	_ =	sdelay $0x3  }
0x37: {  	[smem:$0x3FAC] =	sst s10  }
0x38: {  	s10 =	sld [smem:$0x3FAD]  }
0x39: {  	_ = 	snop;
	(pc) =	sbr.ind lr, $3  }
0x3a: {  	_ = 	snop  }
0x3b: {  	_ = 	snop  }
0x3c: {  	p2 =	seq.s32 s10, $0x1;
	s10 =	sld [smem:$0x3FAC]  }
0x3d: {  	_ =	shalt  }
0x3e: {  	_ =	shalt  }
0x3f: {  	_ =	shalt  }
0x40: {  	_ =	shalt  }
0x41: {  	_ =	shalt  }
0x42: {  	_ =	shalt  }
0x43: {  	_ =	shalt  }
0x44: {  	_ =	shalt  }
0x45: {  	_ =	shalt  }
0x46: {  	_ =	shalt  }
0x47: {  	_ =	shalt  }
0x48: {  	_ =	shalt  }
0x49: {  	_ =	shalt  }
0x4a: {  	_ =	shalt  }
0x4b: {  	_ =	shalt  }
0x4c: {  	_ =	shalt  }
0x4d: {  	_ =	shalt  }
0x4e: {  	_ =	shalt  }
0x4f: {  	_ =	shalt  }
0x50: {  	_ =	shalt  }
0x51: {  	_ =	shalt  }
0x52: {  	_ =	shalt  }
0x53: {  	_ =	shalt  }
0x54: {  	_ =	shalt  }
0x55: {  	_ =	shalt  }
0x56: {  	_ =	shalt  }
0x57: {  	_ =	shalt  }
0x58: {  	_ =	shalt  }
0x59: {  	_ =	shalt  }
0x5a: {  	_ =	shalt  }
0x5b: {  	_ =	shalt  }
0x5c: {  	_ =	shalt  }
0x5d: {  	_ =	shalt  }
0x5e: {  	_ =	shalt  }
0x5f: {  	_ =	shalt  }
0x60: {  	_ =	shalt  }
0x61: {  	_ =	shalt  }
0x62: {  	_ =	shalt  }
0x63: {  	_ =	shalt  }
0x64: {  	_ =	shalt  }
0x65: {  	_ =	shalt  }
0x66: {  	_ =	shalt  }
0x67: {  	_ =	shalt  }
0x68: {  	_ =	shalt  }
0x69: {  	_ =	shalt  }
0x6a: {  	_ =	shalt  }
0x6b: {  	_ =	shalt  }
0x6c: {  	_ =	shalt  }
0x6d: {  	_ =	shalt  }
0x6e: {  	_ =	shalt  }
0x6f: {  	_ =	shalt  }
0x70: {  	_ =	shalt  }
0x71: {  	_ =	shalt  }
0x72: {  	_ =	shalt  }
0x73: {  	_ =	shalt  }
0x74: {  	_ =	shalt  }
0x75: {  	_ =	shalt  }
0x76: {  	_ =	shalt  }
0x77: {  	_ =	shalt  }
0x78: {  	_ =	shalt  }
0x79: {  	_ =	shalt  }
0x7a: {  	_ =	shalt  }
0x7b: {  	_ =	shalt  }
0x7c: {  	_ =	shalt  }
0x7d: {  	_ =	shalt  }
0x7e: {  	_ =	shalt  }
0x7f: {  	_ =	shalt  }
0x80: {  	_ =	shalt  }
0x81: {  	_ =	shalt  }
0x82: {  	_ =	shalt  }
0x83: {  	_ =	shalt  }
0x84: {  	_ =	shalt  }
0x85: {  	_ =	shalt  }
0x86: {  	_ =	shalt  }
0x87: {  	_ =	shalt  }
.Lfunc_end0:
.L_simem_size_0:
called_computation.2_lowered:
.L_overlay_start_0:
0x88: {  	s2 =	sld [smem:$0x3FD9]  }
0x89: {  	s3 =	sld [smem:$0x3FFE];
	_ =	sdelay $0x1  }
0x8a: {  	s1 =	srdreg.scid  }
0x8b: {  	s0 =	sand.u32 $0x1, s1  }
0x8c: {  	s17 =	sshll.u32 s0, $0xA;
	s2 =	sadd.s32 s3, s2  }
0x8d: {  	s2 =	sadd.s32 s2, s17  }
0x8e: {  	[smem:$0x3FB8] =	sst s2  }
0x8f: {  	_ = 	snop  }
0x90: {  	s2 =	sld [smem:$0x3FD0];
	(tm) =	ssettm $0x1  }
0x91: {  	s18 =	sld [smem:$0x3FFB];
	_ =	sdelay $0x3  }
0x92: {  	_ =	strace s18  }
0x93: {  	s3 =	sld [smem:$0x3FFC];
	_ =	sdelay $0x3  }
0x94: {  	_ =	strace s3  }
0x95: {  	s3 =	sld [smem:$0x3FFD];
	_ =	sdelay $0x3  }
0x96: {  	_ =	strace s3  }
0x97: {  	_ =	strace $0x8FFFFFFF  }
0x98: {  	s19 =	sld [smem:$0x3FDB];
	_ =	sdelay $0x1  }
0x99: {  	s4 =	simm.s32 $_scs_section_size  }
0x9a: {  	s5 =	simm.s32 $_size__tile_overlayer_lowered;
	s6 =	simm.s32 $_tile_overlayer_lowered  }
0x9b: {  	s22 =	simm.s32 $0x1BFF;
	s21 =	sshll.u32 s6, $0x1;
	s3 =	sadd.s32 s4, s19  }
0x9c: {  	s7 =	simm.s32 $0x0;
	s20 =	sshll.u32 s5, $0x1;
	s5 =	sadd.s32 s21, s3  }
0x9d: {  	[timem:s7], [sflag:s22] =	dma.local [hbm:s5], s20  }
0x9e: {  	_ =	swait.ge [sflag:s22], s20  }
0x9f: {  	s4 =	ssub.s32 $0x0, s20;
	[sflag:s22] =	ssyncset.done $0x0  }
0xa0: {  	[sflag:s22] =	ssyncadd.s32 s4;
	_ =	sdelay $0x1  }
0xa1: {  	s23 =	simm.s32 $0x1B8B  }
0xa2: {  	_ =	swait.ge [sflag:s23], $0x1  }
0xa3: {  	[sflag:s23] =	ssyncset.done $0x0  }
0xa4: {  	s25 =	simm.s32 $0x1B8E;
	s24 =	sld [smem:$0x3FFE];
	[sflag:s23] =	ssyncadd.s32 $0xFFFFFFFF  }
0xa5: {  	s26 =	simm.s32 $execute0_lowered;
	[smem:$0x3FD2] =	sst s25  }
0xa6: {  	s5 =	sshll.u32 s26, $0x1;
	_ =	strace $0x8000004C;
	[dreg:$0x1] =	wrdreg $0xFFFFFFFF  }
0xa7: {  	s28 =	simm.s32 $_size_execute0_lowered;
	s3 =	sadd.s32 s3, s5;
	[dreg:$0x0] =	wrdreg $0x0  }
0xa8: {  	s5 =	sshll.u32 s28, $0x1;
	[dreg:$0x2] =	wrdreg s3  }
0xa9: {  	[dreg:$0x3] =	wrdreg s5  }
0xaa: {  	[dreg:$0x4] =	wrdreg $0xC0  }
0xab: {  	_ =	task [dreg:s7], $0x5FFFF  }
0xac: {  	[dreg:$0x1] =	wrdreg $0xFFFFFFFF  }
0xad: {  	[dreg:$0x0] =	wrdreg $0x60  }
0xae: {  	[dreg:$0x2] =	wrdreg s2  }
0xaf: {  	[dreg:$0x3] =	wrdreg s24  }
0xb0: {  	[dreg:$0x4] =	wrdreg $0xB6200  }
0xb1: {  	[dreg:$0x5] =	wrdreg $0x9  }
0xb2: {  	_ =	task.clear_ibuf [dreg:s7], $0x6FFFF;
	_ =	strace $0x9000004C  }
0xb3: {  	s29 =	simm.s32 $0x9;
	_ =	strace $0x8000004E  }
0xb4: {  	_ =	swait.ge [sflag:s29], $0x1  }
0xb5: {  	[sflag:s29] =	ssyncadd.s32 $0xFFFFFFFF  }
0xb6: {  	_ =	strace $0x9000004E  }
0xb7: {  	_ =	sfence  }
0xb8: {  	s30 =	sld [smem:$0x0];
	_ =	sdelay $0x2  }
0xb9: {  	s31 =	sshll.u32 s1, $0xD;
	s1 =	sshrl.u32 s1, $0x2  }
0xba: {  	s3 =	sand.u32 $0x4000, s31;
	s1 =	sadd.s32 s1, s30  }
0xbb: {  	s0 =	sor.u32 s3, s0;
	s1 =	sshll.u32 s1, $0x11  }
0xbc: {  	s0 =	sor.u32 s1, s0  }
0xbd: {  	s0 =	sadd.s32 $0x8F2B, s0  }
0xbe: {  	[sflag:s0] =	ssyncadd.remote.s32 $0x1  }
0xbf: {  	_ =	sfence.sel $0xFFFF  }
0xc0: {  	[dreg:$0x0] =	wrdreg $0xFFFFFFFF;
	(pc) =	sbr.abs _section_cstart, $3  }
0xc1: {  	[dreg:$0x1] =	wrdreg $0xFFFFFFFF  }
0xc2: {  	_ =	task.clear_ibuf [dreg:s7], $0x2FFFF;
	_ =	strace $0x9FFFFFFF  }
0xc3: {  	(tm) =	ssettm $0x7FFFFFFF  }
tec
execute0_lowered:
.L_overlay_start_1:
0x0: {  	(tag) =	ssettag $0x1  }
0x1: {  	s1 =	srdreg.scid;
	s0 =	rddreg [dreg:$0x0]  }
0x2: {  	s2 =	rddreg [dreg:$0x1];
	s18 =	stileid.u32  }
0x3: {  	s3 =	rddreg [dreg:$0x2];
	s19 =	simm.s32 $0x3;
	s20 =	simm.s32 $0x1  }
0x4: {  	s21 =	simm.s32 $0x2;
	s22 =	simm.s32 $0x68;
	s23 =	simm.s32 $0x4E20  }
0x5: {  	s28 =	simm.s32 $0x4DA8;
	s29 =	simm.s32 $0x10;
	s30 =	simm.s32 $0x2700  }
0x6: {  	s31 =	simm.s32 $0x4E10;
	s1 =	sand.u32 $0x1, s1;
	s7 =	smul.u32 $0x4E000, s18  }
0x7: {  	s11 =	smul.u32 $0x13800, s18;
	s9 =	sadd.s32 $0x138000, s3;
	p0 =	sne.s32 s18, $0x0  }
0x8: {  	s4 =	sshll.u32 s1, $0x4;
	s6 =	smul.u32 $0x27100, s1;
	s1 =	ssub.s32 $0x2, s1  }
0x9: {  	s5 =	sor.u32 s18, s4;
	s4 =	simm.s32 $0x0;
	s25 =	sshrl.u32 s1, $0x1  }
0xa: {  	s7 =	sshrl.u32 s7, $0x2;
	s26 =	sshrl.u32 s11, $0x3;
	s17 =	sadd.s32 s11, s3  }
0xb: {  	s18 =	simm.s32 $0x8220;
	s5 =	smul.u32 $0x4E2, s5;
	[smem:$0x7FF] =	sst s4  }
0xc: {  	s1 =	ssub.s32 s1, s25;
	s7 =	sadd.s32 s7, s3;
	s25 =	sshrl.u32 s17, $0x3  }
0xd: {  	_ =	strace $0x8000004D;
	s11 =	smax.u32 s1, $0x1;
	s12 =	sadd.s32 $0x3000, s7  }
0xe: {  	s13 =	sadd.s32 $0x6000, s7;
	s14 =	sadd.s32 $0x9000, s7;
	s15 =	sadd.s32 $0xC000, s7  }
0xf: {  	s16 =	sadd.s32 $0xF000, s7;
	s8 =	sadd.s32 s5, s2;
	s2 =	sadd.s32 s6, s2  }
0x10: {  	s1 =	simm.s32 $0x0;
	s5 =	sadd.s32 $0x4600, s8;
	s10 =	sadd.s32 $0x66200, s2  }
0x11: {  	v0 =	vimm.f32 $0.0e+00;
	s6 =	sadd.s32 $0xE240, s8;
	s8 =	sadd.s32 $0x12000, s7;
	s24 =	sadd.s32 s26, s10  }
.LBB2_1:
0x12: {  	[tilespmem:s4], [sflag:$0x1] =	stream.linear.gather [hbm4b:s5+s4], $0x2710, $0x38;
	[tilespmem:$0x1EEA0] =	vst v63  }
0x13: {  	s2 =	simm.s32 $0x2710  }
0x14: {  	[tilespmem:s2], [sflag:$0x2] =	stream.linear.gather [hbm4b:s6+s4], $0x2710, $0x38;
	[tilespmem:$0x1EEA0] =	vst v63  }
0x15: {  	s17 =	simm.s32 $0x200;
	s2 =	simm.s32 $0x0  }
.LBB2_2:
0x16: {  	p1 =	sne.s32 s17, $0xBE00;
	[tilespmem:s2+$0x8290] =	vst v0  }
0x17: {  	[tilespmem:s2+$0x8220] =	vst v0  }
0x18: {  	[tilespmem:s2+$0x8230] =	vst v0  }
.Ltmp0:
0x19: {  	[tilespmem:s2+$0x8240] =	vst v0;
	(pc) =	sbr.rel @p1 .LBB2_2-.Ltmp0, $4  }
0x1a: {  	[tilespmem:s2+$0x8250] =	vst v0  }
0x1b: {  	[tilespmem:s2+$0x8260] =	vst v0  }
0x1c: {  	[tilespmem:s2+$0x8270] =	vst v0  }
0x1d: {  	[tilespmem:s2+$0x8280] =	vst v0;
	s2 =	sshra.s32 s17, $0x2;
	s17 =	sadd.s32 $0x200, s17  }
0x1e: {  	[tilespmem:s2+$0x8290] =	vst v0  }
0x1f: {  	[tilespmem:s2+$0x8220] =	vst v0  }
0x20: {  	[tilespmem:s2+$0x8230] =	vst v0  }
0x21: {  	[tilespmem:s2+$0x8240] =	vst v0  }
0x22: {  	[tilespmem:s2+$0x8250] =	vst v0  }
0x23: {  	[tilespmem:s2+$0x8260] =	vst v0  }
0x24: {  	[tilespmem:s2+$0x8270] =	vst v0  }
0x25: {  	[tilespmem:s2+$0x8280] =	vst v0  }
0x26: {  	[spmem:s7] =	stream.linear.scatter [tilespmem:s18], [sflag:$0x3], $0x3000, $0x38;
	[tilespmem:$0x1EEA0] =	vst v63  }
0x27: {  	_ =	swait.ge [sflag:s19], $0x3000  }
0x28: {  	[sflag:s19] =	ssyncset.done $0x0  }
0x29: {  	[sflag:s19] =	ssyncadd.s32 $0xFFFFD000  }
0x2a: {  	[spmem:s12] =	stream.linear.scatter [tilespmem:s18], [sflag:$0x3], $0x3000, $0x38;
	[tilespmem:$0x1EEA0] =	vst v63  }
0x2b: {  	_ =	swait.ge [sflag:s19], $0x3000  }
0x2c: {  	[sflag:s19] =	ssyncset.done $0x0  }
0x2d: {  	[sflag:s19] =	ssyncadd.s32 $0xFFFFD000  }
0x2e: {  	[spmem:s13] =	stream.linear.scatter [tilespmem:s18], [sflag:$0x3], $0x3000, $0x38;
	[tilespmem:$0x1EEA0] =	vst v63  }
0x2f: {  	_ =	swait.ge [sflag:s19], $0x3000  }
0x30: {  	[sflag:s19] =	ssyncset.done $0x0  }
0x31: {  	[sflag:s19] =	ssyncadd.s32 $0xFFFFD000  }
0x32: {  	[spmem:s14] =	stream.linear.scatter [tilespmem:s18], [sflag:$0x3], $0x3000, $0x38;
	[tilespmem:$0x1EEA0] =	vst v63  }
0x33: {  	_ =	swait.ge [sflag:s19], $0x3000  }
0x34: {  	[sflag:s19] =	ssyncset.done $0x0  }
0x35: {  	[sflag:s19] =	ssyncadd.s32 $0xFFFFD000  }
0x36: {  	[spmem:s15] =	stream.linear.scatter [tilespmem:s18], [sflag:$0x3], $0x3000, $0x38;
	[tilespmem:$0x1EEA0] =	vst v63  }
0x37: {  	_ =	swait.ge [sflag:s19], $0x3000  }
0x38: {  	[sflag:s19] =	ssyncset.done $0x0  }
0x39: {  	[sflag:s19] =	ssyncadd.s32 $0xFFFFD000  }
0x3a: {  	[spmem:s16] =	stream.linear.scatter [tilespmem:s18], [sflag:$0x3], $0x3000, $0x38;
	[tilespmem:$0x1EEA0] =	vst v63  }
0x3b: {  	_ =	swait.ge [sflag:s19], $0x3000  }
0x3c: {  	[sflag:s19] =	ssyncset.done $0x0  }
0x3d: {  	[sflag:s19] =	ssyncadd.s32 $0xFFFFD000  }
0x3e: {  	[spmem:s8] =	stream.linear.scatter [tilespmem:s18], [sflag:$0x3], $0x1800, $0x38;
	[tilespmem:$0x1EEA0] =	vst v63  }
0x3f: {  	_ =	swait.ge [sflag:s19], $0x1800  }
0x40: {  	[sflag:s19] =	ssyncset.done $0x0  }
0x41: {  	s2 =	simm.s32 @!p0 $0x8220;
	[sflag:s19] =	ssyncadd.s32 $0xFFFFE800  }
0x42: {  	[spmem:s9] =	stream.linear.scatter @!p0 [tilespmem:s2], [sflag:$0x3], $0x800, $0x38;
	[tilespmem:$0x1EEA0] =	vst v63  }
0x43: {  	s2 =	simm.s32 @!p0 $0x3  }
0x44: {  	_ =	swait.ge @!p0 [sflag:s2], $0x800  }
0x45: {  	[sflag:s2] =	ssyncset.done @!p0 $0x0  }
0x46: {  	[sflag:s2] =	ssyncadd.s32 @!p0 $0xFFFFF800  }
0x47: {  	_ =	swait.ge [sflag:s20], $0x2710  }
0x48: {  	[sflag:s20] =	ssyncset.done $0x0  }
0x49: {  	[sflag:s20] =	ssyncadd.s32 $0xFFFFD8F0  }
0x4a: {  	_ =	swait.ge [sflag:s21], $0x2710  }
0x4b: {  	[sflag:s21] =	ssyncset.done $0x0  }
0x4c: {  	[sflag:s21] =	ssyncadd.s32 $0xFFFFD8F0  }
0x4d: {  	s17 =	simm.s32 $0x0;
	[bflag:$0x0] =	sbarrier.arrive $0xFFFF  }
0x4e: {  	[tilespmem:s23], [sflag:$0x1] =	stream.indirect.gather [hbm4b:s0+s22], $0x80, s17, s22, $0xb8;
	[tilespmem:$0x1EEA0] =	vst v63  }
0x4f: {  	_ = 	snop  }
0x50: {  	[tilespmem:s18], [sflag:$0x2] =	stream.indirect.gather [hbm4b:s0+s22], $0x80, s22, s22, $0xb8;
	[tilespmem:$0x1EEA0] =	vst v63  }
0x51: {  	_ =	swait.ge [sflag:s20], $0x3400  }
0x52: {  	[sflag:s20] =	ssyncset.done $0x0  }
0x53: {  	s26 =	simm.s32 $0x2710;
	[sflag:s20] =	ssyncadd.s32 $0xFFFFCC00  }
0x54: {  	[spmem:s3] =	stream.indirect.scatter.add.f32 [tilespmem:s23], [sflag:$0x3], $0x80, s26, s22, $0xb8;
	[tilespmem:$0x1EEA0] =	vst v63  }
0x55: {  	_ =	swait.ge [sflag:s19], $0x3400  }
0x56: {  	[sflag:s19] =	ssyncset.done $0x0  }
0x57: {  	s17 =	simm.s32 $0xD0;
	[sflag:s19] =	ssyncadd.s32 $0xFFFFCC00  }
0x58: {  	[tilespmem:s23], [sflag:$0x1] =	stream.indirect.gather [hbm4b:s0+s22], $0x80, s17, s22, $0xb8;
	[tilespmem:$0x1EEA0] =	vst v63  }
0x59: {  	_ =	swait.ge [sflag:s21], $0x3400  }
0x5a: {  	[sflag:s21] =	ssyncset.done $0x0  }
0x5b: {  	s26 =	simm.s32 $0x2778;
	[sflag:s21] =	ssyncadd.s32 $0xFFFFCC00  }
0x5c: {  	[spmem:s3] =	stream.indirect.scatter.add.f32 [tilespmem:s18], [sflag:$0x3], $0x80, s26, s22, $0xb8;
	[tilespmem:$0x1EEA0] =	vst v63  }
0x5d: {  	_ =	swait.ge [sflag:s19], $0x3400  }
0x5e: {  	[sflag:s19] =	ssyncset.done $0x0  }
0x5f: {  	s2 =	simm.s32 $0x340;
	s17 =	simm.s32 $0x138;
	[sflag:s19] =	ssyncadd.s32 $0xFFFFCC00  }
.LBB2_4:
0x60: {  	[tilespmem:s18], [sflag:$0x2] =	stream.indirect.gather [hbm4b:s0+s22], $0x80, s17, s22, $0xb8;
	[tilespmem:$0x1EEA0] =	vst v63  }
0x61: {  	s17 =	smov.u32 s2  }
0x62: {  	p1 =	sne.s32 s2, $0x9580;
	s2 =	sadd.s32 $0x340, s2;
	_ =	swait.ge [sflag:s20], $0x3400  }
0x63: {  	s17 =	sshra.s32 s17, $0x2;
	[sflag:s20] =	ssyncset.done $0x0  }
0x64: {  	s26 =	sadd.s32 $0x2710, s17;
	[sflag:s20] =	ssyncadd.s32 $0xFFFFCC00  }
0x65: {  	[spmem:s3] =	stream.indirect.scatter.add.f32 [tilespmem:s23], [sflag:$0x3], $0x80, s26, s22, $0xb8;
	[tilespmem:$0x1EEA0] =	vst v63  }
0x66: {  	_ =	swait.ge [sflag:s19], $0x3400  }
0x67: {  	[sflag:s19] =	ssyncset.done $0x0  }
0x68: {  	s26 =	sadd.s32 $0xD0, s17;
	[sflag:s19] =	ssyncadd.s32 $0xFFFFCC00  }
0x69: {  	[tilespmem:s23], [sflag:$0x1] =	stream.indirect.gather [hbm4b:s0+s22], $0x80, s26, s22, $0xb8;
	[tilespmem:$0x1EEA0] =	vst v63  }
0x6a: {  	_ =	swait.ge [sflag:s21], $0x3400  }
0x6b: {  	[sflag:s21] =	ssyncset.done $0x0  }
.Ltmp1:
0x6c: {  	s26 =	sadd.s32 $0x2778, s17;
	[sflag:s21] =	ssyncadd.s32 $0xFFFFCC00;
	(pc) =	sbr.rel @p1 .LBB2_4-.Ltmp1, $4  }
0x6d: {  	[spmem:s3] =	stream.indirect.scatter.add.f32 [tilespmem:s18], [sflag:$0x3], $0x80, s26, s22, $0xb8;
	[tilespmem:$0x1EEA0] =	vst v63  }
0x6e: {  	_ =	swait.ge [sflag:s19], $0x3400  }
0x6f: {  	[sflag:s19] =	ssyncset.done $0x0  }
0x70: {  	s17 =	sadd.s32 $0x138, s17;
	[sflag:s19] =	ssyncadd.s32 $0xFFFFCC00  }
0x71: {  	[tilespmem:s18], [sflag:$0x2] =	stream.indirect.gather [hbm4b:s0+s22], $0x80, s17, s22, $0xb8;
	[tilespmem:$0x1EEA0] =	vst v63  }
0x72: {  	_ =	swait.ge [sflag:s20], $0x3400  }
0x73: {  	[sflag:s20] =	ssyncset.done $0x0  }
0x74: {  	s2 =	simm.s32 $0x4D40;
	[sflag:s20] =	ssyncadd.s32 $0xFFFFCC00  }
0x75: {  	[spmem:s3] =	stream.indirect.scatter.add.f32 [tilespmem:s23], [sflag:$0x3], $0x80, s2, s22, $0xb8;
	[tilespmem:$0x1EEA0] =	vst v63  }
0x76: {  	_ =	swait.ge [sflag:s19], $0x3400  }
0x77: {  	[sflag:s19] =	ssyncset.done $0x0  }
0x78: {  	[sflag:s19] =	ssyncadd.s32 $0xFFFFCC00  }
0x79: {  	_ =	swait.ge [sflag:s21], $0x3400  }
0x7a: {  	[sflag:s21] =	ssyncset.done $0x0  }
0x7b: {  	[sflag:s21] =	ssyncadd.s32 $0xFFFFCC00  }
0x7c: {  	[spmem:s3] =	stream.indirect.scatter.add.f32 [tilespmem:s18], [sflag:$0x3], $0x80, s28, s22, $0xb8;
	[tilespmem:$0x1EEA0] =	vst v63  }
0x7d: {  	_ =	swait.ge [sflag:s19], $0x3400  }
0x7e: {  	[sflag:s19] =	ssyncset.done $0x0  }
0x7f: {  	[sflag:s19] =	ssyncadd.s32 $0xFFFFCC00  }
0x80: {  	[tilespmem:s23], [sflag:$0x1] =	stream.indirect.gather [hbm4b:s0+s29], $0x80, s30, s29, $0xb8;
	[tilespmem:$0x1EEA0] =	vst v63  }
0x81: {  	_ =	swait.ge [sflag:s20], $0x800  }
0x82: {  	[sflag:s20] =	ssyncset.done $0x0  }
0x83: {  	[sflag:s20] =	ssyncadd.s32 $0xFFFFF800  }
0x84: {  	[spmem:s3] =	stream.indirect.scatter.add.f32 [tilespmem:s23], [sflag:$0x3], $0x80, s31, s29, $0xb8;
	[tilespmem:$0x1EEA0] =	vst v63  }
0x85: {  	_ =	swait.ge [sflag:s19], $0x800  }
0x86: {  	s26 =	stileid.u32;
	[sflag:s19] =	ssyncset.done $0x0  }
0x87: {  	s2 =	sshll.u32 s26, $0x6;
	[sflag:s19] =	ssyncadd.s32 $0xFFFFF800  }
0x88: {  	s2 =	sor.u32 $0x1C03, s2;
	[bflag:$0x0] =	sbarrier.arrive $0xFFFF  }
0x89: {  	[hbm:s24], [sflag:s2] =	dma.local [spmem:s25], $0x2700  }
0x8a: {  	_ =	swait.ge [sflag:s19], $0x2700  }
0x8b: {  	s17 =	sadd.s32 @!p0 $0x27000, s10;
	s1 =	sadd.s32 $0x1, s1;
	[sflag:s19] =	ssyncset.done $0x0  }
0x8c: {  	p1 =	sne.s32 s1, s11;
	s26 =	sshrl.u32 @!p0 s9, $0x3;
	[sflag:s19] =	ssyncadd.s32 $0xFFFFD900  }
0x8d: {  	[hbm:s17], [sflag:s2] =	dma.local @!p0 [spmem:s26], $0x100  }
.Ltmp2:
0x8e: {  	_ = 	snop;
	(pc) =	sbr.rel @p1 .LBB2_1-.Ltmp2, $4  }
0x8f: {  	s2 =	simm.s32 @!p0 $0x3  }
0x90: {  	_ =	swait.ge @!p0 [sflag:s2], $0x100  }
0x91: {  	[sflag:s2] =	ssyncset.done @!p0 $0x0  }
0x92: {  	[sflag:s2] =	ssyncadd.s32 @!p0 $0xFFFFFF00  }
0x93: {  	_ =	sfence.sel $0x180000  }
0x94: {  	[bflag:$0x0] =	sbarrier.arrive $0xFFFF  }
0x95: {  	_ =	strace $0x9000004D  }
0x96: {  	[bflag:$0x2] =	sbarrier.arrive $0xFFFF  }
0x97: {  	s0 =	rddreg [dreg:$0x3]  }
0x98: {  	s0 =	sadd.s32 @!p0 $0x100000, s0  }
0x99: {  	[sflag:s0] =	ssyncadd.tile.s32 @!p0 $0x1;
	_ =	shalt  }
.Lfunc_end2:
_tile_overlayer_lowered:
.L_overlay_start_2:
0x9a: {  	(tag) =	ssettag $0x2  }
0x9b: {  	s0 =	rddreg [dreg:$0x0];
	s2 =	stileid.u32  }
0x9c: {  	s1 =	rddreg [dreg:$0x1];
	p0 =	sne.s32 s2, $0x0  }
0x9d: {  	s3 =	rddreg [dreg:$0x2];
	[bflag:$0x3] =	sbarrier.arrive $0xFFFF;
	s2 =	simm.s32 @!p0 $0x1C03  }
0x9e: {  	[timem:s3], [sflag:s2] =	dma.local @!p0 [hbm:s0], s1  }
0x9f: {  	s0 =	simm.s32 @!p0 $0x3  }
0xa0: {  	_ =	swait.ge @!p0 [sflag:s0], s1  }
0xa1: {  	s1 =	ssub.s32 @!p0 $0x0, s1;
	[sflag:s0] =	ssyncset.done @!p0 $0x0  }
0xa2: {  	[sflag:s0] =	ssyncadd.s32 @!p0 s1  }
0xa3: {  	[bflag:$0x3] =	sbarrier.arrive $0xFFFF  }
0xa4: {  	_ =	shalt  }

// kernel: kernel.19.cloned.1.call-start
scs
__scs_entry_jumppad:
0x0: {  	(pc) =	sbr.rel $0x88, $3  }
0x1: {  	(tag) =	ssettag $0x0;
	lr =	simm.s32 $0x1  }
0x2: {  	[smem:$0x3F91] =	sst lr;
	_ =	strace $0xD0000000  }
0x3: {  	_ = 	snop  }
0x4: {  	_ = 	snop  }
0x5: {  	_ = 	snop  }
0x6: {  	_ = 	snop  }
0x7: {  	_ = 	snop  }
__scs_overlays_trampoline_lowered:
0x8: {  	[smem:$0x3FA0] =	sst s0  }
0x9: {  	[smem:$0x3FA1] =	sst s1  }
0xa: {  	[smem:$0x3FA2] =	sst s2  }
0xb: {  	[smem:$0x3FA3] =	sst s3  }
0xc: {  	[smem:$0x3FA4] =	sst s4  }
0xd: {  	[smem:$0x3FA5] =	sst s5  }
0xe: {  	[smem:$0x3FA6] =	sst s6  }
0xf: {  	[smem:$0x3FA7] =	sst s7  }
0x10: {  	[smem:$0x3FA8] =	sst s8  }
0x11: {  	[smem:$0x3FA9] =	sst s9;
	s0 =	simm.s32 @!p0 $0x0  }
0x12: {  	s1 =	sld [smem:$0x3F8F];
	s0 =	simm.s32 @p0 $0x1  }
0x13: {  	[smem:$0x3FAA] =	sst s0;
	s0 =	simm.s32 @!p1 $0x0  }
0x14: {  	s2 =	sld [smem:$0x3F8E];
	s0 =	simm.s32 @p1 $0x1  }
0x15: {  	[smem:$0x3FAB] =	sst s0;
	s0 =	simm.s32 @!p2 $0x0  }
0x16: {  	s3 =	sld [smem:$0x3FDB];
	s0 =	simm.s32 @p2 $0x1  }
0x17: {  	s4 =	simm.s32 $0x1BF5;
	[smem:$0x3FAD] =	sst s0  }
0x18: {  	s0 =	sld [smem:$0x3F90];
	_ =	swait.ge [sflag:s4], $0x0  }
0x19: {  	s7 =	sld [smem:$0x3F91]  }
0x1a: {  	s8 =	sadd.s32 $0xFFFFE003, lr  }
0x1b: {  	s9 =	sadd.s32 $0xFFFFFEF7, lr;
	s5 =	simm.s32 $0xFFFFFFFF;
	p2 =	slt.u32 s8, $0xFFFFF086  }
0x1c: {  	p1 =	slt.u32 s9, $0xF7A;
	s5 =	simm.s32 @!p2 $0x0  }
0x1d: {  	s5 =	simm.s32 @p1 $0x1;
	p0 =	seq.s32 s7, s2  }
0x1e: {  	s7 =	smul.u32 @!p0 $0xF7A, s2;
	p2 =	seq.s32 @!p0 s5, $0x0  }
0x1f: {  	s9 =	smul.u32 $0xF7A, s1;
	s8 =	simm.s32 @!p0 $0x1BF5;
	p2 =	por !p2, p0  }
0x20: {  	[sflag:s8] =	ssyncset.s32 @!p0 $0xFFFFF086;
	s6 =	sadd.s32 @!p0 s3, s7;
	s7 =	simm.s32 @!p0 $0x108  }
0x21: {  	s3 =	sadd.s32 s3, s9;
	s6 =	sadd.s32 @!p0 $0x88, s6;
	s7 =	simm.s32 @p2 $0x1082  }
0x22: {  	[simem:s7], [sflag:s8] =	dma.local @!p0 [hbm:s6], $0xF7A  }
0x23: {  	s9 =	sor.u32 $0xD0000000, s2;
	s6 =	simm.s32 $0x108;
	_ =	swait.ge @!p0 [sflag:s8], $0x0  }
0x24: {  	s3 =	sadd.s32 $0x88, s3;
	s6 =	simm.s32 @!p1 $0x1082;
	[sflag:s4] =	ssyncset.s32 $0xFFFFF086  }
0x25: {  	[simem:s6], [sflag:s4] =	dma.local [hbm:s3], $0xF7A  }
0x26: {  	[smem:$0x3F91] =	sst s1;
	(tag) =	ssettag s2;
	_ =	strace s9  }
0x27: {  	s1 =	sld [smem:$0x3FA1]  }
0x28: {  	s2 =	sld [smem:$0x3FA2]  }
0x29: {  	s4 =	sld [smem:$0x3FA4]  }
0x2a: {  	p0 =	seq.s32 s5, $0x0;
	s5 =	sld [smem:$0x3FA5]  }
0x2b: {  	s6 =	sld [smem:$0x3FA6]  }
0x2c: {  	s7 =	sld [smem:$0x3FA7]  }
0x2d: {  	s3 =	simm.s32 $0x108;
	s8 =	sld [smem:$0x3FA8]  }
0x2e: {  	s3 =	simm.s32 @!p0 $0x1082;
	s9 =	sld [smem:$0x3FA9]  }
0x2f: {  	lr =	sadd.s32 s0, s3;
	s0 =	sld [smem:$0x3FA0]  }
0x30: {  	s3 =	sld [smem:$0x3FA3]  }
0x31: {  	[smem:$0x3FAC] =	sst s10  }
0x32: {  	s10 =	sld [smem:$0x3FAA];
	_ =	sdelay $0x3  }
0x33: {  	p0 =	seq.s32 s10, $0x1;
	s10 =	sld [smem:$0x3FAC];
	_ =	sdelay $0x3  }
0x34: {  	[smem:$0x3FAC] =	sst s10  }
0x35: {  	s10 =	sld [smem:$0x3FAB];
	_ =	sdelay $0x3  }
0x36: {  	p1 =	seq.s32 s10, $0x1;
	s10 =	sld [smem:$0x3FAC];
	_ =	sdelay $0x3  }
0x37: {  	[smem:$0x3FAC] =	sst s10  }
0x38: {  	s10 =	sld [smem:$0x3FAD]  }
0x39: {  	_ = 	snop;
	(pc) =	sbr.ind lr, $3  }
0x3a: {  	_ = 	snop  }
0x3b: {  	_ = 	snop  }
0x3c: {  	p2 =	seq.s32 s10, $0x1;
	s10 =	sld [smem:$0x3FAC]  }
0x3d: {  	_ =	shalt  }
0x3e: {  	_ =	shalt  }
0x3f: {  	_ =	shalt  }
0x40: {  	_ =	shalt  }
0x41: {  	_ =	shalt  }
0x42: {  	_ =	shalt  }
0x43: {  	_ =	shalt  }
0x44: {  	_ =	shalt  }
0x45: {  	_ =	shalt  }
0x46: {  	_ =	shalt  }
0x47: {  	_ =	shalt  }
0x48: {  	_ =	shalt  }
0x49: {  	_ =	shalt  }
0x4a: {  	_ =	shalt  }
0x4b: {  	_ =	shalt  }
0x4c: {  	_ =	shalt  }
0x4d: {  	_ =	shalt  }
0x4e: {  	_ =	shalt  }
0x4f: {  	_ =	shalt  }
0x50: {  	_ =	shalt  }
0x51: {  	_ =	shalt  }
0x52: {  	_ =	shalt  }
0x53: {  	_ =	shalt  }
0x54: {  	_ =	shalt  }
0x55: {  	_ =	shalt  }
0x56: {  	_ =	shalt  }
0x57: {  	_ =	shalt  }
0x58: {  	_ =	shalt  }
0x59: {  	_ =	shalt  }
0x5a: {  	_ =	shalt  }
0x5b: {  	_ =	shalt  }
0x5c: {  	_ =	shalt  }
0x5d: {  	_ =	shalt  }
0x5e: {  	_ =	shalt  }
0x5f: {  	_ =	shalt  }
0x60: {  	_ =	shalt  }
0x61: {  	_ =	shalt  }
0x62: {  	_ =	shalt  }
0x63: {  	_ =	shalt  }
0x64: {  	_ =	shalt  }
0x65: {  	_ =	shalt  }
0x66: {  	_ =	shalt  }
0x67: {  	_ =	shalt  }
0x68: {  	_ =	shalt  }
0x69: {  	_ =	shalt  }
0x6a: {  	_ =	shalt  }
0x6b: {  	_ =	shalt  }
0x6c: {  	_ =	shalt  }
0x6d: {  	_ =	shalt  }
0x6e: {  	_ =	shalt  }
0x6f: {  	_ =	shalt  }
0x70: {  	_ =	shalt  }
0x71: {  	_ =	shalt  }
0x72: {  	_ =	shalt  }
0x73: {  	_ =	shalt  }
0x74: {  	_ =	shalt  }
0x75: {  	_ =	shalt  }
0x76: {  	_ =	shalt  }
0x77: {  	_ =	shalt  }
0x78: {  	_ =	shalt  }
0x79: {  	_ =	shalt  }
0x7a: {  	_ =	shalt  }
0x7b: {  	_ =	shalt  }
0x7c: {  	_ =	shalt  }
0x7d: {  	_ =	shalt  }
0x7e: {  	_ =	shalt  }
0x7f: {  	_ =	shalt  }
0x80: {  	_ =	shalt  }
0x81: {  	_ =	shalt  }
0x82: {  	_ =	shalt  }
0x83: {  	_ =	shalt  }
0x84: {  	_ =	shalt  }
0x85: {  	_ =	shalt  }
0x86: {  	_ =	shalt  }
0x87: {  	_ =	shalt  }
.Lfunc_end0:
.L_simem_size_0:
called_computation.3_lowered:
.L_overlay_start_0:
0x88: {  	s2 =	sld [smem:$0x3FD9]  }
0x89: {  	s3 =	sld [smem:$0x3FFE];
	_ =	sdelay $0x1  }
0x8a: {  	s1 =	srdreg.scid  }
0x8b: {  	s0 =	sand.u32 $0x1, s1  }
0x8c: {  	s17 =	sshll.u32 s0, $0xA;
	s2 =	sadd.s32 s3, s2  }
0x8d: {  	s2 =	sadd.s32 s2, s17  }
0x8e: {  	[smem:$0x3FB8] =	sst s2  }
0x8f: {  	_ = 	snop  }
0x90: {  	s2 =	sld [smem:$0x3FD0];
	(tm) =	ssettm $0x1  }
0x91: {  	s18 =	sld [smem:$0x3FFB];
	_ =	sdelay $0x3  }
0x92: {  	_ =	strace s18  }
0x93: {  	s3 =	sld [smem:$0x3FFC];
	_ =	sdelay $0x3  }
0x94: {  	_ =	strace s3  }
0x95: {  	s3 =	sld [smem:$0x3FFD];
	_ =	sdelay $0x3  }
0x96: {  	_ =	strace s3  }
0x97: {  	_ =	strace $0x8FFFFFFF  }
0x98: {  	s19 =	sld [smem:$0x3FDB];
	_ =	sdelay $0x1  }
0x99: {  	s4 =	simm.s32 $_scs_section_size  }
0x9a: {  	s5 =	simm.s32 $_size__tile_overlayer_lowered;
	s6 =	simm.s32 $_tile_overlayer_lowered  }
0x9b: {  	s22 =	simm.s32 $0x1BFF;
	s21 =	sshll.u32 s6, $0x1;
	s3 =	sadd.s32 s4, s19  }
0x9c: {  	s7 =	simm.s32 $0x0;
	s20 =	sshll.u32 s5, $0x1;
	s5 =	sadd.s32 s21, s3  }
0x9d: {  	[timem:s7], [sflag:s22] =	dma.local [hbm:s5], s20  }
0x9e: {  	_ =	swait.ge [sflag:s22], s20  }
0x9f: {  	s4 =	ssub.s32 $0x0, s20;
	[sflag:s22] =	ssyncset.done $0x0  }
0xa0: {  	[sflag:s22] =	ssyncadd.s32 s4;
	_ =	sdelay $0x1  }
0xa1: {  	s23 =	simm.s32 $0x1B8B  }
0xa2: {  	_ =	swait.ge [sflag:s23], $0x1  }
0xa3: {  	[sflag:s23] =	ssyncset.done $0x0  }
0xa4: {  	s25 =	simm.s32 $0x1B8E;
	s24 =	sld [smem:$0x3FFE];
	[sflag:s23] =	ssyncadd.s32 $0xFFFFFFFF  }
0xa5: {  	s26 =	simm.s32 $execute0_lowered;
	[smem:$0x3FD2] =	sst s25  }
0xa6: {  	s5 =	sshll.u32 s26, $0x1;
	_ =	strace $0x8000004F;
	[dreg:$0x1] =	wrdreg $0xFFFFFFFF  }
0xa7: {  	s28 =	simm.s32 $_size_execute0_lowered;
	s3 =	sadd.s32 s3, s5;
	[dreg:$0x0] =	wrdreg $0x0  }
0xa8: {  	s5 =	sshll.u32 s28, $0x1;
	[dreg:$0x2] =	wrdreg s3  }
0xa9: {  	[dreg:$0x3] =	wrdreg s5  }
0xaa: {  	[dreg:$0x4] =	wrdreg $0xC0  }
0xab: {  	_ =	task [dreg:s7], $0x5FFFF  }
0xac: {  	[dreg:$0x1] =	wrdreg $0xFFFFFFFF  }
0xad: {  	[dreg:$0x0] =	wrdreg $0x60  }
0xae: {  	[dreg:$0x2] =	wrdreg s2  }
0xaf: {  	[dreg:$0x3] =	wrdreg s24  }
0xb0: {  	[dreg:$0x4] =	wrdreg $0xB6200  }
0xb1: {  	[dreg:$0x5] =	wrdreg $0x9  }
0xb2: {  	_ =	task.clear_ibuf [dreg:s7], $0x6FFFF;
	_ =	strace $0x9000004F  }
0xb3: {  	s29 =	simm.s32 $0x9;
	_ =	strace $0x80000051  }
0xb4: {  	_ =	swait.ge [sflag:s29], $0x1  }
0xb5: {  	[sflag:s29] =	ssyncadd.s32 $0xFFFFFFFF  }
0xb6: {  	_ =	strace $0x90000051  }
0xb7: {  	_ =	sfence  }
0xb8: {  	s30 =	sld [smem:$0x0];
	_ =	sdelay $0x2  }
0xb9: {  	s31 =	sshll.u32 s1, $0xD;
	s1 =	sshrl.u32 s1, $0x2  }
0xba: {  	s3 =	sand.u32 $0x4000, s31;
	s1 =	sadd.s32 s1, s30  }
0xbb: {  	s0 =	sor.u32 s3, s0;
	s1 =	sshll.u32 s1, $0x11  }
0xbc: {  	s0 =	sor.u32 s1, s0  }
0xbd: {  	s0 =	sadd.s32 $0x8F2B, s0  }
0xbe: {  	[sflag:s0] =	ssyncadd.remote.s32 $0x1  }
0xbf: {  	_ =	sfence.sel $0xFFFF  }
0xc0: {  	[dreg:$0x0] =	wrdreg $0xFFFFFFFF;
	(pc) =	sbr.abs _section_cstart, $3  }
0xc1: {  	[dreg:$0x1] =	wrdreg $0xFFFFFFFF  }
0xc2: {  	_ =	task.clear_ibuf [dreg:s7], $0x2FFFF;
	_ =	strace $0x9FFFFFFF  }
0xc3: {  	(tm) =	ssettm $0x7FFFFFFF  }
tec
execute0_lowered:
.L_overlay_start_1:
0x0: {  	(tag) =	ssettag $0x1  }
0x1: {  	s1 =	srdreg.scid;
	s0 =	rddreg [dreg:$0x0]  }
0x2: {  	s2 =	rddreg [dreg:$0x1];
	s18 =	stileid.u32  }
0x3: {  	s3 =	rddreg [dreg:$0x2];
	s19 =	simm.s32 $0x3;
	s20 =	simm.s32 $0x1  }
0x4: {  	s21 =	simm.s32 $0x2;
	s22 =	simm.s32 $0x68;
	s23 =	simm.s32 $0x4E20  }
0x5: {  	s28 =	simm.s32 $0x4DA8;
	s29 =	simm.s32 $0x10;
	s30 =	simm.s32 $0x2700  }
0x6: {  	s31 =	simm.s32 $0x4E10;
	s1 =	sand.u32 $0x1, s1;
	s7 =	smul.u32 $0x4E000, s18  }
0x7: {  	s11 =	smul.u32 $0x13800, s18;
	s9 =	sadd.s32 $0x138000, s3;
	p0 =	sne.s32 s18, $0x0  }
0x8: {  	s4 =	sshll.u32 s1, $0x4;
	s6 =	smul.u32 $0x27100, s1;
	s1 =	ssub.s32 $0x2, s1  }
0x9: {  	s5 =	sor.u32 s18, s4;
	s4 =	simm.s32 $0x0;
	s25 =	sshrl.u32 s1, $0x1  }
0xa: {  	s7 =	sshrl.u32 s7, $0x2;
	s26 =	sshrl.u32 s11, $0x3;
	s17 =	sadd.s32 s11, s3  }
0xb: {  	s18 =	simm.s32 $0x8220;
	s5 =	smul.u32 $0x4E2, s5;
	[smem:$0x7FF] =	sst s4  }
0xc: {  	s1 =	ssub.s32 s1, s25;
	s7 =	sadd.s32 s7, s3;
	s25 =	sshrl.u32 s17, $0x3  }
0xd: {  	_ =	strace $0x80000050;
	s11 =	smax.u32 s1, $0x1;
	s12 =	sadd.s32 $0x3000, s7  }
0xe: {  	s13 =	sadd.s32 $0x6000, s7;
	s14 =	sadd.s32 $0x9000, s7;
	s15 =	sadd.s32 $0xC000, s7  }
0xf: {  	s16 =	sadd.s32 $0xF000, s7;
	s8 =	sadd.s32 s5, s2;
	s2 =	sadd.s32 s6, s2  }
0x10: {  	s1 =	simm.s32 $0x0;
	s5 =	sadd.s32 $0x4600, s8;
	s10 =	sadd.s32 $0x66200, s2  }
0x11: {  	v0 =	vimm.f32 $0.0e+00;
	s6 =	sadd.s32 $0xE240, s8;
	s8 =	sadd.s32 $0x12000, s7;
	s24 =	sadd.s32 s26, s10  }
.LBB2_1:
0x12: {  	[tilespmem:s4], [sflag:$0x1] =	stream.linear.gather [hbm4b:s5+s4], $0x2710, $0x38;
	[tilespmem:$0x1EEA0] =	vst v63  }
0x13: {  	s2 =	simm.s32 $0x2710  }
0x14: {  	[tilespmem:s2], [sflag:$0x2] =	stream.linear.gather [hbm4b:s6+s4], $0x2710, $0x38;
	[tilespmem:$0x1EEA0] =	vst v63  }
0x15: {  	s17 =	simm.s32 $0x200;
	s2 =	simm.s32 $0x0  }
.LBB2_2:
0x16: {  	p1 =	sne.s32 s17, $0xBE00;
	[tilespmem:s2+$0x8290] =	vst v0  }
0x17: {  	[tilespmem:s2+$0x8220] =	vst v0  }
0x18: {  	[tilespmem:s2+$0x8230] =	vst v0  }
.Ltmp0:
0x19: {  	[tilespmem:s2+$0x8240] =	vst v0;
	(pc) =	sbr.rel @p1 .LBB2_2-.Ltmp0, $4  }
0x1a: {  	[tilespmem:s2+$0x8250] =	vst v0  }
0x1b: {  	[tilespmem:s2+$0x8260] =	vst v0  }
0x1c: {  	[tilespmem:s2+$0x8270] =	vst v0  }
0x1d: {  	[tilespmem:s2+$0x8280] =	vst v0;
	s2 =	sshra.s32 s17, $0x2;
	s17 =	sadd.s32 $0x200, s17  }
0x1e: {  	[tilespmem:s2+$0x8290] =	vst v0  }
0x1f: {  	[tilespmem:s2+$0x8220] =	vst v0  }
0x20: {  	[tilespmem:s2+$0x8230] =	vst v0  }
0x21: {  	[tilespmem:s2+$0x8240] =	vst v0  }
0x22: {  	[tilespmem:s2+$0x8250] =	vst v0  }
0x23: {  	[tilespmem:s2+$0x8260] =	vst v0  }
0x24: {  	[tilespmem:s2+$0x8270] =	vst v0  }
0x25: {  	[tilespmem:s2+$0x8280] =	vst v0  }
0x26: {  	[spmem:s7] =	stream.linear.scatter [tilespmem:s18], [sflag:$0x3], $0x3000, $0x38;
	[tilespmem:$0x1EEA0] =	vst v63  }
0x27: {  	_ =	swait.ge [sflag:s19], $0x3000  }
0x28: {  	[sflag:s19] =	ssyncset.done $0x0  }
0x29: {  	[sflag:s19] =	ssyncadd.s32 $0xFFFFD000  }
0x2a: {  	[spmem:s12] =	stream.linear.scatter [tilespmem:s18], [sflag:$0x3], $0x3000, $0x38;
	[tilespmem:$0x1EEA0] =	vst v63  }
0x2b: {  	_ =	swait.ge [sflag:s19], $0x3000  }
0x2c: {  	[sflag:s19] =	ssyncset.done $0x0  }
0x2d: {  	[sflag:s19] =	ssyncadd.s32 $0xFFFFD000  }
0x2e: {  	[spmem:s13] =	stream.linear.scatter [tilespmem:s18], [sflag:$0x3], $0x3000, $0x38;
	[tilespmem:$0x1EEA0] =	vst v63  }
0x2f: {  	_ =	swait.ge [sflag:s19], $0x3000  }
0x30: {  	[sflag:s19] =	ssyncset.done $0x0  }
0x31: {  	[sflag:s19] =	ssyncadd.s32 $0xFFFFD000  }
0x32: {  	[spmem:s14] =	stream.linear.scatter [tilespmem:s18], [sflag:$0x3], $0x3000, $0x38;
	[tilespmem:$0x1EEA0] =	vst v63  }
0x33: {  	_ =	swait.ge [sflag:s19], $0x3000  }
0x34: {  	[sflag:s19] =	ssyncset.done $0x0  }
0x35: {  	[sflag:s19] =	ssyncadd.s32 $0xFFFFD000  }
0x36: {  	[spmem:s15] =	stream.linear.scatter [tilespmem:s18], [sflag:$0x3], $0x3000, $0x38;
	[tilespmem:$0x1EEA0] =	vst v63  }
0x37: {  	_ =	swait.ge [sflag:s19], $0x3000  }
0x38: {  	[sflag:s19] =	ssyncset.done $0x0  }
0x39: {  	[sflag:s19] =	ssyncadd.s32 $0xFFFFD000  }
0x3a: {  	[spmem:s16] =	stream.linear.scatter [tilespmem:s18], [sflag:$0x3], $0x3000, $0x38;
	[tilespmem:$0x1EEA0] =	vst v63  }
0x3b: {  	_ =	swait.ge [sflag:s19], $0x3000  }
0x3c: {  	[sflag:s19] =	ssyncset.done $0x0  }
0x3d: {  	[sflag:s19] =	ssyncadd.s32 $0xFFFFD000  }
0x3e: {  	[spmem:s8] =	stream.linear.scatter [tilespmem:s18], [sflag:$0x3], $0x1800, $0x38;
	[tilespmem:$0x1EEA0] =	vst v63  }
0x3f: {  	_ =	swait.ge [sflag:s19], $0x1800  }
0x40: {  	[sflag:s19] =	ssyncset.done $0x0  }
0x41: {  	s2 =	simm.s32 @!p0 $0x8220;
	[sflag:s19] =	ssyncadd.s32 $0xFFFFE800  }
0x42: {  	[spmem:s9] =	stream.linear.scatter @!p0 [tilespmem:s2], [sflag:$0x3], $0x800, $0x38;
	[tilespmem:$0x1EEA0] =	vst v63  }
0x43: {  	s2 =	simm.s32 @!p0 $0x3  }
0x44: {  	_ =	swait.ge @!p0 [sflag:s2], $0x800  }
0x45: {  	[sflag:s2] =	ssyncset.done @!p0 $0x0  }
0x46: {  	[sflag:s2] =	ssyncadd.s32 @!p0 $0xFFFFF800  }
0x47: {  	_ =	swait.ge [sflag:s20], $0x2710  }
0x48: {  	[sflag:s20] =	ssyncset.done $0x0  }
0x49: {  	[sflag:s20] =	ssyncadd.s32 $0xFFFFD8F0  }
0x4a: {  	_ =	swait.ge [sflag:s21], $0x2710  }
0x4b: {  	[sflag:s21] =	ssyncset.done $0x0  }
0x4c: {  	[sflag:s21] =	ssyncadd.s32 $0xFFFFD8F0  }
0x4d: {  	s17 =	simm.s32 $0x0;
	[bflag:$0x0] =	sbarrier.arrive $0xFFFF  }
0x4e: {  	[tilespmem:s23], [sflag:$0x1] =	stream.indirect.gather [hbm4b:s0+s22], $0x80, s17, s22, $0xb8;
	[tilespmem:$0x1EEA0] =	vst v63  }
0x4f: {  	_ = 	snop  }
0x50: {  	[tilespmem:s18], [sflag:$0x2] =	stream.indirect.gather [hbm4b:s0+s22], $0x80, s22, s22, $0xb8;
	[tilespmem:$0x1EEA0] =	vst v63  }
0x51: {  	_ =	swait.ge [sflag:s20], $0x3400  }
0x52: {  	[sflag:s20] =	ssyncset.done $0x0  }
0x53: {  	s26 =	simm.s32 $0x2710;
	[sflag:s20] =	ssyncadd.s32 $0xFFFFCC00  }
0x54: {  	[spmem:s3] =	stream.indirect.scatter.add.f32 [tilespmem:s23], [sflag:$0x3], $0x80, s26, s22, $0xb8;
	[tilespmem:$0x1EEA0] =	vst v63  }
0x55: {  	_ =	swait.ge [sflag:s19], $0x3400  }
0x56: {  	[sflag:s19] =	ssyncset.done $0x0  }
0x57: {  	s17 =	simm.s32 $0xD0;
	[sflag:s19] =	ssyncadd.s32 $0xFFFFCC00  }
0x58: {  	[tilespmem:s23], [sflag:$0x1] =	stream.indirect.gather [hbm4b:s0+s22], $0x80, s17, s22, $0xb8;
	[tilespmem:$0x1EEA0] =	vst v63  }
0x59: {  	_ =	swait.ge [sflag:s21], $0x3400  }
0x5a: {  	[sflag:s21] =	ssyncset.done $0x0  }
0x5b: {  	s26 =	simm.s32 $0x2778;
	[sflag:s21] =	ssyncadd.s32 $0xFFFFCC00  }
0x5c: {  	[spmem:s3] =	stream.indirect.scatter.add.f32 [tilespmem:s18], [sflag:$0x3], $0x80, s26, s22, $0xb8;
	[tilespmem:$0x1EEA0] =	vst v63  }
0x5d: {  	_ =	swait.ge [sflag:s19], $0x3400  }
0x5e: {  	[sflag:s19] =	ssyncset.done $0x0  }
0x5f: {  	s2 =	simm.s32 $0x340;
	s17 =	simm.s32 $0x138;
	[sflag:s19] =	ssyncadd.s32 $0xFFFFCC00  }
.LBB2_4:
0x60: {  	[tilespmem:s18], [sflag:$0x2] =	stream.indirect.gather [hbm4b:s0+s22], $0x80, s17, s22, $0xb8;
	[tilespmem:$0x1EEA0] =	vst v63  }
0x61: {  	s17 =	smov.u32 s2  }
0x62: {  	p1 =	sne.s32 s2, $0x9580;
	s2 =	sadd.s32 $0x340, s2;
	_ =	swait.ge [sflag:s20], $0x3400  }
0x63: {  	s17 =	sshra.s32 s17, $0x2;
	[sflag:s20] =	ssyncset.done $0x0  }
0x64: {  	s26 =	sadd.s32 $0x2710, s17;
	[sflag:s20] =	ssyncadd.s32 $0xFFFFCC00  }
0x65: {  	[spmem:s3] =	stream.indirect.scatter.add.f32 [tilespmem:s23], [sflag:$0x3], $0x80, s26, s22, $0xb8;
	[tilespmem:$0x1EEA0] =	vst v63  }
0x66: {  	_ =	swait.ge [sflag:s19], $0x3400  }
0x67: {  	[sflag:s19] =	ssyncset.done $0x0  }
0x68: {  	s26 =	sadd.s32 $0xD0, s17;
	[sflag:s19] =	ssyncadd.s32 $0xFFFFCC00  }
0x69: {  	[tilespmem:s23], [sflag:$0x1] =	stream.indirect.gather [hbm4b:s0+s22], $0x80, s26, s22, $0xb8;
	[tilespmem:$0x1EEA0] =	vst v63  }
0x6a: {  	_ =	swait.ge [sflag:s21], $0x3400  }
0x6b: {  	[sflag:s21] =	ssyncset.done $0x0  }
.Ltmp1:
0x6c: {  	s26 =	sadd.s32 $0x2778, s17;
	[sflag:s21] =	ssyncadd.s32 $0xFFFFCC00;
	(pc) =	sbr.rel @p1 .LBB2_4-.Ltmp1, $4  }
0x6d: {  	[spmem:s3] =	stream.indirect.scatter.add.f32 [tilespmem:s18], [sflag:$0x3], $0x80, s26, s22, $0xb8;
	[tilespmem:$0x1EEA0] =	vst v63  }
0x6e: {  	_ =	swait.ge [sflag:s19], $0x3400  }
0x6f: {  	[sflag:s19] =	ssyncset.done $0x0  }
0x70: {  	s17 =	sadd.s32 $0x138, s17;
	[sflag:s19] =	ssyncadd.s32 $0xFFFFCC00  }
0x71: {  	[tilespmem:s18], [sflag:$0x2] =	stream.indirect.gather [hbm4b:s0+s22], $0x80, s17, s22, $0xb8;
	[tilespmem:$0x1EEA0] =	vst v63  }
0x72: {  	_ =	swait.ge [sflag:s20], $0x3400  }
0x73: {  	[sflag:s20] =	ssyncset.done $0x0  }
0x74: {  	s2 =	simm.s32 $0x4D40;
	[sflag:s20] =	ssyncadd.s32 $0xFFFFCC00  }
0x75: {  	[spmem:s3] =	stream.indirect.scatter.add.f32 [tilespmem:s23], [sflag:$0x3], $0x80, s2, s22, $0xb8;
	[tilespmem:$0x1EEA0] =	vst v63  }
0x76: {  	_ =	swait.ge [sflag:s19], $0x3400  }
0x77: {  	[sflag:s19] =	ssyncset.done $0x0  }
0x78: {  	[sflag:s19] =	ssyncadd.s32 $0xFFFFCC00  }
0x79: {  	_ =	swait.ge [sflag:s21], $0x3400  }
0x7a: {  	[sflag:s21] =	ssyncset.done $0x0  }
0x7b: {  	[sflag:s21] =	ssyncadd.s32 $0xFFFFCC00  }
0x7c: {  	[spmem:s3] =	stream.indirect.scatter.add.f32 [tilespmem:s18], [sflag:$0x3], $0x80, s28, s22, $0xb8;
	[tilespmem:$0x1EEA0] =	vst v63  }
0x7d: {  	_ =	swait.ge [sflag:s19], $0x3400  }
0x7e: {  	[sflag:s19] =	ssyncset.done $0x0  }
0x7f: {  	[sflag:s19] =	ssyncadd.s32 $0xFFFFCC00  }
0x80: {  	[tilespmem:s23], [sflag:$0x1] =	stream.indirect.gather [hbm4b:s0+s29], $0x80, s30, s29, $0xb8;
	[tilespmem:$0x1EEA0] =	vst v63  }
0x81: {  	_ =	swait.ge [sflag:s20], $0x800  }
0x82: {  	[sflag:s20] =	ssyncset.done $0x0  }
0x83: {  	[sflag:s20] =	ssyncadd.s32 $0xFFFFF800  }
0x84: {  	[spmem:s3] =	stream.indirect.scatter.add.f32 [tilespmem:s23], [sflag:$0x3], $0x80, s31, s29, $0xb8;
	[tilespmem:$0x1EEA0] =	vst v63  }
0x85: {  	_ =	swait.ge [sflag:s19], $0x800  }
0x86: {  	s26 =	stileid.u32;
	[sflag:s19] =	ssyncset.done $0x0  }
0x87: {  	s2 =	sshll.u32 s26, $0x6;
	[sflag:s19] =	ssyncadd.s32 $0xFFFFF800  }
0x88: {  	s2 =	sor.u32 $0x1C03, s2;
	[bflag:$0x0] =	sbarrier.arrive $0xFFFF  }
0x89: {  	[hbm:s24], [sflag:s2] =	dma.local [spmem:s25], $0x2700  }
0x8a: {  	_ =	swait.ge [sflag:s19], $0x2700  }
0x8b: {  	s17 =	sadd.s32 @!p0 $0x27000, s10;
	s1 =	sadd.s32 $0x1, s1;
	[sflag:s19] =	ssyncset.done $0x0  }
0x8c: {  	p1 =	sne.s32 s1, s11;
	s26 =	sshrl.u32 @!p0 s9, $0x3;
	[sflag:s19] =	ssyncadd.s32 $0xFFFFD900  }
0x8d: {  	[hbm:s17], [sflag:s2] =	dma.local @!p0 [spmem:s26], $0x100  }
.Ltmp2:
0x8e: {  	_ = 	snop;
	(pc) =	sbr.rel @p1 .LBB2_1-.Ltmp2, $4  }
0x8f: {  	s2 =	simm.s32 @!p0 $0x3  }
0x90: {  	_ =	swait.ge @!p0 [sflag:s2], $0x100  }
0x91: {  	[sflag:s2] =	ssyncset.done @!p0 $0x0  }
0x92: {  	[sflag:s2] =	ssyncadd.s32 @!p0 $0xFFFFFF00  }
0x93: {  	_ =	sfence.sel $0x180000  }
0x94: {  	[bflag:$0x0] =	sbarrier.arrive $0xFFFF  }
0x95: {  	_ =	strace $0x90000050  }
0x96: {  	[bflag:$0x2] =	sbarrier.arrive $0xFFFF  }
0x97: {  	s0 =	rddreg [dreg:$0x3]  }
0x98: {  	s0 =	sadd.s32 @!p0 $0x100000, s0  }
0x99: {  	[sflag:s0] =	ssyncadd.tile.s32 @!p0 $0x1;
	_ =	shalt  }
.Lfunc_end2:
_tile_overlayer_lowered:
.L_overlay_start_2:
0x9a: {  	(tag) =	ssettag $0x2  }
0x9b: {  	s0 =	rddreg [dreg:$0x0];
	s2 =	stileid.u32  }
0x9c: {  	s1 =	rddreg [dreg:$0x1];
	p0 =	sne.s32 s2, $0x0  }
0x9d: {  	s3 =	rddreg [dreg:$0x2];
	[bflag:$0x3] =	sbarrier.arrive $0xFFFF;
	s2 =	simm.s32 @!p0 $0x1C03  }
0x9e: {  	[timem:s3], [sflag:s2] =	dma.local @!p0 [hbm:s0], s1  }
0x9f: {  	s0 =	simm.s32 @!p0 $0x3  }
0xa0: {  	_ =	swait.ge @!p0 [sflag:s0], s1  }
0xa1: {  	s1 =	ssub.s32 @!p0 $0x0, s1;
	[sflag:s0] =	ssyncset.done @!p0 $0x0  }
0xa2: {  	[sflag:s0] =	ssyncadd.s32 @!p0 s1  }
0xa3: {  	[bflag:$0x3] =	sbarrier.arrive $0xFFFF  }
0xa4: {  	_ =	shalt  }

</sc_bundles>
